<compile_context>
chip_gen: v7x
topology: tpu7x:2x2x1
jax: 0.10.2.dev20260603
libtpu: 0.0.44.dev20260713+nightly
codegen_flags: <defaults>
</compile_context>

<pallas_src>
import functools

import jax
import jax.numpy as jnp
from jax import lax
from jax.experimental import pallas as pl
from jax.experimental.pallas import tpu as pltpu
from jax.experimental.pallas import tpu_sc as plsc

_IPNUM = 8192
_B = 16384
_D = 8
_NC = 2
_NS = 16
_NW = _NC * _NS
_BPW = _B // _NW
_CH = 128
_NCH = _BPW // _CH
_L = 16

_BS = 16384


def _make_sc_gather():
    mesh = plsc.VectorSubcoreMesh(core_axis_name="c", subcore_axis_name="s")

    @functools.partial(
        pl.kernel,
        mesh=mesh,
        compiler_params=pltpu.CompilerParams(use_tc_tiling_on_sc=False),
        out_type=jax.ShapeDtypeStruct((5, _B), jnp.float32),
        scratch_types=[
            pltpu.VMEM((_NCH, _CH), jnp.int32),
            pltpu.VMEM((5 * _NCH, _CH), jnp.int32),
            pltpu.VMEM((5, _BPW), jnp.float32),
            pltpu.SemaphoreType.DMA,
        ],
    )
    def sc_gather(tflat_hbm, idx_hbm, out_hbm, idx_v, idxc_v, rt_v, sem):
        wid = lax.axis_index("s") * _NC + lax.axis_index("c")
        base = wid * _BPW
        pltpu.sync_copy(idx_hbm.at[wid], idx_v)
        for j in range(_NCH):
            for k in range(_CH // _L):
                v = idx_v[j, pl.ds(k * _L, _L)]
                v5 = v * 5
                for c in range(5):
                    idxc_v[c * _NCH + j, pl.ds(k * _L, _L)] = v5 + c
        copies = [
            pltpu.async_copy(
                tflat_hbm.at[idxc_v.at[c * _NCH + j]],
                rt_v.at[c, pl.ds(j * _CH, _CH)],
                sem,
            )
            for c in range(5)
            for j in range(_NCH)
        ]
        for cp in copies:
            cp.wait()
        for c in range(5):
            pltpu.sync_copy(rt_v.at[c], out_hbm.at[c, pl.ds(base, _BPW)])

    return sc_gather


def _mlp_body(rows_ref, t1_ref, time_ref, e2t_ref, w1a_ref, w1b_ref,
              w1t_ref, b1_ref, w2t_ref, b2_ref, w3t_ref, b3_ref,
              w4t_ref, b4_ref, out_ref):
    f32 = jnp.float32
    xT = rows_ref[...]
    h = jnp.dot(w1a_ref[...], xT, preferred_element_type=f32)
    e2wT = jnp.dot(w1b_ref[...], e2t_ref[...],
                   preferred_element_type=f32)
    ohT = (lax.broadcasted_iota(jnp.int32, (21, 1), 0) == t1_ref[...]
           ).astype(f32)
    h = h + jnp.dot(e2wT, ohT, preferred_element_type=f32)
    h = h + jnp.dot(w1t_ref[...], time_ref[...], preferred_element_type=f32)
    x = jnp.tanh(h + b1_ref[...])
    x = jnp.tanh(jnp.dot(w2t_ref[...], x, preferred_element_type=f32)
                 + b2_ref[...])
    x = jnp.tanh(jnp.dot(w3t_ref[...], x, preferred_element_type=f32)
                 + b3_ref[...])
    x = jnp.tanh(jnp.dot(w4t_ref[...], x, preferred_element_type=f32)
                 + b4_ref[...])
    out_ref[...] = jax.nn.sigmoid(x)


def kernel(ipa, type1, time, emb1, emb2, W1, b1, W2, b2, W3, b3, W4, b4):
    f32 = jnp.float32
    idx = ipa.reshape(_NW, _NCH, _CH)
    rowsT = _make_sc_gather()(emb1.reshape(-1), idx)

    t1T = type1.reshape(1, _B)
    timeT = time.reshape(1, _B)
    w1a = W1[:5].T
    w1b = W1[5:10].T
    w1t = W1[10:11].T

    full = lambda a, b: pl.BlockSpec((a, b), lambda i: (0, 0))
    out = pl.pallas_call(
        _mlp_body,
        grid=(_B // _BS,),
        in_specs=[
            pl.BlockSpec((5, _BS), lambda i: (0, i)),
            pl.BlockSpec((1, _BS), lambda i: (0, i)),
            pl.BlockSpec((1, _BS), lambda i: (0, i)),
            full(5, 21),
            full(20, 5), full(20, 5), full(20, 1), full(20, 1),
            full(30, 20), full(30, 1),
            full(10, 30), full(10, 1),
            full(1, 10), full(1, 1),
        ],
        out_specs=pl.BlockSpec((1, _BS), lambda i: (0, i)),
        out_shape=jax.ShapeDtypeStruct((1, _B), f32),
    )(rowsT, t1T, timeT, emb2.T, w1a, w1b, w1t, b1.reshape(20, 1),
      W2.T, b2.reshape(30, 1), W3.T, b3.reshape(10, 1),
      W4.T, b4.reshape(1, 1))
    return out.reshape(_B, 1)

# --- scband reference (transcript-rebuilt; emitter-appended) ---
"""Pipeline reference for scband-deep-qn-76725295776235 (READ-ONLY COPY).

The authoritative reference and input builder live on the scoring server;
editing this copy changes nothing except your own understanding.
"""

import jax, jax.numpy as jnp
import numpy as np

IPNUM = 32 * 256  # 8192
DEVICE_CLASS_NUM = 20
BATCH = 16384


def setup_inputs(seed: int = 0) -> dict:
    key = jax.random.key(seed)
    ks = jax.random.split(key, 16)
    ipa = jax.random.randint(ks[0], (BATCH, 1), 0, IPNUM + 1, dtype=jnp.int64 if jax.config.jax_enable_x64 else jnp.int32).astype(jnp.int32)
    type1 = jax.random.randint(ks[1], (BATCH, 1), 0, DEVICE_CLASS_NUM + 1).astype(jnp.int32)
    time = jax.random.normal(ks[2], (BATCH, 1), dtype=jnp.float32)
    # learned params (torch default inits approximated with uniform/normal)
    emb1 = jax.random.normal(ks[3], (IPNUM + 1, 5), dtype=jnp.float32)
    emb2 = jax.random.normal(ks[4], (DEVICE_CLASS_NUM + 1, 5), dtype=jnp.float32)
    def linear(kw, kb, fan_in, fan_out):
        bound = 1.0 / np.sqrt(fan_in)
        W = jax.random.uniform(kw, (fan_in, fan_out), minval=-bound, maxval=bound, dtype=jnp.float32)
        b = jax.random.uniform(kb, (fan_out,), minval=-bound, maxval=bound, dtype=jnp.float32)
        return W, b
    W1, b1 = linear(ks[5], ks[6], 11, 20)
    W2, b2 = linear(ks[7], ks[8], 20, 30)
    W3, b3 = linear(ks[9], ks[10], 30, 10)
    W4, b4 = linear(ks[11], ks[12], 10, 1)
    return {"ipa": ipa, "type1": type1, "time": time,
            "emb1": emb1, "emb2": emb2,
            "W1": W1, "b1": b1, "W2": W2, "b2": b2,
            "W3": W3, "b3": b3, "W4": W4, "b4": b4}


def reference(ipa, type1, time, emb1, emb2, W1, b1, W2, b2, W3, b3, W4, b4):
    m1 = jnp.take(emb1, ipa, axis=0)          # [B, 1, 5]
    m2 = jnp.take(emb2, type1, axis=0)        # [B, 1, 5]
    m12 = jnp.concatenate((m1, m2), axis=2)   # [B, 1, 10]
    m12 = m12.reshape(m12.shape[0], -1)       # [B, 10]
    m123 = jnp.concatenate((m12, time), axis=1)  # [B, 11]
    x = jnp.tanh(m123 @ W1 + b1)
    x = jnp.tanh(x @ W2 + b2)
    x = jnp.tanh(x @ W3 + b3)
    x = jnp.tanh(x @ W4 + b4)
    return jax.nn.sigmoid(x)

if __name__ == "__main__":
    import jax
    _d = setup_inputs()
    print(jax.jit(kernel)(*tuple(_d.values())))

</pallas_src>

<mosaic_0001>
#map = affine_map<(d0, d1) -> (0)>
#map1 = affine_map<(d0, d1) -> (0, 0, 0)>
#map2 = affine_map<(d0, d1) -> (0, 0)>
module attributes {stable_mosaic.version = 14 : i64} {
  func.func @sc_gather(%arg0: i32, %arg1: i32, %arg2: memref<40965xf32, #tpu.memory_space<hbm>>, %arg3: memref<32x4x128xi32, #tpu.memory_space<hbm>>, %arg4: memref<5x16384xf32, #tpu.memory_space<hbm>>, %arg5: memref<4x128xi32, #tpu.memory_space<vmem>>, %arg6: memref<20x128xi32, #tpu.memory_space<vmem>>, %arg7: memref<5x512xf32, #tpu.memory_space<vmem>>, %arg8: memref<!tpu.dma_semaphore, #tpu.memory_space<semaphore_mem>>) attributes {dimension_semantics = [#tpu.dimension_semantics<core_parallel>, #tpu.dimension_semantics<subcore_parallel>], iteration_bounds = array<i64: 2, 16>, scalar_prefetch = 0 : i64, scratch_operands = 4 : i64, tpu.core_type = #tpu.core_type<sc_vector_subcore>, window_params = [{transform_indices = #map}, {transform_indices = #map1}, {transform_indices = #map2}]} {
    %mul3A = arith.constant 2 : i32
    %mul3A_0 = arith.muli %arg1, %mul3A : i32
    %add3A = arith.addi %mul3A_0, %arg0 : i32
    %mul3A_1 = arith.constant 512 : i32
    %mul3A_2 = arith.muli %add3A, %mul3A_1 : i32
    "tpu.region"() ({
      %run_scoped3A_2104 = tpu.sem_alloc : memref<!tpu.dma_semaphore, #tpu.memory_space<semaphore_mem>>
      %dma_start3A_2105 = arith.constant 0 : i32
      %dma_start3A_2106 = arith.constant 0 : i32
      %dma_start3A_2107 = tpu.memref_slice %arg3[%add3A, %dma_start3A_2105, %dma_start3A_2106] : memref<32x4x128xi32, #tpu.memory_space<hbm>> -> memref<1x4x128xi32, #tpu.memory_space<hbm>>
      %dma_start3A_2108 = tpu.memref_squeeze %dma_start3A_2107 : memref<1x4x128xi32, #tpu.memory_space<hbm>> -> memref<4x128xi32, #tpu.memory_space<hbm>>
      %dma_start3A_2109 = arith.constant 0 : i32
      %dma_start3A_2110 = arith.constant 0 : i32
      %dma_start3A_2111 = tpu.memref_slice %arg3[%add3A, %dma_start3A_2109, %dma_start3A_2110] : memref<32x4x128xi32, #tpu.memory_space<hbm>> -> memref<1x4x128xi32, #tpu.memory_space<hbm>>
      %dma_start3A_2112 = tpu.memref_squeeze %dma_start3A_2111 : memref<1x4x128xi32, #tpu.memory_space<hbm>> -> memref<4x128xi32, #tpu.memory_space<hbm>>
      tpu.enqueue_dma source(%dma_start3A_2112 : memref<4x128xi32, #tpu.memory_space<hbm>>) target(%arg5 : memref<4x128xi32, #tpu.memory_space<vmem>>) target_semaphore(%run_scoped3A_2104 : memref<!tpu.dma_semaphore, #tpu.memory_space<semaphore_mem>>)
      %dma_wait3A_2113 = arith.constant 0 : i32
      %dma_wait3A_2114 = arith.constant 0 : i32
      %dma_wait3A_2115 = tpu.memref_slice %arg3[%add3A, %dma_wait3A_2113, %dma_wait3A_2114] : memref<32x4x128xi32, #tpu.memory_space<hbm>> -> memref<1x4x128xi32, #tpu.memory_space<hbm>>
      %dma_wait3A_2116 = tpu.memref_squeeze %dma_wait3A_2115 : memref<1x4x128xi32, #tpu.memory_space<hbm>> -> memref<4x128xi32, #tpu.memory_space<hbm>>
      %dma_wait3A_2117 = arith.constant 0 : i32
      %dma_wait3A_2118 = arith.constant 0 : i32
      %dma_wait3A_2119 = tpu.memref_slice %arg3[%add3A, %dma_wait3A_2117, %dma_wait3A_2118] : memref<32x4x128xi32, #tpu.memory_space<hbm>> -> memref<1x4x128xi32, #tpu.memory_space<hbm>>
      %dma_wait3A_2120 = tpu.memref_squeeze %dma_wait3A_2119 : memref<1x4x128xi32, #tpu.memory_space<hbm>> -> memref<4x128xi32, #tpu.memory_space<hbm>>
      tpu.wait_dma2 semaphore(%run_scoped3A_2104 : memref<!tpu.dma_semaphore, #tpu.memory_space<semaphore_mem>>) src(%dma_wait3A_2120 : memref<4x128xi32, #tpu.memory_space<hbm>>) dst(%arg5 : memref<4x128xi32, #tpu.memory_space<vmem>>)
      tpu.yield
    }) : () -> ()
    %get3A = arith.constant 0 : i32
    %get3A_3 = arith.index_cast %get3A : i32 to index
    %get3A_4 = arith.constant 0 : index
    %get3A_5 = tpu.vector_load %arg5[%get3A_3, %get3A_4] {strides = array<i32>} : memref<4x128xi32, #tpu.memory_space<vmem>>, vector<1x16xi32>,
    %get3A_6 = vector.shape_cast %get3A_5 : vector<1x16xi32> to vector<16xi32>
    %mul3A_7 = arith.constant 5 : i32
    %mul3A_8 = vector.broadcast %mul3A_7 : i32 to vector<16xi32>
    %mul3A_9 = arith.muli %get3A_6, %mul3A_8 : vector<16xi32>
    %add3A_10 = arith.constant 0 : i32
    %add3A_11 = vector.broadcast %add3A_10 : i32 to vector<16xi32>
    %add3A_12 = arith.addi %mul3A_9, %add3A_11 : vector<16xi32>
    %swap3A = arith.constant 0 : i32
    %swap3A_13 = arith.index_cast %swap3A : i32 to index
    %swap3A_14 = arith.constant 0 : index
    %swap3A_15 = tpu.vector_load %arg6[%swap3A_13, %swap3A_14] {strides = array<i32>} : memref<20x128xi32, #tpu.memory_space<vmem>>, vector<1x16xi32>,
    %swap3A_16 = vector.shape_cast %swap3A_15 : vector<1x16xi32> to vector<16xi32>
    %swap3A_17 = vector.shape_cast %add3A_12 : vector<16xi32> to vector<1x16xi32>
    tpu.vector_store %arg6[%swap3A_13, %swap3A_14], %swap3A_17 {strides = array<i32>} : memref<20x128xi32, #tpu.memory_space<vmem>>, vector<1x16xi32>,
    %add3A_18 = arith.constant 1 : i32
    %add3A_19 = vector.broadcast %add3A_18 : i32 to vector<16xi32>
    %add3A_20 = arith.addi %mul3A_9, %add3A_19 : vector<16xi32>
    %swap3A_21 = arith.constant 4 : i32
    %swap3A_22 = arith.index_cast %swap3A_21 : i32 to index
    %swap3A_23 = arith.constant 0 : index
    %swap3A_24 = tpu.vector_load %arg6[%swap3A_22, %swap3A_23] {strides = array<i32>} : memref<20x128xi32, #tpu.memory_space<vmem>>, vector<1x16xi32>,
    %swap3A_25 = vector.shape_cast %swap3A_24 : vector<1x16xi32> to vector<16xi32>
    %swap3A_26 = vector.shape_cast %add3A_20 : vector<16xi32> to vector<1x16xi32>
    tpu.vector_store %arg6[%swap3A_22, %swap3A_23], %swap3A_26 {strides = array<i32>} : memref<20x128xi32, #tpu.memory_space<vmem>>, vector<1x16xi32>,
    %add3A_27 = arith.constant 2 : i32
    %add3A_28 = vector.broadcast %add3A_27 : i32 to vector<16xi32>
    %add3A_29 = arith.addi %mul3A_9, %add3A_28 : vector<16xi32>
    %swap3A_30 = arith.constant 8 : i32
    %swap3A_31 = arith.index_cast %swap3A_30 : i32 to index
    %swap3A_32 = arith.constant 0 : index
    %swap3A_33 = tpu.vector_load %arg6[%swap3A_31, %swap3A_32] {strides = array<i32>} : memref<20x128xi32, #tpu.memory_space<vmem>>, vector<1x16xi32>,
    %swap3A_34 = vector.shape_cast %swap3A_33 : vector<1x16xi32> to vector<16xi32>
    %swap3A_35 = vector.shape_cast %add3A_29 : vector<16xi32> to vector<1x16xi32>
    tpu.vector_store %arg6[%swap3A_31, %swap3A_32], %swap3A_35 {strides = array<i32>} : memref<20x128xi32, #tpu.memory_space<vmem>>, vector<1x16xi32>,
    %add3A_36 = arith.constant 3 : i32
    %add3A_37 = vector.broadcast %add3A_36 : i32 to vector<16xi32>
    %add3A_38 = arith.addi %mul3A_9, %add3A_37 : vector<16xi32>
    %swap3A_39 = arith.constant 12 : i32
    %swap3A_40 = arith.index_cast %swap3A_39 : i32 to index
    %swap3A_41 = arith.constant 0 : index
    %swap3A_42 = tpu.vector_load %arg6[%swap3A_40, %swap3A_41] {strides = array<i32>} : memref<20x128xi32, #tpu.memory_space<vmem>>, vector<1x16xi32>,
    %swap3A_43 = vector.shape_cast %swap3A_42 : vector<1x16xi32> to vector<16xi32>
    %swap3A_44 = vector.shape_cast %add3A_38 : vector<16xi32> to vector<1x16xi32>
    tpu.vector_store %arg6[%swap3A_40, %swap3A_41], %swap3A_44 {strides = array<i32>} : memref<20x128xi32, #tpu.memory_space<vmem>>, vector<1x16xi32>,
    %add3A_45 = arith.constant 4 : i32
    %add3A_46 = vector.broadcast %add3A_45 : i32 to vector<16xi32>
    %add3A_47 = arith.addi %mul3A_9, %add3A_46 : vector<16xi32>
    %swap3A_48 = arith.constant 16 : i32
    %swap3A_49 = arith.index_cast %swap3A_48 : i32 to index
    %swap3A_50 = arith.constant 0 : index
    %swap3A_51 = tpu.vector_load %arg6[%swap3A_49, %swap3A_50] {strides = array<i32>} : memref<20x128xi32, #tpu.memory_space<vmem>>, vector<1x16xi32>,
    %swap3A_52 = vector.shape_cast %swap3A_51 : vector<1x16xi32> to vector<16xi32>
    %swap3A_53 = vector.shape_cast %add3A_47 : vector<16xi32> to vector<1x16xi32>
    tpu.vector_store %arg6[%swap3A_49, %swap3A_50], %swap3A_53 {strides = array<i32>} : memref<20x128xi32, #tpu.memory_space<vmem>>, vector<1x16xi32>,
    %get3A_54 = arith.constant 0 : i32
    %get3A_55 = arith.index_cast %get3A_54 : i32 to index
    %get3A_56 = arith.constant 16 : index
    %get3A_57 = tpu.vector_load %arg5[%get3A_55, %get3A_56] {strides = array<i32>} : memref<4x128xi32, #tpu.memory_space<vmem>>, vector<1x16xi32>,
    %get3A_58 = vector.shape_cast %get3A_57 : vector<1x16xi32> to vector<16xi32>
    %mul3A_59 = arith.constant 5 : i32
    %mul3A_60 = vector.broadcast %mul3A_59 : i32 to vector<16xi32>
    %mul3A_61 = arith.muli %get3A_58, %mul3A_60 : vector<16xi32>
    %add3A_62 = arith.constant 0 : i32
    %add3A_63 = vector.broadcast %add3A_62 : i32 to vector<16xi32>
    %add3A_64 = arith.addi %mul3A_61, %add3A_63 : vector<16xi32>
    %swap3A_65 = arith.constant 0 : i32
    %swap3A_66 = arith.index_cast %swap3A_65 : i32 to index
    %swap3A_67 = arith.constant 16 : index
    %swap3A_68 = tpu.vector_load %arg6[%swap3A_66, %swap3A_67] {strides = array<i32>} : memref<20x128xi32, #tpu.memory_space<vmem>>, vector<1x16xi32>,
    %swap3A_69 = vector.shape_cast %swap3A_68 : vector<1x16xi32> to vector<16xi32>
    %swap3A_70 = vector.shape_cast %add3A_64 : vector<16xi32> to vector<1x16xi32>
    tpu.vector_store %arg6[%swap3A_66, %swap3A_67], %swap3A_70 {strides = array<i32>} : memref<20x128xi32, #tpu.memory_space<vmem>>, vector<1x16xi32>,
    %add3A_71 = arith.constant 1 : i32
    %add3A_72 = vector.broadcast %add3A_71 : i32 to vector<16xi32>
    %add3A_73 = arith.addi %mul3A_61, %add3A_72 : vector<16xi32>
    %swap3A_74 = arith.constant 4 : i32
    %swap3A_75 = arith.index_cast %swap3A_74 : i32 to index
    %swap3A_76 = arith.constant 16 : index
    %swap3A_77 = tpu.vector_load %arg6[%swap3A_75, %swap3A_76] {strides = array<i32>} : memref<20x128xi32, #tpu.memory_space<vmem>>, vector<1x16xi32>,
    %swap3A_78 = vector.shape_cast %swap3A_77 : vector<1x16xi32> to vector<16xi32>
    %swap3A_79 = vector.shape_cast %add3A_73 : vector<16xi32> to vector<1x16xi32>
    tpu.vector_store %arg6[%swap3A_75, %swap3A_76], %swap3A_79 {strides = array<i32>} : memref<20x128xi32, #tpu.memory_space<vmem>>, vector<1x16xi32>,
    %add3A_80 = arith.constant 2 : i32
    %add3A_81 = vector.broadcast %add3A_80 : i32 to vector<16xi32>
    %add3A_82 = arith.addi %mul3A_61, %add3A_81 : vector<16xi32>
    %swap3A_83 = arith.constant 8 : i32
    %swap3A_84 = arith.index_cast %swap3A_83 : i32 to index
    %swap3A_85 = arith.constant 16 : index
    %swap3A_86 = tpu.vector_load %arg6[%swap3A_84, %swap3A_85] {strides = array<i32>} : memref<20x128xi32, #tpu.memory_space<vmem>>, vector<1x16xi32>,
    %swap3A_87 = vector.shape_cast %swap3A_86 : vector<1x16xi32> to vector<16xi32>
    %swap3A_88 = vector.shape_cast %add3A_82 : vector<16xi32> to vector<1x16xi32>
    tpu.vector_store %arg6[%swap3A_84, %swap3A_85], %swap3A_88 {strides = array<i32>} : memref<20x128xi32, #tpu.memory_space<vmem>>, vector<1x16xi32>,
    %add3A_89 = arith.constant 3 : i32
    %add3A_90 = vector.broadcast %add3A_89 : i32 to vector<16xi32>
    %add3A_91 = arith.addi %mul3A_61, %add3A_90 : vector<16xi32>
    %swap3A_92 = arith.constant 12 : i32
    %swap3A_93 = arith.index_cast %swap3A_92 : i32 to index
    %swap3A_94 = arith.constant 16 : index
    %swap3A_95 = tpu.vector_load %arg6[%swap3A_93, %swap3A_94] {strides = array<i32>} : memref<20x128xi32, #tpu.memory_space<vmem>>, vector<1x16xi32>,
    %swap3A_96 = vector.shape_cast %swap3A_95 : vector<1x16xi32> to vector<16xi32>
    %swap3A_97 = vector.shape_cast %add3A_91 : vector<16xi32> to vector<1x16xi32>
    tpu.vector_store %arg6[%swap3A_93, %swap3A_94], %swap3A_97 {strides = array<i32>} : memref<20x128xi32, #tpu.memory_space<vmem>>, vector<1x16xi32>,
    %add3A_98 = arith.constant 4 : i32
    %add3A_99 = vector.broadcast %add3A_98 : i32 to vector<16xi32>
    %add3A_100 = arith.addi %mul3A_61, %add3A_99 : vector<16xi32>
    %swap3A_101 = arith.constant 16 : i32
    %swap3A_102 = arith.index_cast %swap3A_101 : i32 to index
    %swap3A_103 = arith.constant 16 : index
    %swap3A_104 = tpu.vector_load %arg6[%swap3A_102, %swap3A_103] {strides = array<i32>} : memref<20x128xi32, #tpu.memory_space<vmem>>, vector<1x16xi32>,
    %swap3A_105 = vector.shape_cast %swap3A_104 : vector<1x16xi32> to vector<16xi32>
    %swap3A_106 = vector.shape_cast %add3A_100 : vector<16xi32> to vector<1x16xi32>
    tpu.vector_store %arg6[%swap3A_102, %swap3A_103], %swap3A_106 {strides = array<i32>} : memref<20x128xi32, #tpu.memory_space<vmem>>, vector<1x16xi32>,
    %get3A_107 = arith.constant 0 : i32
    %get3A_108 = arith.index_cast %get3A_107 : i32 to index
    %get3A_109 = arith.constant 32 : index
    %get3A_110 = tpu.vector_load %arg5[%get3A_108, %get3A_109] {strides = array<i32>} : memref<4x128xi32, #tpu.memory_space<vmem>>, vector<1x16xi32>,
    %get3A_111 = vector.shape_cast %get3A_110 : vector<1x16xi32> to vector<16xi32>
    %mul3A_112 = arith.constant 5 : i32
    %mul3A_113 = vector.broadcast %mul3A_112 : i32 to vector<16xi32>
    %mul3A_114 = arith.muli %get3A_111, %mul3A_113 : vector<16xi32>
    %add3A_115 = arith.constant 0 : i32
    %add3A_116 = vector.broadcast %add3A_115 : i32 to vector<16xi32>
    %add3A_117 = arith.addi %mul3A_114, %add3A_116 : vector<16xi32>
    %swap3A_118 = arith.constant 0 : i32
    %swap3A_119 = arith.index_cast %swap3A_118 : i32 to index
    %swap3A_120 = arith.constant 32 : index
    %swap3A_121 = tpu.vector_load %arg6[%swap3A_119, %swap3A_120] {strides = array<i32>} : memref<20x128xi32, #tpu.memory_space<vmem>>, vector<1x16xi32>,
    %swap3A_122 = vector.shape_cast %swap3A_121 : vector<1x16xi32> to vector<16xi32>
    %swap3A_123 = vector.shape_cast %add3A_117 : vector<16xi32> to vector<1x16xi32>
    tpu.vector_store %arg6[%swap3A_119, %swap3A_120], %swap3A_123 {strides = array<i32>} : memref<20x128xi32, #tpu.memory_space<vmem>>, vector<1x16xi32>,
    %add3A_124 = arith.constant 1 : i32
    %add3A_125 = vector.broadcast %add3A_124 : i32 to vector<16xi32>
    %add3A_126 = arith.addi %mul3A_114, %add3A_125 : vector<16xi32>
    %swap3A_127 = arith.constant 4 : i32
    %swap3A_128 = arith.index_cast %swap3A_127 : i32 to index
    %swap3A_129 = arith.constant 32 : index
    %swap3A_130 = tpu.vector_load %arg6[%swap3A_128, %swap3A_129] {strides = array<i32>} : memref<20x128xi32, #tpu.memory_space<vmem>>, vector<1x16xi32>,
    %swap3A_131 = vector.shape_cast %swap3A_130 : vector<1x16xi32> to vector<16xi32>
    %swap3A_132 = vector.shape_cast %add3A_126 : vector<16xi32> to vector<1x16xi32>
    tpu.vector_store %arg6[%swap3A_128, %swap3A_129], %swap3A_132 {strides = array<i32>} : memref<20x128xi32, #tpu.memory_space<vmem>>, vector<1x16xi32>,
    %add3A_133 = arith.constant 2 : i32
    %add3A_134 = vector.broadcast %add3A_133 : i32 to vector<16xi32>
    %add3A_135 = arith.addi %mul3A_114, %add3A_134 : vector<16xi32>
    %swap3A_136 = arith.constant 8 : i32
    %swap3A_137 = arith.index_cast %swap3A_136 : i32 to index
    %swap3A_138 = arith.constant 32 : index
    %swap3A_139 = tpu.vector_load %arg6[%swap3A_137, %swap3A_138] {strides = array<i32>} : memref<20x128xi32, #tpu.memory_space<vmem>>, vector<1x16xi32>,
    %swap3A_140 = vector.shape_cast %swap3A_139 : vector<1x16xi32> to vector<16xi32>
    %swap3A_141 = vector.shape_cast %add3A_135 : vector<16xi32> to vector<1x16xi32>
    tpu.vector_store %arg6[%swap3A_137, %swap3A_138], %swap3A_141 {strides = array<i32>} : memref<20x128xi32, #tpu.memory_space<vmem>>, vector<1x16xi32>,
    %add3A_142 = arith.constant 3 : i32
    %add3A_143 = vector.broadcast %add3A_142 : i32 to vector<16xi32>
    %add3A_144 = arith.addi %mul3A_114, %add3A_143 : vector<16xi32>
    %swap3A_145 = arith.constant 12 : i32
    %swap3A_146 = arith.index_cast %swap3A_145 : i32 to index
    %swap3A_147 = arith.constant 32 : index
    %swap3A_148 = tpu.vector_load %arg6[%swap3A_146, %swap3A_147] {strides = array<i32>} : memref<20x128xi32, #tpu.memory_space<vmem>>, vector<1x16xi32>,
    %swap3A_149 = vector.shape_cast %swap3A_148 : vector<1x16xi32> to vector<16xi32>
    %swap3A_150 = vector.shape_cast %add3A_144 : vector<16xi32> to vector<1x16xi32>
    tpu.vector_store %arg6[%swap3A_146, %swap3A_147], %swap3A_150 {strides = array<i32>} : memref<20x128xi32, #tpu.memory_space<vmem>>, vector<1x16xi32>,
    %add3A_151 = arith.constant 4 : i32
    %add3A_152 = vector.broadcast %add3A_151 : i32 to vector<16xi32>
    %add3A_153 = arith.addi %mul3A_114, %add3A_152 : vector<16xi32>
    %swap3A_154 = arith.constant 16 : i32
    %swap3A_155 = arith.index_cast %swap3A_154 : i32 to index
    %swap3A_156 = arith.constant 32 : index
    %swap3A_157 = tpu.vector_load %arg6[%swap3A_155, %swap3A_156] {strides = array<i32>} : memref<20x128xi32, #tpu.memory_space<vmem>>, vector<1x16xi32>,
    %swap3A_158 = vector.shape_cast %swap3A_157 : vector<1x16xi32> to vector<16xi32>
    %swap3A_159 = vector.shape_cast %add3A_153 : vector<16xi32> to vector<1x16xi32>
    tpu.vector_store %arg6[%swap3A_155, %swap3A_156], %swap3A_159 {strides = array<i32>} : memref<20x128xi32, #tpu.memory_space<vmem>>, vector<1x16xi32>,
    %get3A_160 = arith.constant 0 : i32
    %get3A_161 = arith.index_cast %get3A_160 : i32 to index
    %get3A_162 = arith.constant 48 : index
    %get3A_163 = tpu.vector_load %arg5[%get3A_161, %get3A_162] {strides = array<i32>} : memref<4x128xi32, #tpu.memory_space<vmem>>, vector<1x16xi32>,
    %get3A_164 = vector.shape_cast %get3A_163 : vector<1x16xi32> to vector<16xi32>
    %mul3A_165 = arith.constant 5 : i32
    %mul3A_166 = vector.broadcast %mul3A_165 : i32 to vector<16xi32>
    %mul3A_167 = arith.muli %get3A_164, %mul3A_166 : vector<16xi32>
    %add3A_168 = arith.constant 0 : i32
    %add3A_169 = vector.broadcast %add3A_168 : i32 to vector<16xi32>
    %add3A_170 = arith.addi %mul3A_167, %add3A_169 : vector<16xi32>
    %swap3A_171 = arith.constant 0 : i32
    %swap3A_172 = arith.index_cast %swap3A_171 : i32 to index
    %swap3A_173 = arith.constant 48 : index
    %swap3A_174 = tpu.vector_load %arg6[%swap3A_172, %swap3A_173] {strides = array<i32>} : memref<20x128xi32, #tpu.memory_space<vmem>>, vector<1x16xi32>,
    %swap3A_175 = vector.shape_cast %swap3A_174 : vector<1x16xi32> to vector<16xi32>
    %swap3A_176 = vector.shape_cast %add3A_170 : vector<16xi32> to vector<1x16xi32>
    tpu.vector_store %arg6[%swap3A_172, %swap3A_173], %swap3A_176 {strides = array<i32>} : memref<20x128xi32, #tpu.memory_space<vmem>>, vector<1x16xi32>,
    %add3A_177 = arith.constant 1 : i32
    %add3A_178 = vector.broadcast %add3A_177 : i32 to vector<16xi32>
    %add3A_179 = arith.addi %mul3A_167, %add3A_178 : vector<16xi32>
    %swap3A_180 = arith.constant 4 : i32
    %swap3A_181 = arith.index_cast %swap3A_180 : i32 to index
    %swap3A_182 = arith.constant 48 : index
    %swap3A_183 = tpu.vector_load %arg6[%swap3A_181, %swap3A_182] {strides = array<i32>} : memref<20x128xi32, #tpu.memory_space<vmem>>, vector<1x16xi32>,
    %swap3A_184 = vector.shape_cast %swap3A_183 : vector<1x16xi32> to vector<16xi32>
    %swap3A_185 = vector.shape_cast %add3A_179 : vector<16xi32> to vector<1x16xi32>
    tpu.vector_store %arg6[%swap3A_181, %swap3A_182], %swap3A_185 {strides = array<i32>} : memref<20x128xi32, #tpu.memory_space<vmem>>, vector<1x16xi32>,
    %add3A_186 = arith.constant 2 : i32
    %add3A_187 = vector.broadcast %add3A_186 : i32 to vector<16xi32>
    %add3A_188 = arith.addi %mul3A_167, %add3A_187 : vector<16xi32>
    %swap3A_189 = arith.constant 8 : i32
    %swap3A_190 = arith.index_cast %swap3A_189 : i32 to index
    %swap3A_191 = arith.constant 48 : index
    %swap3A_192 = tpu.vector_load %arg6[%swap3A_190, %swap3A_191] {strides = array<i32>} : memref<20x128xi32, #tpu.memory_space<vmem>>, vector<1x16xi32>,
    %swap3A_193 = vector.shape_cast %swap3A_192 : vector<1x16xi32> to vector<16xi32>
    %swap3A_194 = vector.shape_cast %add3A_188 : vector<16xi32> to vector<1x16xi32>
    tpu.vector_store %arg6[%swap3A_190, %swap3A_191], %swap3A_194 {strides = array<i32>} : memref<20x128xi32, #tpu.memory_space<vmem>>, vector<1x16xi32>,
    %add3A_195 = arith.constant 3 : i32
    %add3A_196 = vector.broadcast %add3A_195 : i32 to vector<16xi32>
    %add3A_197 = arith.addi %mul3A_167, %add3A_196 : vector<16xi32>
    %swap3A_198 = arith.constant 12 : i32
    %swap3A_199 = arith.index_cast %swap3A_198 : i32 to index
    %swap3A_200 = arith.constant 48 : index
    %swap3A_201 = tpu.vector_load %arg6[%swap3A_199, %swap3A_200] {strides = array<i32>} : memref<20x128xi32, #tpu.memory_space<vmem>>, vector<1x16xi32>,
    %swap3A_202 = vector.shape_cast %swap3A_201 : vector<1x16xi32> to vector<16xi32>
    %swap3A_203 = vector.shape_cast %add3A_197 : vector<16xi32> to vector<1x16xi32>
    tpu.vector_store %arg6[%swap3A_199, %swap3A_200], %swap3A_203 {strides = array<i32>} : memref<20x128xi32, #tpu.memory_space<vmem>>, vector<1x16xi32>,
    %add3A_204 = arith.constant 4 : i32
    %add3A_205 = vector.broadcast %add3A_204 : i32 to vector<16xi32>
    %add3A_206 = arith.addi %mul3A_167, %add3A_205 : vector<16xi32>
    %swap3A_207 = arith.constant 16 : i32
    %swap3A_208 = arith.index_cast %swap3A_207 : i32 to index
    %swap3A_209 = arith.constant 48 : index
    %swap3A_210 = tpu.vector_load %arg6[%swap3A_208, %swap3A_209] {strides = array<i32>} : memref<20x128xi32, #tpu.memory_space<vmem>>, vector<1x16xi32>,
    %swap3A_211 = vector.shape_cast %swap3A_210 : vector<1x16xi32> to vector<16xi32>
    %swap3A_212 = vector.shape_cast %add3A_206 : vector<16xi32> to vector<1x16xi32>
    tpu.vector_store %arg6[%swap3A_208, %swap3A_209], %swap3A_212 {strides = array<i32>} : memref<20x128xi32, #tpu.memory_space<vmem>>, vector<1x16xi32>,
    %get3A_213 = arith.constant 0 : i32
    %get3A_214 = arith.index_cast %get3A_213 : i32 to index
    %get3A_215 = arith.constant 64 : index
    %get3A_216 = tpu.vector_load %arg5[%get3A_214, %get3A_215] {strides = array<i32>} : memref<4x128xi32, #tpu.memory_space<vmem>>, vector<1x16xi32>,
    %get3A_217 = vector.shape_cast %get3A_216 : vector<1x16xi32> to vector<16xi32>
    %mul3A_218 = arith.constant 5 : i32
    %mul3A_219 = vector.broadcast %mul3A_218 : i32 to vector<16xi32>
    %mul3A_220 = arith.muli %get3A_217, %mul3A_219 : vector<16xi32>
    %add3A_221 = arith.constant 0 : i32
    %add3A_222 = vector.broadcast %add3A_221 : i32 to vector<16xi32>
    %add3A_223 = arith.addi %mul3A_220, %add3A_222 : vector<16xi32>
    %swap3A_224 = arith.constant 0 : i32
    %swap3A_225 = arith.index_cast %swap3A_224 : i32 to index
    %swap3A_226 = arith.constant 64 : index
    %swap3A_227 = tpu.vector_load %arg6[%swap3A_225, %swap3A_226] {strides = array<i32>} : memref<20x128xi32, #tpu.memory_space<vmem>>, vector<1x16xi32>,
    %swap3A_228 = vector.shape_cast %swap3A_227 : vector<1x16xi32> to vector<16xi32>
    %swap3A_229 = vector.shape_cast %add3A_223 : vector<16xi32> to vector<1x16xi32>
    tpu.vector_store %arg6[%swap3A_225, %swap3A_226], %swap3A_229 {strides = array<i32>} : memref<20x128xi32, #tpu.memory_space<vmem>>, vector<1x16xi32>,
    %add3A_230 = arith.constant 1 : i32
    %add3A_231 = vector.broadcast %add3A_230 : i32 to vector<16xi32>
    %add3A_232 = arith.addi %mul3A_220, %add3A_231 : vector<16xi32>
    %swap3A_233 = arith.constant 4 : i32
    %swap3A_234 = arith.index_cast %swap3A_233 : i32 to index
    %swap3A_235 = arith.constant 64 : index
    %swap3A_236 = tpu.vector_load %arg6[%swap3A_234, %swap3A_235] {strides = array<i32>} : memref<20x128xi32, #tpu.memory_space<vmem>>, vector<1x16xi32>,
    %swap3A_237 = vector.shape_cast %swap3A_236 : vector<1x16xi32> to vector<16xi32>
    %swap3A_238 = vector.shape_cast %add3A_232 : vector<16xi32> to vector<1x16xi32>
    tpu.vector_store %arg6[%swap3A_234, %swap3A_235], %swap3A_238 {strides = array<i32>} : memref<20x128xi32, #tpu.memory_space<vmem>>, vector<1x16xi32>,
    %add3A_239 = arith.constant 2 : i32
    %add3A_240 = vector.broadcast %add3A_239 : i32 to vector<16xi32>
    %add3A_241 = arith.addi %mul3A_220, %add3A_240 : vector<16xi32>
    %swap3A_242 = arith.constant 8 : i32
    %swap3A_243 = arith.index_cast %swap3A_242 : i32 to index
    %swap3A_244 = arith.constant 64 : index
    %swap3A_245 = tpu.vector_load %arg6[%swap3A_243, %swap3A_244] {strides = array<i32>} : memref<20x128xi32, #tpu.memory_space<vmem>>, vector<1x16xi32>,
    %swap3A_246 = vector.shape_cast %swap3A_245 : vector<1x16xi32> to vector<16xi32>
    %swap3A_247 = vector.shape_cast %add3A_241 : vector<16xi32> to vector<1x16xi32>
    tpu.vector_store %arg6[%swap3A_243, %swap3A_244], %swap3A_247 {strides = array<i32>} : memref<20x128xi32, #tpu.memory_space<vmem>>, vector<1x16xi32>,
    %add3A_248 = arith.constant 3 : i32
    %add3A_249 = vector.broadcast %add3A_248 : i32 to vector<16xi32>
    %add3A_250 = arith.addi %mul3A_220, %add3A_249 : vector<16xi32>
    %swap3A_251 = arith.constant 12 : i32
    %swap3A_252 = arith.index_cast %swap3A_251 : i32 to index
    %swap3A_253 = arith.constant 64 : index
    %swap3A_254 = tpu.vector_load %arg6[%swap3A_252, %swap3A_253] {strides = array<i32>} : memref<20x128xi32, #tpu.memory_space<vmem>>, vector<1x16xi32>,
    %swap3A_255 = vector.shape_cast %swap3A_254 : vector<1x16xi32> to vector<16xi32>
    %swap3A_256 = vector.shape_cast %add3A_250 : vector<16xi32> to vector<1x16xi32>
    tpu.vector_store %arg6[%swap3A_252, %swap3A_253], %swap3A_256 {strides = array<i32>} : memref<20x128xi32, #tpu.memory_space<vmem>>, vector<1x16xi32>,
    %add3A_257 = arith.constant 4 : i32
    %add3A_258 = vector.broadcast %add3A_257 : i32 to vector<16xi32>
    %add3A_259 = arith.addi %mul3A_220, %add3A_258 : vector<16xi32>
    %swap3A_260 = arith.constant 16 : i32
    %swap3A_261 = arith.index_cast %swap3A_260 : i32 to index
    %swap3A_262 = arith.constant 64 : index
    %swap3A_263 = tpu.vector_load %arg6[%swap3A_261, %swap3A_262] {strides = array<i32>} : memref<20x128xi32, #tpu.memory_space<vmem>>, vector<1x16xi32>,
    %swap3A_264 = vector.shape_cast %swap3A_263 : vector<1x16xi32> to vector<16xi32>
    %swap3A_265 = vector.shape_cast %add3A_259 : vector<16xi32> to vector<1x16xi32>
    tpu.vector_store %arg6[%swap3A_261, %swap3A_262], %swap3A_265 {strides = array<i32>} : memref<20x128xi32, #tpu.memory_space<vmem>>, vector<1x16xi32>,
    %get3A_266 = arith.constant 0 : i32
    %get3A_267 = arith.index_cast %get3A_266 : i32 to index
    %get3A_268 = arith.constant 80 : index
    %get3A_269 = tpu.vector_load %arg5[%get3A_267, %get3A_268] {strides = array<i32>} : memref<4x128xi32, #tpu.memory_space<vmem>>, vector<1x16xi32>,
    %get3A_270 = vector.shape_cast %get3A_269 : vector<1x16xi32> to vector<16xi32>
    %mul3A_271 = arith.constant 5 : i32
    %mul3A_272 = vector.broadcast %mul3A_271 : i32 to vector<16xi32>
    %mul3A_273 = arith.muli %get3A_270, %mul3A_272 : vector<16xi32>
    %add3A_274 = arith.constant 0 : i32
    %add3A_275 = vector.broadcast %add3A_274 : i32 to vector<16xi32>
    %add3A_276 = arith.addi %mul3A_273, %add3A_275 : vector<16xi32>
    %swap3A_277 = arith.constant 0 : i32
    %swap3A_278 = arith.index_cast %swap3A_277 : i32 to index
    %swap3A_279 = arith.constant 80 : index
    %swap3A_280 = tpu.vector_load %arg6[%swap3A_278, %swap3A_279] {strides = array<i32>} : memref<20x128xi32, #tpu.memory_space<vmem>>, vector<1x16xi32>,
    %swap3A_281 = vector.shape_cast %swap3A_280 : vector<1x16xi32> to vector<16xi32>
    %swap3A_282 = vector.shape_cast %add3A_276 : vector<16xi32> to vector<1x16xi32>
    tpu.vector_store %arg6[%swap3A_278, %swap3A_279], %swap3A_282 {strides = array<i32>} : memref<20x128xi32, #tpu.memory_space<vmem>>, vector<1x16xi32>,
    %add3A_283 = arith.constant 1 : i32
    %add3A_284 = vector.broadcast %add3A_283 : i32 to vector<16xi32>
    %add3A_285 = arith.addi %mul3A_273, %add3A_284 : vector<16xi32>
    %swap3A_286 = arith.constant 4 : i32
    %swap3A_287 = arith.index_cast %swap3A_286 : i32 to index
    %swap3A_288 = arith.constant 80 : index
    %swap3A_289 = tpu.vector_load %arg6[%swap3A_287, %swap3A_288] {strides = array<i32>} : memref<20x128xi32, #tpu.memory_space<vmem>>, vector<1x16xi32>,
    %swap3A_290 = vector.shape_cast %swap3A_289 : vector<1x16xi32> to vector<16xi32>
    %swap3A_291 = vector.shape_cast %add3A_285 : vector<16xi32> to vector<1x16xi32>
    tpu.vector_store %arg6[%swap3A_287, %swap3A_288], %swap3A_291 {strides = array<i32>} : memref<20x128xi32, #tpu.memory_space<vmem>>, vector<1x16xi32>,
    %add3A_292 = arith.constant 2 : i32
    %add3A_293 = vector.broadcast %add3A_292 : i32 to vector<16xi32>
    %add3A_294 = arith.addi %mul3A_273, %add3A_293 : vector<16xi32>
    %swap3A_295 = arith.constant 8 : i32
    %swap3A_296 = arith.index_cast %swap3A_295 : i32 to index
    %swap3A_297 = arith.constant 80 : index
    %swap3A_298 = tpu.vector_load %arg6[%swap3A_296, %swap3A_297] {strides = array<i32>} : memref<20x128xi32, #tpu.memory_space<vmem>>, vector<1x16xi32>,
    %swap3A_299 = vector.shape_cast %swap3A_298 : vector<1x16xi32> to vector<16xi32>
    %swap3A_300 = vector.shape_cast %add3A_294 : vector<16xi32> to vector<1x16xi32>
    tpu.vector_store %arg6[%swap3A_296, %swap3A_297], %swap3A_300 {strides = array<i32>} : memref<20x128xi32, #tpu.memory_space<vmem>>, vector<1x16xi32>,
    %add3A_301 = arith.constant 3 : i32
    %add3A_302 = vector.broadcast %add3A_301 : i32 to vector<16xi32>
    %add3A_303 = arith.addi %mul3A_273, %add3A_302 : vector<16xi32>
    %swap3A_304 = arith.constant 12 : i32
    %swap3A_305 = arith.index_cast %swap3A_304 : i32 to index
    %swap3A_306 = arith.constant 80 : index
    %swap3A_307 = tpu.vector_load %arg6[%swap3A_305, %swap3A_306] {strides = array<i32>} : memref<20x128xi32, #tpu.memory_space<vmem>>, vector<1x16xi32>,
    %swap3A_308 = vector.shape_cast %swap3A_307 : vector<1x16xi32> to vector<16xi32>
    %swap3A_309 = vector.shape_cast %add3A_303 : vector<16xi32> to vector<1x16xi32>
    tpu.vector_store %arg6[%swap3A_305, %swap3A_306], %swap3A_309 {strides = array<i32>} : memref<20x128xi32, #tpu.memory_space<vmem>>, vector<1x16xi32>,
    %add3A_310 = arith.constant 4 : i32
    %add3A_311 = vector.broadcast %add3A_310 : i32 to vector<16xi32>
    %add3A_312 = arith.addi %mul3A_273, %add3A_311 : vector<16xi32>
    %swap3A_313 = arith.constant 16 : i32
    %swap3A_314 = arith.index_cast %swap3A_313 : i32 to index
    %swap3A_315 = arith.constant 80 : index
    %swap3A_316 = tpu.vector_load %arg6[%swap3A_314, %swap3A_315] {strides = array<i32>} : memref<20x128xi32, #tpu.memory_space<vmem>>, vector<1x16xi32>,
    %swap3A_317 = vector.shape_cast %swap3A_316 : vector<1x16xi32> to vector<16xi32>
    %swap3A_318 = vector.shape_cast %add3A_312 : vector<16xi32> to vector<1x16xi32>
    tpu.vector_store %arg6[%swap3A_314, %swap3A_315], %swap3A_318 {strides = array<i32>} : memref<20x128xi32, #tpu.memory_space<vmem>>, vector<1x16xi32>,
    %get3A_319 = arith.constant 0 : i32
    %get3A_320 = arith.index_cast %get3A_319 : i32 to index
    %get3A_321 = arith.constant 96 : index
    %get3A_322 = tpu.vector_load %arg5[%get3A_320, %get3A_321] {strides = array<i32>} : memref<4x128xi32, #tpu.memory_space<vmem>>, vector<1x16xi32>,
    %get3A_323 = vector.shape_cast %get3A_322 : vector<1x16xi32> to vector<16xi32>
    %mul3A_324 = arith.constant 5 : i32
    %mul3A_325 = vector.broadcast %mul3A_324 : i32 to vector<16xi32>
    %mul3A_326 = arith.muli %get3A_323, %mul3A_325 : vector<16xi32>
    %add3A_327 = arith.constant 0 : i32
    %add3A_328 = vector.broadcast %add3A_327 : i32 to vector<16xi32>
    %add3A_329 = arith.addi %mul3A_326, %add3A_328 : vector<16xi32>
    %swap3A_330 = arith.constant 0 : i32
    %swap3A_331 = arith.index_cast %swap3A_330 : i32 to index
    %swap3A_332 = arith.constant 96 : index
    %swap3A_333 = tpu.vector_load %arg6[%swap3A_331, %swap3A_332] {strides = array<i32>} : memref<20x128xi32, #tpu.memory_space<vmem>>, vector<1x16xi32>,
    %swap3A_334 = vector.shape_cast %swap3A_333 : vector<1x16xi32> to vector<16xi32>
    %swap3A_335 = vector.shape_cast %add3A_329 : vector<16xi32> to vector<1x16xi32>
    tpu.vector_store %arg6[%swap3A_331, %swap3A_332], %swap3A_335 {strides = array<i32>} : memref<20x128xi32, #tpu.memory_space<vmem>>, vector<1x16xi32>,
    %add3A_336 = arith.constant 1 : i32
    %add3A_337 = vector.broadcast %add3A_336 : i32 to vector<16xi32>
    %add3A_338 = arith.addi %mul3A_326, %add3A_337 : vector<16xi32>
    %swap3A_339 = arith.constant 4 : i32
    %swap3A_340 = arith.index_cast %swap3A_339 : i32 to index
    %swap3A_341 = arith.constant 96 : index
    %swap3A_342 = tpu.vector_load %arg6[%swap3A_340, %swap3A_341] {strides = array<i32>} : memref<20x128xi32, #tpu.memory_space<vmem>>, vector<1x16xi32>,
    %swap3A_343 = vector.shape_cast %swap3A_342 : vector<1x16xi32> to vector<16xi32>
    %swap3A_344 = vector.shape_cast %add3A_338 : vector<16xi32> to vector<1x16xi32>
    tpu.vector_store %arg6[%swap3A_340, %swap3A_341], %swap3A_344 {strides = array<i32>} : memref<20x128xi32, #tpu.memory_space<vmem>>, vector<1x16xi32>,
    %add3A_345 = arith.constant 2 : i32
    %add3A_346 = vector.broadcast %add3A_345 : i32 to vector<16xi32>
    %add3A_347 = arith.addi %mul3A_326, %add3A_346 : vector<16xi32>
    %swap3A_348 = arith.constant 8 : i32
    %swap3A_349 = arith.index_cast %swap3A_348 : i32 to index
    %swap3A_350 = arith.constant 96 : index
    %swap3A_351 = tpu.vector_load %arg6[%swap3A_349, %swap3A_350] {strides = array<i32>} : memref<20x128xi32, #tpu.memory_space<vmem>>, vector<1x16xi32>,
    %swap3A_352 = vector.shape_cast %swap3A_351 : vector<1x16xi32> to vector<16xi32>
    %swap3A_353 = vector.shape_cast %add3A_347 : vector<16xi32> to vector<1x16xi32>
    tpu.vector_store %arg6[%swap3A_349, %swap3A_350], %swap3A_353 {strides = array<i32>} : memref<20x128xi32, #tpu.memory_space<vmem>>, vector<1x16xi32>,
    %add3A_354 = arith.constant 3 : i32
    %add3A_355 = vector.broadcast %add3A_354 : i32 to vector<16xi32>
    %add3A_356 = arith.addi %mul3A_326, %add3A_355 : vector<16xi32>
    %swap3A_357 = arith.constant 12 : i32
    %swap3A_358 = arith.index_cast %swap3A_357 : i32 to index
    %swap3A_359 = arith.constant 96 : index
    %swap3A_360 = tpu.vector_load %arg6[%swap3A_358, %swap3A_359] {strides = array<i32>} : memref<20x128xi32, #tpu.memory_space<vmem>>, vector<1x16xi32>,
    %swap3A_361 = vector.shape_cast %swap3A_360 : vector<1x16xi32> to vector<16xi32>
    %swap3A_362 = vector.shape_cast %add3A_356 : vector<16xi32> to vector<1x16xi32>
    tpu.vector_store %arg6[%swap3A_358, %swap3A_359], %swap3A_362 {strides = array<i32>} : memref<20x128xi32, #tpu.memory_space<vmem>>, vector<1x16xi32>,
    %add3A_363 = arith.constant 4 : i32
    %add3A_364 = vector.broadcast %add3A_363 : i32 to vector<16xi32>
    %add3A_365 = arith.addi %mul3A_326, %add3A_364 : vector<16xi32>
    %swap3A_366 = arith.constant 16 : i32
    %swap3A_367 = arith.index_cast %swap3A_366 : i32 to index
    %swap3A_368 = arith.constant 96 : index
    %swap3A_369 = tpu.vector_load %arg6[%swap3A_367, %swap3A_368] {strides = array<i32>} : memref<20x128xi32, #tpu.memory_space<vmem>>, vector<1x16xi32>,
    %swap3A_370 = vector.shape_cast %swap3A_369 : vector<1x16xi32> to vector<16xi32>
    %swap3A_371 = vector.shape_cast %add3A_365 : vector<16xi32> to vector<1x16xi32>
    tpu.vector_store %arg6[%swap3A_367, %swap3A_368], %swap3A_371 {strides = array<i32>} : memref<20x128xi32, #tpu.memory_space<vmem>>, vector<1x16xi32>,
    %get3A_372 = arith.constant 0 : i32
    %get3A_373 = arith.index_cast %get3A_372 : i32 to index
    %get3A_374 = arith.constant 112 : index
    %get3A_375 = tpu.vector_load %arg5[%get3A_373, %get3A_374] {strides = array<i32>} : memref<4x128xi32, #tpu.memory_space<vmem>>, vector<1x16xi32>,
    %get3A_376 = vector.shape_cast %get3A_375 : vector<1x16xi32> to vector<16xi32>
    %mul3A_377 = arith.constant 5 : i32
    %mul3A_378 = vector.broadcast %mul3A_377 : i32 to vector<16xi32>
    %mul3A_379 = arith.muli %get3A_376, %mul3A_378 : vector<16xi32>
    %add3A_380 = arith.constant 0 : i32
    %add3A_381 = vector.broadcast %add3A_380 : i32 to vector<16xi32>
    %add3A_382 = arith.addi %mul3A_379, %add3A_381 : vector<16xi32>
    %swap3A_383 = arith.constant 0 : i32
    %swap3A_384 = arith.index_cast %swap3A_383 : i32 to index
    %swap3A_385 = arith.constant 112 : index
    %swap3A_386 = tpu.vector_load %arg6[%swap3A_384, %swap3A_385] {strides = array<i32>} : memref<20x128xi32, #tpu.memory_space<vmem>>, vector<1x16xi32>,
    %swap3A_387 = vector.shape_cast %swap3A_386 : vector<1x16xi32> to vector<16xi32>
    %swap3A_388 = vector.shape_cast %add3A_382 : vector<16xi32> to vector<1x16xi32>
    tpu.vector_store %arg6[%swap3A_384, %swap3A_385], %swap3A_388 {strides = array<i32>} : memref<20x128xi32, #tpu.memory_space<vmem>>, vector<1x16xi32>,
    %add3A_389 = arith.constant 1 : i32
    %add3A_390 = vector.broadcast %add3A_389 : i32 to vector<16xi32>
    %add3A_391 = arith.addi %mul3A_379, %add3A_390 : vector<16xi32>
    %swap3A_392 = arith.constant 4 : i32
    %swap3A_393 = arith.index_cast %swap3A_392 : i32 to index
    %swap3A_394 = arith.constant 112 : index
    %swap3A_395 = tpu.vector_load %arg6[%swap3A_393, %swap3A_394] {strides = array<i32>} : memref<20x128xi32, #tpu.memory_space<vmem>>, vector<1x16xi32>,
    %swap3A_396 = vector.shape_cast %swap3A_395 : vector<1x16xi32> to vector<16xi32>
    %swap3A_397 = vector.shape_cast %add3A_391 : vector<16xi32> to vector<1x16xi32>
    tpu.vector_store %arg6[%swap3A_393, %swap3A_394], %swap3A_397 {strides = array<i32>} : memref<20x128xi32, #tpu.memory_space<vmem>>, vector<1x16xi32>,
    %add3A_398 = arith.constant 2 : i32
    %add3A_399 = vector.broadcast %add3A_398 : i32 to vector<16xi32>
    %add3A_400 = arith.addi %mul3A_379, %add3A_399 : vector<16xi32>
    %swap3A_401 = arith.constant 8 : i32
    %swap3A_402 = arith.index_cast %swap3A_401 : i32 to index
    %swap3A_403 = arith.constant 112 : index
    %swap3A_404 = tpu.vector_load %arg6[%swap3A_402, %swap3A_403] {strides = array<i32>} : memref<20x128xi32, #tpu.memory_space<vmem>>, vector<1x16xi32>,
    %swap3A_405 = vector.shape_cast %swap3A_404 : vector<1x16xi32> to vector<16xi32>
    %swap3A_406 = vector.shape_cast %add3A_400 : vector<16xi32> to vector<1x16xi32>
    tpu.vector_store %arg6[%swap3A_402, %swap3A_403], %swap3A_406 {strides = array<i32>} : memref<20x128xi32, #tpu.memory_space<vmem>>, vector<1x16xi32>,
    %add3A_407 = arith.constant 3 : i32
    %add3A_408 = vector.broadcast %add3A_407 : i32 to vector<16xi32>
    %add3A_409 = arith.addi %mul3A_379, %add3A_408 : vector<16xi32>
    %swap3A_410 = arith.constant 12 : i32
    %swap3A_411 = arith.index_cast %swap3A_410 : i32 to index
    %swap3A_412 = arith.constant 112 : index
    %swap3A_413 = tpu.vector_load %arg6[%swap3A_411, %swap3A_412] {strides = array<i32>} : memref<20x128xi32, #tpu.memory_space<vmem>>, vector<1x16xi32>,
    %swap3A_414 = vector.shape_cast %swap3A_413 : vector<1x16xi32> to vector<16xi32>
    %swap3A_415 = vector.shape_cast %add3A_409 : vector<16xi32> to vector<1x16xi32>
    tpu.vector_store %arg6[%swap3A_411, %swap3A_412], %swap3A_415 {strides = array<i32>} : memref<20x128xi32, #tpu.memory_space<vmem>>, vector<1x16xi32>,
    %add3A_416 = arith.constant 4 : i32
    %add3A_417 = vector.broadcast %add3A_416 : i32 to vector<16xi32>
    %add3A_418 = arith.addi %mul3A_379, %add3A_417 : vector<16xi32>
    %swap3A_419 = arith.constant 16 : i32
    %swap3A_420 = arith.index_cast %swap3A_419 : i32 to index
    %swap3A_421 = arith.constant 112 : index
    %swap3A_422 = tpu.vector_load %arg6[%swap3A_420, %swap3A_421] {strides = array<i32>} : memref<20x128xi32, #tpu.memory_space<vmem>>, vector<1x16xi32>,
    %swap3A_423 = vector.shape_cast %swap3A_422 : vector<1x16xi32> to vector<16xi32>
    %swap3A_424 = vector.shape_cast %add3A_418 : vector<16xi32> to vector<1x16xi32>
    tpu.vector_store %arg6[%swap3A_420, %swap3A_421], %swap3A_424 {strides = array<i32>} : memref<20x128xi32, #tpu.memory_space<vmem>>, vector<1x16xi32>,
    %get3A_425 = arith.constant 1 : i32
    %get3A_426 = arith.index_cast %get3A_425 : i32 to index
    %get3A_427 = arith.constant 0 : index
    %get3A_428 = tpu.vector_load %arg5[%get3A_426, %get3A_427] {strides = array<i32>} : memref<4x128xi32, #tpu.memory_space<vmem>>, vector<1x16xi32>,
    %get3A_429 = vector.shape_cast %get3A_428 : vector<1x16xi32> to vector<16xi32>
    %mul3A_430 = arith.constant 5 : i32
    %mul3A_431 = vector.broadcast %mul3A_430 : i32 to vector<16xi32>
    %mul3A_432 = arith.muli %get3A_429, %mul3A_431 : vector<16xi32>
    %add3A_433 = arith.constant 0 : i32
    %add3A_434 = vector.broadcast %add3A_433 : i32 to vector<16xi32>
    %add3A_435 = arith.addi %mul3A_432, %add3A_434 : vector<16xi32>
    %swap3A_436 = arith.constant 1 : i32
    %swap3A_437 = arith.index_cast %swap3A_436 : i32 to index
    %swap3A_438 = arith.constant 0 : index
    %swap3A_439 = tpu.vector_load %arg6[%swap3A_437, %swap3A_438] {strides = array<i32>} : memref<20x128xi32, #tpu.memory_space<vmem>>, vector<1x16xi32>,
    %swap3A_440 = vector.shape_cast %swap3A_439 : vector<1x16xi32> to vector<16xi32>
    %swap3A_441 = vector.shape_cast %add3A_435 : vector<16xi32> to vector<1x16xi32>
    tpu.vector_store %arg6[%swap3A_437, %swap3A_438], %swap3A_441 {strides = array<i32>} : memref<20x128xi32, #tpu.memory_space<vmem>>, vector<1x16xi32>,
    %add3A_442 = arith.constant 1 : i32
    %add3A_443 = vector.broadcast %add3A_442 : i32 to vector<16xi32>
    %add3A_444 = arith.addi %mul3A_432, %add3A_443 : vector<16xi32>
    %swap3A_445 = arith.constant 5 : i32
    %swap3A_446 = arith.index_cast %swap3A_445 : i32 to index
    %swap3A_447 = arith.constant 0 : index
    %swap3A_448 = tpu.vector_load %arg6[%swap3A_446, %swap3A_447] {strides = array<i32>} : memref<20x128xi32, #tpu.memory_space<vmem>>, vector<1x16xi32>,
    %swap3A_449 = vector.shape_cast %swap3A_448 : vector<1x16xi32> to vector<16xi32>
    %swap3A_450 = vector.shape_cast %add3A_444 : vector<16xi32> to vector<1x16xi32>
    tpu.vector_store %arg6[%swap3A_446, %swap3A_447], %swap3A_450 {strides = array<i32>} : memref<20x128xi32, #tpu.memory_space<vmem>>, vector<1x16xi32>,
    %add3A_451 = arith.constant 2 : i32
    %add3A_452 = vector.broadcast %add3A_451 : i32 to vector<16xi32>
    %add3A_453 = arith.addi %mul3A_432, %add3A_452 : vector<16xi32>
    %swap3A_454 = arith.constant 9 : i32
    %swap3A_455 = arith.index_cast %swap3A_454 : i32 to index
    %swap3A_456 = arith.constant 0 : index
    %swap3A_457 = tpu.vector_load %arg6[%swap3A_455, %swap3A_456] {strides = array<i32>} : memref<20x128xi32, #tpu.memory_space<vmem>>, vector<1x16xi32>,
    %swap3A_458 = vector.shape_cast %swap3A_457 : vector<1x16xi32> to vector<16xi32>
    %swap3A_459 = vector.shape_cast %add3A_453 : vector<16xi32> to vector<1x16xi32>
    tpu.vector_store %arg6[%swap3A_455, %swap3A_456], %swap3A_459 {strides = array<i32>} : memref<20x128xi32, #tpu.memory_space<vmem>>, vector<1x16xi32>,
    %add3A_460 = arith.constant 3 : i32
    %add3A_461 = vector.broadcast %add3A_460 : i32 to vector<16xi32>
    %add3A_462 = arith.addi %mul3A_432, %add3A_461 : vector<16xi32>
    %swap3A_463 = arith.constant 13 : i32
    %swap3A_464 = arith.index_cast %swap3A_463 : i32 to index
    %swap3A_465 = arith.constant 0 : index
    %swap3A_466 = tpu.vector_load %arg6[%swap3A_464, %swap3A_465] {strides = array<i32>} : memref<20x128xi32, #tpu.memory_space<vmem>>, vector<1x16xi32>,
    %swap3A_467 = vector.shape_cast %swap3A_466 : vector<1x16xi32> to vector<16xi32>
    %swap3A_468 = vector.shape_cast %add3A_462 : vector<16xi32> to vector<1x16xi32>
    tpu.vector_store %arg6[%swap3A_464, %swap3A_465], %swap3A_468 {strides = array<i32>} : memref<20x128xi32, #tpu.memory_space<vmem>>, vector<1x16xi32>,
    %add3A_469 = arith.constant 4 : i32
    %add3A_470 = vector.broadcast %add3A_469 : i32 to vector<16xi32>
    %add3A_471 = arith.addi %mul3A_432, %add3A_470 : vector<16xi32>
    %swap3A_472 = arith.constant 17 : i32
    %swap3A_473 = arith.index_cast %swap3A_472 : i32 to index
    %swap3A_474 = arith.constant 0 : index
    %swap3A_475 = tpu.vector_load %arg6[%swap3A_473, %swap3A_474] {strides = array<i32>} : memref<20x128xi32, #tpu.memory_space<vmem>>, vector<1x16xi32>,
    %swap3A_476 = vector.shape_cast %swap3A_475 : vector<1x16xi32> to vector<16xi32>
    %swap3A_477 = vector.shape_cast %add3A_471 : vector<16xi32> to vector<1x16xi32>
    tpu.vector_store %arg6[%swap3A_473, %swap3A_474], %swap3A_477 {strides = array<i32>} : memref<20x128xi32, #tpu.memory_space<vmem>>, vector<1x16xi32>,
    %get3A_478 = arith.constant 1 : i32
    %get3A_479 = arith.index_cast %get3A_478 : i32 to index
    %get3A_480 = arith.constant 16 : index
    %get3A_481 = tpu.vector_load %arg5[%get3A_479, %get3A_480] {strides = array<i32>} : memref<4x128xi32, #tpu.memory_space<vmem>>, vector<1x16xi32>,
    %get3A_482 = vector.shape_cast %get3A_481 : vector<1x16xi32> to vector<16xi32>
    %mul3A_483 = arith.constant 5 : i32
    %mul3A_484 = vector.broadcast %mul3A_483 : i32 to vector<16xi32>
    %mul3A_485 = arith.muli %get3A_482, %mul3A_484 : vector<16xi32>
    %add3A_486 = arith.constant 0 : i32
    %add3A_487 = vector.broadcast %add3A_486 : i32 to vector<16xi32>
    %add3A_488 = arith.addi %mul3A_485, %add3A_487 : vector<16xi32>
    %swap3A_489 = arith.constant 1 : i32
    %swap3A_490 = arith.index_cast %swap3A_489 : i32 to index
    %swap3A_491 = arith.constant 16 : index
    %swap3A_492 = tpu.vector_load %arg6[%swap3A_490, %swap3A_491] {strides = array<i32>} : memref<20x128xi32, #tpu.memory_space<vmem>>, vector<1x16xi32>,
    %swap3A_493 = vector.shape_cast %swap3A_492 : vector<1x16xi32> to vector<16xi32>
    %swap3A_494 = vector.shape_cast %add3A_488 : vector<16xi32> to vector<1x16xi32>
    tpu.vector_store %arg6[%swap3A_490, %swap3A_491], %swap3A_494 {strides = array<i32>} : memref<20x128xi32, #tpu.memory_space<vmem>>, vector<1x16xi32>,
    %add3A_495 = arith.constant 1 : i32
    %add3A_496 = vector.broadcast %add3A_495 : i32 to vector<16xi32>
    %add3A_497 = arith.addi %mul3A_485, %add3A_496 : vector<16xi32>
    %swap3A_498 = arith.constant 5 : i32
    %swap3A_499 = arith.index_cast %swap3A_498 : i32 to index
    %swap3A_500 = arith.constant 16 : index
    %swap3A_501 = tpu.vector_load %arg6[%swap3A_499, %swap3A_500] {strides = array<i32>} : memref<20x128xi32, #tpu.memory_space<vmem>>, vector<1x16xi32>,
    %swap3A_502 = vector.shape_cast %swap3A_501 : vector<1x16xi32> to vector<16xi32>
    %swap3A_503 = vector.shape_cast %add3A_497 : vector<16xi32> to vector<1x16xi32>
    tpu.vector_store %arg6[%swap3A_499, %swap3A_500], %swap3A_503 {strides = array<i32>} : memref<20x128xi32, #tpu.memory_space<vmem>>, vector<1x16xi32>,
    %add3A_504 = arith.constant 2 : i32
    %add3A_505 = vector.broadcast %add3A_504 : i32 to vector<16xi32>
    %add3A_506 = arith.addi %mul3A_485, %add3A_505 : vector<16xi32>
    %swap3A_507 = arith.constant 9 : i32
    %swap3A_508 = arith.index_cast %swap3A_507 : i32 to index
    %swap3A_509 = arith.constant 16 : index
    %swap3A_510 = tpu.vector_load %arg6[%swap3A_508, %swap3A_509] {strides = array<i32>} : memref<20x128xi32, #tpu.memory_space<vmem>>, vector<1x16xi32>,
    %swap3A_511 = vector.shape_cast %swap3A_510 : vector<1x16xi32> to vector<16xi32>
    %swap3A_512 = vector.shape_cast %add3A_506 : vector<16xi32> to vector<1x16xi32>
    tpu.vector_store %arg6[%swap3A_508, %swap3A_509], %swap3A_512 {strides = array<i32>} : memref<20x128xi32, #tpu.memory_space<vmem>>, vector<1x16xi32>,
    %add3A_513 = arith.constant 3 : i32
    %add3A_514 = vector.broadcast %add3A_513 : i32 to vector<16xi32>
    %add3A_515 = arith.addi %mul3A_485, %add3A_514 : vector<16xi32>
    %swap3A_516 = arith.constant 13 : i32
    %swap3A_517 = arith.index_cast %swap3A_516 : i32 to index
    %swap3A_518 = arith.constant 16 : index
    %swap3A_519 = tpu.vector_load %arg6[%swap3A_517, %swap3A_518] {strides = array<i32>} : memref<20x128xi32, #tpu.memory_space<vmem>>, vector<1x16xi32>,
    %swap3A_520 = vector.shape_cast %swap3A_519 : vector<1x16xi32> to vector<16xi32>
    %swap3A_521 = vector.shape_cast %add3A_515 : vector<16xi32> to vector<1x16xi32>
    tpu.vector_store %arg6[%swap3A_517, %swap3A_518], %swap3A_521 {strides = array<i32>} : memref<20x128xi32, #tpu.memory_space<vmem>>, vector<1x16xi32>,
    %add3A_522 = arith.constant 4 : i32
    %add3A_523 = vector.broadcast %add3A_522 : i32 to vector<16xi32>
    %add3A_524 = arith.addi %mul3A_485, %add3A_523 : vector<16xi32>
    %swap3A_525 = arith.constant 17 : i32
    %swap3A_526 = arith.index_cast %swap3A_525 : i32 to index
    %swap3A_527 = arith.constant 16 : index
    %swap3A_528 = tpu.vector_load %arg6[%swap3A_526, %swap3A_527] {strides = array<i32>} : memref<20x128xi32, #tpu.memory_space<vmem>>, vector<1x16xi32>,
    %swap3A_529 = vector.shape_cast %swap3A_528 : vector<1x16xi32> to vector<16xi32>
    %swap3A_530 = vector.shape_cast %add3A_524 : vector<16xi32> to vector<1x16xi32>
    tpu.vector_store %arg6[%swap3A_526, %swap3A_527], %swap3A_530 {strides = array<i32>} : memref<20x128xi32, #tpu.memory_space<vmem>>, vector<1x16xi32>,
    %get3A_531 = arith.constant 1 : i32
    %get3A_532 = arith.index_cast %get3A_531 : i32 to index
    %get3A_533 = arith.constant 32 : index
    %get3A_534 = tpu.vector_load %arg5[%get3A_532, %get3A_533] {strides = array<i32>} : memref<4x128xi32, #tpu.memory_space<vmem>>, vector<1x16xi32>,
    %get3A_535 = vector.shape_cast %get3A_534 : vector<1x16xi32> to vector<16xi32>
    %mul3A_536 = arith.constant 5 : i32
    %mul3A_537 = vector.broadcast %mul3A_536 : i32 to vector<16xi32>
    %mul3A_538 = arith.muli %get3A_535, %mul3A_537 : vector<16xi32>
    %add3A_539 = arith.constant 0 : i32
    %add3A_540 = vector.broadcast %add3A_539 : i32 to vector<16xi32>
    %add3A_541 = arith.addi %mul3A_538, %add3A_540 : vector<16xi32>
    %swap3A_542 = arith.constant 1 : i32
    %swap3A_543 = arith.index_cast %swap3A_542 : i32 to index
    %swap3A_544 = arith.constant 32 : index
    %swap3A_545 = tpu.vector_load %arg6[%swap3A_543, %swap3A_544] {strides = array<i32>} : memref<20x128xi32, #tpu.memory_space<vmem>>, vector<1x16xi32>,
    %swap3A_546 = vector.shape_cast %swap3A_545 : vector<1x16xi32> to vector<16xi32>
    %swap3A_547 = vector.shape_cast %add3A_541 : vector<16xi32> to vector<1x16xi32>
    tpu.vector_store %arg6[%swap3A_543, %swap3A_544], %swap3A_547 {strides = array<i32>} : memref<20x128xi32, #tpu.memory_space<vmem>>, vector<1x16xi32>,
    %add3A_548 = arith.constant 1 : i32
    %add3A_549 = vector.broadcast %add3A_548 : i32 to vector<16xi32>
    %add3A_550 = arith.addi %mul3A_538, %add3A_549 : vector<16xi32>
    %swap3A_551 = arith.constant 5 : i32
    %swap3A_552 = arith.index_cast %swap3A_551 : i32 to index
    %swap3A_553 = arith.constant 32 : index
    %swap3A_554 = tpu.vector_load %arg6[%swap3A_552, %swap3A_553] {strides = array<i32>} : memref<20x128xi32, #tpu.memory_space<vmem>>, vector<1x16xi32>,
    %swap3A_555 = vector.shape_cast %swap3A_554 : vector<1x16xi32> to vector<16xi32>
    %swap3A_556 = vector.shape_cast %add3A_550 : vector<16xi32> to vector<1x16xi32>
    tpu.vector_store %arg6[%swap3A_552, %swap3A_553], %swap3A_556 {strides = array<i32>} : memref<20x128xi32, #tpu.memory_space<vmem>>, vector<1x16xi32>,
    %add3A_557 = arith.constant 2 : i32
    %add3A_558 = vector.broadcast %add3A_557 : i32 to vector<16xi32>
    %add3A_559 = arith.addi %mul3A_538, %add3A_558 : vector<16xi32>
    %swap3A_560 = arith.constant 9 : i32
    %swap3A_561 = arith.index_cast %swap3A_560 : i32 to index
    %swap3A_562 = arith.constant 32 : index
    %swap3A_563 = tpu.vector_load %arg6[%swap3A_561, %swap3A_562] {strides = array<i32>} : memref<20x128xi32, #tpu.memory_space<vmem>>, vector<1x16xi32>,
    %swap3A_564 = vector.shape_cast %swap3A_563 : vector<1x16xi32> to vector<16xi32>
    %swap3A_565 = vector.shape_cast %add3A_559 : vector<16xi32> to vector<1x16xi32>
    tpu.vector_store %arg6[%swap3A_561, %swap3A_562], %swap3A_565 {strides = array<i32>} : memref<20x128xi32, #tpu.memory_space<vmem>>, vector<1x16xi32>,
    %add3A_566 = arith.constant 3 : i32
    %add3A_567 = vector.broadcast %add3A_566 : i32 to vector<16xi32>
    %add3A_568 = arith.addi %mul3A_538, %add3A_567 : vector<16xi32>
    %swap3A_569 = arith.constant 13 : i32
    %swap3A_570 = arith.index_cast %swap3A_569 : i32 to index
    %swap3A_571 = arith.constant 32 : index
    %swap3A_572 = tpu.vector_load %arg6[%swap3A_570, %swap3A_571] {strides = array<i32>} : memref<20x128xi32, #tpu.memory_space<vmem>>, vector<1x16xi32>,
    %swap3A_573 = vector.shape_cast %swap3A_572 : vector<1x16xi32> to vector<16xi32>
    %swap3A_574 = vector.shape_cast %add3A_568 : vector<16xi32> to vector<1x16xi32>
    tpu.vector_store %arg6[%swap3A_570, %swap3A_571], %swap3A_574 {strides = array<i32>} : memref<20x128xi32, #tpu.memory_space<vmem>>, vector<1x16xi32>,
    %add3A_575 = arith.constant 4 : i32
    %add3A_576 = vector.broadcast %add3A_575 : i32 to vector<16xi32>
    %add3A_577 = arith.addi %mul3A_538, %add3A_576 : vector<16xi32>
    %swap3A_578 = arith.constant 17 : i32
    %swap3A_579 = arith.index_cast %swap3A_578 : i32 to index
    %swap3A_580 = arith.constant 32 : index
    %swap3A_581 = tpu.vector_load %arg6[%swap3A_579, %swap3A_580] {strides = array<i32>} : memref<20x128xi32, #tpu.memory_space<vmem>>, vector<1x16xi32>,
    %swap3A_582 = vector.shape_cast %swap3A_581 : vector<1x16xi32> to vector<16xi32>
    %swap3A_583 = vector.shape_cast %add3A_577 : vector<16xi32> to vector<1x16xi32>
    tpu.vector_store %arg6[%swap3A_579, %swap3A_580], %swap3A_583 {strides = array<i32>} : memref<20x128xi32, #tpu.memory_space<vmem>>, vector<1x16xi32>,
    %get3A_584 = arith.constant 1 : i32
    %get3A_585 = arith.index_cast %get3A_584 : i32 to index
    %get3A_586 = arith.constant 48 : index
    %get3A_587 = tpu.vector_load %arg5[%get3A_585, %get3A_586] {strides = array<i32>} : memref<4x128xi32, #tpu.memory_space<vmem>>, vector<1x16xi32>,
    %get3A_588 = vector.shape_cast %get3A_587 : vector<1x16xi32> to vector<16xi32>
    %mul3A_589 = arith.constant 5 : i32
    %mul3A_590 = vector.broadcast %mul3A_589 : i32 to vector<16xi32>
    %mul3A_591 = arith.muli %get3A_588, %mul3A_590 : vector<16xi32>
    %add3A_592 = arith.constant 0 : i32
    %add3A_593 = vector.broadcast %add3A_592 : i32 to vector<16xi32>
    %add3A_594 = arith.addi %mul3A_591, %add3A_593 : vector<16xi32>
    %swap3A_595 = arith.constant 1 : i32
    %swap3A_596 = arith.index_cast %swap3A_595 : i32 to index
    %swap3A_597 = arith.constant 48 : index
    %swap3A_598 = tpu.vector_load %arg6[%swap3A_596, %swap3A_597] {strides = array<i32>} : memref<20x128xi32, #tpu.memory_space<vmem>>, vector<1x16xi32>,
    %swap3A_599 = vector.shape_cast %swap3A_598 : vector<1x16xi32> to vector<16xi32>
    %swap3A_600 = vector.shape_cast %add3A_594 : vector<16xi32> to vector<1x16xi32>
    tpu.vector_store %arg6[%swap3A_596, %swap3A_597], %swap3A_600 {strides = array<i32>} : memref<20x128xi32, #tpu.memory_space<vmem>>, vector<1x16xi32>,
    %add3A_601 = arith.constant 1 : i32
    %add3A_602 = vector.broadcast %add3A_601 : i32 to vector<16xi32>
    %add3A_603 = arith.addi %mul3A_591, %add3A_602 : vector<16xi32>
    %swap3A_604 = arith.constant 5 : i32
    %swap3A_605 = arith.index_cast %swap3A_604 : i32 to index
    %swap3A_606 = arith.constant 48 : index
    %swap3A_607 = tpu.vector_load %arg6[%swap3A_605, %swap3A_606] {strides = array<i32>} : memref<20x128xi32, #tpu.memory_space<vmem>>, vector<1x16xi32>,
    %swap3A_608 = vector.shape_cast %swap3A_607 : vector<1x16xi32> to vector<16xi32>
    %swap3A_609 = vector.shape_cast %add3A_603 : vector<16xi32> to vector<1x16xi32>
    tpu.vector_store %arg6[%swap3A_605, %swap3A_606], %swap3A_609 {strides = array<i32>} : memref<20x128xi32, #tpu.memory_space<vmem>>, vector<1x16xi32>,
    %add3A_610 = arith.constant 2 : i32
    %add3A_611 = vector.broadcast %add3A_610 : i32 to vector<16xi32>
    %add3A_612 = arith.addi %mul3A_591, %add3A_611 : vector<16xi32>
    %swap3A_613 = arith.constant 9 : i32
    %swap3A_614 = arith.index_cast %swap3A_613 : i32 to index
    %swap3A_615 = arith.constant 48 : index
    %swap3A_616 = tpu.vector_load %arg6[%swap3A_614, %swap3A_615] {strides = array<i32>} : memref<20x128xi32, #tpu.memory_space<vmem>>, vector<1x16xi32>,
    %swap3A_617 = vector.shape_cast %swap3A_616 : vector<1x16xi32> to vector<16xi32>
    %swap3A_618 = vector.shape_cast %add3A_612 : vector<16xi32> to vector<1x16xi32>
    tpu.vector_store %arg6[%swap3A_614, %swap3A_615], %swap3A_618 {strides = array<i32>} : memref<20x128xi32, #tpu.memory_space<vmem>>, vector<1x16xi32>,
    %add3A_619 = arith.constant 3 : i32
    %add3A_620 = vector.broadcast %add3A_619 : i32 to vector<16xi32>
    %add3A_621 = arith.addi %mul3A_591, %add3A_620 : vector<16xi32>
    %swap3A_622 = arith.constant 13 : i32
    %swap3A_623 = arith.index_cast %swap3A_622 : i32 to index
    %swap3A_624 = arith.constant 48 : index
    %swap3A_625 = tpu.vector_load %arg6[%swap3A_623, %swap3A_624] {strides = array<i32>} : memref<20x128xi32, #tpu.memory_space<vmem>>, vector<1x16xi32>,
    %swap3A_626 = vector.shape_cast %swap3A_625 : vector<1x16xi32> to vector<16xi32>
    %swap3A_627 = vector.shape_cast %add3A_621 : vector<16xi32> to vector<1x16xi32>
    tpu.vector_store %arg6[%swap3A_623, %swap3A_624], %swap3A_627 {strides = array<i32>} : memref<20x128xi32, #tpu.memory_space<vmem>>, vector<1x16xi32>,
    %add3A_628 = arith.constant 4 : i32
    %add3A_629 = vector.broadcast %add3A_628 : i32 to vector<16xi32>
    %add3A_630 = arith.addi %mul3A_591, %add3A_629 : vector<16xi32>
    %swap3A_631 = arith.constant 17 : i32
    %swap3A_632 = arith.index_cast %swap3A_631 : i32 to index
    %swap3A_633 = arith.constant 48 : index
    %swap3A_634 = tpu.vector_load %arg6[%swap3A_632, %swap3A_633] {strides = array<i32>} : memref<20x128xi32, #tpu.memory_space<vmem>>, vector<1x16xi32>,
    %swap3A_635 = vector.shape_cast %swap3A_634 : vector<1x16xi32> to vector<16xi32>
    %swap3A_636 = vector.shape_cast %add3A_630 : vector<16xi32> to vector<1x16xi32>
    tpu.vector_store %arg6[%swap3A_632, %swap3A_633], %swap3A_636 {strides = array<i32>} : memref<20x128xi32, #tpu.memory_space<vmem>>, vector<1x16xi32>,
    %get3A_637 = arith.constant 1 : i32
    %get3A_638 = arith.index_cast %get3A_637 : i32 to index
    %get3A_639 = arith.constant 64 : index
    %get3A_640 = tpu.vector_load %arg5[%get3A_638, %get3A_639] {strides = array<i32>} : memref<4x128xi32, #tpu.memory_space<vmem>>, vector<1x16xi32>,
    %get3A_641 = vector.shape_cast %get3A_640 : vector<1x16xi32> to vector<16xi32>
    %mul3A_642 = arith.constant 5 : i32
    %mul3A_643 = vector.broadcast %mul3A_642 : i32 to vector<16xi32>
    %mul3A_644 = arith.muli %get3A_641, %mul3A_643 : vector<16xi32>
    %add3A_645 = arith.constant 0 : i32
    %add3A_646 = vector.broadcast %add3A_645 : i32 to vector<16xi32>
    %add3A_647 = arith.addi %mul3A_644, %add3A_646 : vector<16xi32>
    %swap3A_648 = arith.constant 1 : i32
    %swap3A_649 = arith.index_cast %swap3A_648 : i32 to index
    %swap3A_650 = arith.constant 64 : index
    %swap3A_651 = tpu.vector_load %arg6[%swap3A_649, %swap3A_650] {strides = array<i32>} : memref<20x128xi32, #tpu.memory_space<vmem>>, vector<1x16xi32>,
    %swap3A_652 = vector.shape_cast %swap3A_651 : vector<1x16xi32> to vector<16xi32>
    %swap3A_653 = vector.shape_cast %add3A_647 : vector<16xi32> to vector<1x16xi32>
    tpu.vector_store %arg6[%swap3A_649, %swap3A_650], %swap3A_653 {strides = array<i32>} : memref<20x128xi32, #tpu.memory_space<vmem>>, vector<1x16xi32>,
    %add3A_654 = arith.constant 1 : i32
    %add3A_655 = vector.broadcast %add3A_654 : i32 to vector<16xi32>
    %add3A_656 = arith.addi %mul3A_644, %add3A_655 : vector<16xi32>
    %swap3A_657 = arith.constant 5 : i32
    %swap3A_658 = arith.index_cast %swap3A_657 : i32 to index
    %swap3A_659 = arith.constant 64 : index
    %swap3A_660 = tpu.vector_load %arg6[%swap3A_658, %swap3A_659] {strides = array<i32>} : memref<20x128xi32, #tpu.memory_space<vmem>>, vector<1x16xi32>,
    %swap3A_661 = vector.shape_cast %swap3A_660 : vector<1x16xi32> to vector<16xi32>
    %swap3A_662 = vector.shape_cast %add3A_656 : vector<16xi32> to vector<1x16xi32>
    tpu.vector_store %arg6[%swap3A_658, %swap3A_659], %swap3A_662 {strides = array<i32>} : memref<20x128xi32, #tpu.memory_space<vmem>>, vector<1x16xi32>,
    %add3A_663 = arith.constant 2 : i32
    %add3A_664 = vector.broadcast %add3A_663 : i32 to vector<16xi32>
    %add3A_665 = arith.addi %mul3A_644, %add3A_664 : vector<16xi32>
    %swap3A_666 = arith.constant 9 : i32
    %swap3A_667 = arith.index_cast %swap3A_666 : i32 to index
    %swap3A_668 = arith.constant 64 : index
    %swap3A_669 = tpu.vector_load %arg6[%swap3A_667, %swap3A_668] {strides = array<i32>} : memref<20x128xi32, #tpu.memory_space<vmem>>, vector<1x16xi32>,
    %swap3A_670 = vector.shape_cast %swap3A_669 : vector<1x16xi32> to vector<16xi32>
    %swap3A_671 = vector.shape_cast %add3A_665 : vector<16xi32> to vector<1x16xi32>
    tpu.vector_store %arg6[%swap3A_667, %swap3A_668], %swap3A_671 {strides = array<i32>} : memref<20x128xi32, #tpu.memory_space<vmem>>, vector<1x16xi32>,
    %add3A_672 = arith.constant 3 : i32
    %add3A_673 = vector.broadcast %add3A_672 : i32 to vector<16xi32>
    %add3A_674 = arith.addi %mul3A_644, %add3A_673 : vector<16xi32>
    %swap3A_675 = arith.constant 13 : i32
    %swap3A_676 = arith.index_cast %swap3A_675 : i32 to index
    %swap3A_677 = arith.constant 64 : index
    %swap3A_678 = tpu.vector_load %arg6[%swap3A_676, %swap3A_677] {strides = array<i32>} : memref<20x128xi32, #tpu.memory_space<vmem>>, vector<1x16xi32>,
    %swap3A_679 = vector.shape_cast %swap3A_678 : vector<1x16xi32> to vector<16xi32>
    %swap3A_680 = vector.shape_cast %add3A_674 : vector<16xi32> to vector<1x16xi32>
    tpu.vector_store %arg6[%swap3A_676, %swap3A_677], %swap3A_680 {strides = array<i32>} : memref<20x128xi32, #tpu.memory_space<vmem>>, vector<1x16xi32>,
    %add3A_681 = arith.constant 4 : i32
    %add3A_682 = vector.broadcast %add3A_681 : i32 to vector<16xi32>
    %add3A_683 = arith.addi %mul3A_644, %add3A_682 : vector<16xi32>
    %swap3A_684 = arith.constant 17 : i32
    %swap3A_685 = arith.index_cast %swap3A_684 : i32 to index
    %swap3A_686 = arith.constant 64 : index
    %swap3A_687 = tpu.vector_load %arg6[%swap3A_685, %swap3A_686] {strides = array<i32>} : memref<20x128xi32, #tpu.memory_space<vmem>>, vector<1x16xi32>,
    %swap3A_688 = vector.shape_cast %swap3A_687 : vector<1x16xi32> to vector<16xi32>
    %swap3A_689 = vector.shape_cast %add3A_683 : vector<16xi32> to vector<1x16xi32>
    tpu.vector_store %arg6[%swap3A_685, %swap3A_686], %swap3A_689 {strides = array<i32>} : memref<20x128xi32, #tpu.memory_space<vmem>>, vector<1x16xi32>,
    %get3A_690 = arith.constant 1 : i32
    %get3A_691 = arith.index_cast %get3A_690 : i32 to index
    %get3A_692 = arith.constant 80 : index
    %get3A_693 = tpu.vector_load %arg5[%get3A_691, %get3A_692] {strides = array<i32>} : memref<4x128xi32, #tpu.memory_space<vmem>>, vector<1x16xi32>,
    %get3A_694 = vector.shape_cast %get3A_693 : vector<1x16xi32> to vector<16xi32>
    %mul3A_695 = arith.constant 5 : i32
    %mul3A_696 = vector.broadcast %mul3A_695 : i32 to vector<16xi32>
    %mul3A_697 = arith.muli %get3A_694, %mul3A_696 : vector<16xi32>
    %add3A_698 = arith.constant 0 : i32
    %add3A_699 = vector.broadcast %add3A_698 : i32 to vector<16xi32>
    %add3A_700 = arith.addi %mul3A_697, %add3A_699 : vector<16xi32>
    %swap3A_701 = arith.constant 1 : i32
    %swap3A_702 = arith.index_cast %swap3A_701 : i32 to index
    %swap3A_703 = arith.constant 80 : index
    %swap3A_704 = tpu.vector_load %arg6[%swap3A_702, %swap3A_703] {strides = array<i32>} : memref<20x128xi32, #tpu.memory_space<vmem>>, vector<1x16xi32>,
    %swap3A_705 = vector.shape_cast %swap3A_704 : vector<1x16xi32> to vector<16xi32>
    %swap3A_706 = vector.shape_cast %add3A_700 : vector<16xi32> to vector<1x16xi32>
    tpu.vector_store %arg6[%swap3A_702, %swap3A_703], %swap3A_706 {strides = array<i32>} : memref<20x128xi32, #tpu.memory_space<vmem>>, vector<1x16xi32>,
    %add3A_707 = arith.constant 1 : i32
    %add3A_708 = vector.broadcast %add3A_707 : i32 to vector<16xi32>
    %add3A_709 = arith.addi %mul3A_697, %add3A_708 : vector<16xi32>
    %swap3A_710 = arith.constant 5 : i32
    %swap3A_711 = arith.index_cast %swap3A_710 : i32 to index
    %swap3A_712 = arith.constant 80 : index
    %swap3A_713 = tpu.vector_load %arg6[%swap3A_711, %swap3A_712] {strides = array<i32>} : memref<20x128xi32, #tpu.memory_space<vmem>>, vector<1x16xi32>,
    %swap3A_714 = vector.shape_cast %swap3A_713 : vector<1x16xi32> to vector<16xi32>
    %swap3A_715 = vector.shape_cast %add3A_709 : vector<16xi32> to vector<1x16xi32>
    tpu.vector_store %arg6[%swap3A_711, %swap3A_712], %swap3A_715 {strides = array<i32>} : memref<20x128xi32, #tpu.memory_space<vmem>>, vector<1x16xi32>,
    %add3A_716 = arith.constant 2 : i32
    %add3A_717 = vector.broadcast %add3A_716 : i32 to vector<16xi32>
    %add3A_718 = arith.addi %mul3A_697, %add3A_717 : vector<16xi32>
    %swap3A_719 = arith.constant 9 : i32
    %swap3A_720 = arith.index_cast %swap3A_719 : i32 to index
    %swap3A_721 = arith.constant 80 : index
    %swap3A_722 = tpu.vector_load %arg6[%swap3A_720, %swap3A_721] {strides = array<i32>} : memref<20x128xi32, #tpu.memory_space<vmem>>, vector<1x16xi32>,
    %swap3A_723 = vector.shape_cast %swap3A_722 : vector<1x16xi32> to vector<16xi32>
    %swap3A_724 = vector.shape_cast %add3A_718 : vector<16xi32> to vector<1x16xi32>
    tpu.vector_store %arg6[%swap3A_720, %swap3A_721], %swap3A_724 {strides = array<i32>} : memref<20x128xi32, #tpu.memory_space<vmem>>, vector<1x16xi32>,
    %add3A_725 = arith.constant 3 : i32
    %add3A_726 = vector.broadcast %add3A_725 : i32 to vector<16xi32>
    %add3A_727 = arith.addi %mul3A_697, %add3A_726 : vector<16xi32>
    %swap3A_728 = arith.constant 13 : i32
    %swap3A_729 = arith.index_cast %swap3A_728 : i32 to index
    %swap3A_730 = arith.constant 80 : index
    %swap3A_731 = tpu.vector_load %arg6[%swap3A_729, %swap3A_730] {strides = array<i32>} : memref<20x128xi32, #tpu.memory_space<vmem>>, vector<1x16xi32>,
    %swap3A_732 = vector.shape_cast %swap3A_731 : vector<1x16xi32> to vector<16xi32>
    %swap3A_733 = vector.shape_cast %add3A_727 : vector<16xi32> to vector<1x16xi32>
    tpu.vector_store %arg6[%swap3A_729, %swap3A_730], %swap3A_733 {strides = array<i32>} : memref<20x128xi32, #tpu.memory_space<vmem>>, vector<1x16xi32>,
    %add3A_734 = arith.constant 4 : i32
    %add3A_735 = vector.broadcast %add3A_734 : i32 to vector<16xi32>
    %add3A_736 = arith.addi %mul3A_697, %add3A_735 : vector<16xi32>
    %swap3A_737 = arith.constant 17 : i32
    %swap3A_738 = arith.index_cast %swap3A_737 : i32 to index
    %swap3A_739 = arith.constant 80 : index
    %swap3A_740 = tpu.vector_load %arg6[%swap3A_738, %swap3A_739] {strides = array<i32>} : memref<20x128xi32, #tpu.memory_space<vmem>>, vector<1x16xi32>,
    %swap3A_741 = vector.shape_cast %swap3A_740 : vector<1x16xi32> to vector<16xi32>
    %swap3A_742 = vector.shape_cast %add3A_736 : vector<16xi32> to vector<1x16xi32>
    tpu.vector_store %arg6[%swap3A_738, %swap3A_739], %swap3A_742 {strides = array<i32>} : memref<20x128xi32, #tpu.memory_space<vmem>>, vector<1x16xi32>,
    %get3A_743 = arith.constant 1 : i32
    %get3A_744 = arith.index_cast %get3A_743 : i32 to index
    %get3A_745 = arith.constant 96 : index
    %get3A_746 = tpu.vector_load %arg5[%get3A_744, %get3A_745] {strides = array<i32>} : memref<4x128xi32, #tpu.memory_space<vmem>>, vector<1x16xi32>,
    %get3A_747 = vector.shape_cast %get3A_746 : vector<1x16xi32> to vector<16xi32>
    %mul3A_748 = arith.constant 5 : i32
    %mul3A_749 = vector.broadcast %mul3A_748 : i32 to vector<16xi32>
    %mul3A_750 = arith.muli %get3A_747, %mul3A_749 : vector<16xi32>
    %add3A_751 = arith.constant 0 : i32
    %add3A_752 = vector.broadcast %add3A_751 : i32 to vector<16xi32>
    %add3A_753 = arith.addi %mul3A_750, %add3A_752 : vector<16xi32>
    %swap3A_754 = arith.constant 1 : i32
    %swap3A_755 = arith.index_cast %swap3A_754 : i32 to index
    %swap3A_756 = arith.constant 96 : index
    %swap3A_757 = tpu.vector_load %arg6[%swap3A_755, %swap3A_756] {strides = array<i32>} : memref<20x128xi32, #tpu.memory_space<vmem>>, vector<1x16xi32>,
    %swap3A_758 = vector.shape_cast %swap3A_757 : vector<1x16xi32> to vector<16xi32>
    %swap3A_759 = vector.shape_cast %add3A_753 : vector<16xi32> to vector<1x16xi32>
    tpu.vector_store %arg6[%swap3A_755, %swap3A_756], %swap3A_759 {strides = array<i32>} : memref<20x128xi32, #tpu.memory_space<vmem>>, vector<1x16xi32>,
    %add3A_760 = arith.constant 1 : i32
    %add3A_761 = vector.broadcast %add3A_760 : i32 to vector<16xi32>
    %add3A_762 = arith.addi %mul3A_750, %add3A_761 : vector<16xi32>
    %swap3A_763 = arith.constant 5 : i32
    %swap3A_764 = arith.index_cast %swap3A_763 : i32 to index
    %swap3A_765 = arith.constant 96 : index
    %swap3A_766 = tpu.vector_load %arg6[%swap3A_764, %swap3A_765] {strides = array<i32>} : memref<20x128xi32, #tpu.memory_space<vmem>>, vector<1x16xi32>,
    %swap3A_767 = vector.shape_cast %swap3A_766 : vector<1x16xi32> to vector<16xi32>
    %swap3A_768 = vector.shape_cast %add3A_762 : vector<16xi32> to vector<1x16xi32>
    tpu.vector_store %arg6[%swap3A_764, %swap3A_765], %swap3A_768 {strides = array<i32>} : memref<20x128xi32, #tpu.memory_space<vmem>>, vector<1x16xi32>,
    %add3A_769 = arith.constant 2 : i32
    %add3A_770 = vector.broadcast %add3A_769 : i32 to vector<16xi32>
    %add3A_771 = arith.addi %mul3A_750, %add3A_770 : vector<16xi32>
    %swap3A_772 = arith.constant 9 : i32
    %swap3A_773 = arith.index_cast %swap3A_772 : i32 to index
    %swap3A_774 = arith.constant 96 : index
    %swap3A_775 = tpu.vector_load %arg6[%swap3A_773, %swap3A_774] {strides = array<i32>} : memref<20x128xi32, #tpu.memory_space<vmem>>, vector<1x16xi32>,
    %swap3A_776 = vector.shape_cast %swap3A_775 : vector<1x16xi32> to vector<16xi32>
    %swap3A_777 = vector.shape_cast %add3A_771 : vector<16xi32> to vector<1x16xi32>
    tpu.vector_store %arg6[%swap3A_773, %swap3A_774], %swap3A_777 {strides = array<i32>} : memref<20x128xi32, #tpu.memory_space<vmem>>, vector<1x16xi32>,
    %add3A_778 = arith.constant 3 : i32
    %add3A_779 = vector.broadcast %add3A_778 : i32 to vector<16xi32>
    %add3A_780 = arith.addi %mul3A_750, %add3A_779 : vector<16xi32>
    %swap3A_781 = arith.constant 13 : i32
    %swap3A_782 = arith.index_cast %swap3A_781 : i32 to index
    %swap3A_783 = arith.constant 96 : index
    %swap3A_784 = tpu.vector_load %arg6[%swap3A_782, %swap3A_783] {strides = array<i32>} : memref<20x128xi32, #tpu.memory_space<vmem>>, vector<1x16xi32>,
    %swap3A_785 = vector.shape_cast %swap3A_784 : vector<1x16xi32> to vector<16xi32>
    %swap3A_786 = vector.shape_cast %add3A_780 : vector<16xi32> to vector<1x16xi32>
    tpu.vector_store %arg6[%swap3A_782, %swap3A_783], %swap3A_786 {strides = array<i32>} : memref<20x128xi32, #tpu.memory_space<vmem>>, vector<1x16xi32>,
    %add3A_787 = arith.constant 4 : i32
    %add3A_788 = vector.broadcast %add3A_787 : i32 to vector<16xi32>
    %add3A_789 = arith.addi %mul3A_750, %add3A_788 : vector<16xi32>
    %swap3A_790 = arith.constant 17 : i32
    %swap3A_791 = arith.index_cast %swap3A_790 : i32 to index
    %swap3A_792 = arith.constant 96 : index
    %swap3A_793 = tpu.vector_load %arg6[%swap3A_791, %swap3A_792] {strides = array<i32>} : memref<20x128xi32, #tpu.memory_space<vmem>>, vector<1x16xi32>,
    %swap3A_794 = vector.shape_cast %swap3A_793 : vector<1x16xi32> to vector<16xi32>
    %swap3A_795 = vector.shape_cast %add3A_789 : vector<16xi32> to vector<1x16xi32>
    tpu.vector_store %arg6[%swap3A_791, %swap3A_792], %swap3A_795 {strides = array<i32>} : memref<20x128xi32, #tpu.memory_space<vmem>>, vector<1x16xi32>,
    %get3A_796 = arith.constant 1 : i32
    %get3A_797 = arith.index_cast %get3A_796 : i32 to index
    %get3A_798 = arith.constant 112 : index
    %get3A_799 = tpu.vector_load %arg5[%get3A_797, %get3A_798] {strides = array<i32>} : memref<4x128xi32, #tpu.memory_space<vmem>>, vector<1x16xi32>,
    %get3A_800 = vector.shape_cast %get3A_799 : vector<1x16xi32> to vector<16xi32>
    %mul3A_801 = arith.constant 5 : i32
    %mul3A_802 = vector.broadcast %mul3A_801 : i32 to vector<16xi32>
    %mul3A_803 = arith.muli %get3A_800, %mul3A_802 : vector<16xi32>
    %add3A_804 = arith.constant 0 : i32
    %add3A_805 = vector.broadcast %add3A_804 : i32 to vector<16xi32>
    %add3A_806 = arith.addi %mul3A_803, %add3A_805 : vector<16xi32>
    %swap3A_807 = arith.constant 1 : i32
    %swap3A_808 = arith.index_cast %swap3A_807 : i32 to index
    %swap3A_809 = arith.constant 112 : index
    %swap3A_810 = tpu.vector_load %arg6[%swap3A_808, %swap3A_809] {strides = array<i32>} : memref<20x128xi32, #tpu.memory_space<vmem>>, vector<1x16xi32>,
    %swap3A_811 = vector.shape_cast %swap3A_810 : vector<1x16xi32> to vector<16xi32>
    %swap3A_812 = vector.shape_cast %add3A_806 : vector<16xi32> to vector<1x16xi32>
    tpu.vector_store %arg6[%swap3A_808, %swap3A_809], %swap3A_812 {strides = array<i32>} : memref<20x128xi32, #tpu.memory_space<vmem>>, vector<1x16xi32>,
    %add3A_813 = arith.constant 1 : i32
    %add3A_814 = vector.broadcast %add3A_813 : i32 to vector<16xi32>
    %add3A_815 = arith.addi %mul3A_803, %add3A_814 : vector<16xi32>
    %swap3A_816 = arith.constant 5 : i32
    %swap3A_817 = arith.index_cast %swap3A_816 : i32 to index
    %swap3A_818 = arith.constant 112 : index
    %swap3A_819 = tpu.vector_load %arg6[%swap3A_817, %swap3A_818] {strides = array<i32>} : memref<20x128xi32, #tpu.memory_space<vmem>>, vector<1x16xi32>,
    %swap3A_820 = vector.shape_cast %swap3A_819 : vector<1x16xi32> to vector<16xi32>
    %swap3A_821 = vector.shape_cast %add3A_815 : vector<16xi32> to vector<1x16xi32>
    tpu.vector_store %arg6[%swap3A_817, %swap3A_818], %swap3A_821 {strides = array<i32>} : memref<20x128xi32, #tpu.memory_space<vmem>>, vector<1x16xi32>,
    %add3A_822 = arith.constant 2 : i32
    %add3A_823 = vector.broadcast %add3A_822 : i32 to vector<16xi32>
    %add3A_824 = arith.addi %mul3A_803, %add3A_823 : vector<16xi32>
    %swap3A_825 = arith.constant 9 : i32
    %swap3A_826 = arith.index_cast %swap3A_825 : i32 to index
    %swap3A_827 = arith.constant 112 : index
    %swap3A_828 = tpu.vector_load %arg6[%swap3A_826, %swap3A_827] {strides = array<i32>} : memref<20x128xi32, #tpu.memory_space<vmem>>, vector<1x16xi32>,
    %swap3A_829 = vector.shape_cast %swap3A_828 : vector<1x16xi32> to vector<16xi32>
    %swap3A_830 = vector.shape_cast %add3A_824 : vector<16xi32> to vector<1x16xi32>
    tpu.vector_store %arg6[%swap3A_826, %swap3A_827], %swap3A_830 {strides = array<i32>} : memref<20x128xi32, #tpu.memory_space<vmem>>, vector<1x16xi32>,
    %add3A_831 = arith.constant 3 : i32
    %add3A_832 = vector.broadcast %add3A_831 : i32 to vector<16xi32>
    %add3A_833 = arith.addi %mul3A_803, %add3A_832 : vector<16xi32>
    %swap3A_834 = arith.constant 13 : i32
    %swap3A_835 = arith.index_cast %swap3A_834 : i32 to index
    %swap3A_836 = arith.constant 112 : index
    %swap3A_837 = tpu.vector_load %arg6[%swap3A_835, %swap3A_836] {strides = array<i32>} : memref<20x128xi32, #tpu.memory_space<vmem>>, vector<1x16xi32>,
    %swap3A_838 = vector.shape_cast %swap3A_837 : vector<1x16xi32> to vector<16xi32>
    %swap3A_839 = vector.shape_cast %add3A_833 : vector<16xi32> to vector<1x16xi32>
    tpu.vector_store %arg6[%swap3A_835, %swap3A_836], %swap3A_839 {strides = array<i32>} : memref<20x128xi32, #tpu.memory_space<vmem>>, vector<1x16xi32>,
    %add3A_840 = arith.constant 4 : i32
    %add3A_841 = vector.broadcast %add3A_840 : i32 to vector<16xi32>
    %add3A_842 = arith.addi %mul3A_803, %add3A_841 : vector<16xi32>
    %swap3A_843 = arith.constant 17 : i32
    %swap3A_844 = arith.index_cast %swap3A_843 : i32 to index
    %swap3A_845 = arith.constant 112 : index
    %swap3A_846 = tpu.vector_load %arg6[%swap3A_844, %swap3A_845] {strides = array<i32>} : memref<20x128xi32, #tpu.memory_space<vmem>>, vector<1x16xi32>,
    %swap3A_847 = vector.shape_cast %swap3A_846 : vector<1x16xi32> to vector<16xi32>
    %swap3A_848 = vector.shape_cast %add3A_842 : vector<16xi32> to vector<1x16xi32>
    tpu.vector_store %arg6[%swap3A_844, %swap3A_845], %swap3A_848 {strides = array<i32>} : memref<20x128xi32, #tpu.memory_space<vmem>>, vector<1x16xi32>,
    %get3A_849 = arith.constant 2 : i32
    %get3A_850 = arith.index_cast %get3A_849 : i32 to index
    %get3A_851 = arith.constant 0 : index
    %get3A_852 = tpu.vector_load %arg5[%get3A_850, %get3A_851] {strides = array<i32>} : memref<4x128xi32, #tpu.memory_space<vmem>>, vector<1x16xi32>,
    %get3A_853 = vector.shape_cast %get3A_852 : vector<1x16xi32> to vector<16xi32>
    %mul3A_854 = arith.constant 5 : i32
    %mul3A_855 = vector.broadcast %mul3A_854 : i32 to vector<16xi32>
    %mul3A_856 = arith.muli %get3A_853, %mul3A_855 : vector<16xi32>
    %add3A_857 = arith.constant 0 : i32
    %add3A_858 = vector.broadcast %add3A_857 : i32 to vector<16xi32>
    %add3A_859 = arith.addi %mul3A_856, %add3A_858 : vector<16xi32>
    %swap3A_860 = arith.constant 2 : i32
    %swap3A_861 = arith.index_cast %swap3A_860 : i32 to index
    %swap3A_862 = arith.constant 0 : index
    %swap3A_863 = tpu.vector_load %arg6[%swap3A_861, %swap3A_862] {strides = array<i32>} : memref<20x128xi32, #tpu.memory_space<vmem>>, vector<1x16xi32>,
    %swap3A_864 = vector.shape_cast %swap3A_863 : vector<1x16xi32> to vector<16xi32>
    %swap3A_865 = vector.shape_cast %add3A_859 : vector<16xi32> to vector<1x16xi32>
    tpu.vector_store %arg6[%swap3A_861, %swap3A_862], %swap3A_865 {strides = array<i32>} : memref<20x128xi32, #tpu.memory_space<vmem>>, vector<1x16xi32>,
    %add3A_866 = arith.constant 1 : i32
    %add3A_867 = vector.broadcast %add3A_866 : i32 to vector<16xi32>
    %add3A_868 = arith.addi %mul3A_856, %add3A_867 : vector<16xi32>
    %swap3A_869 = arith.constant 6 : i32
    %swap3A_870 = arith.index_cast %swap3A_869 : i32 to index
    %swap3A_871 = arith.constant 0 : index
    %swap3A_872 = tpu.vector_load %arg6[%swap3A_870, %swap3A_871] {strides = array<i32>} : memref<20x128xi32, #tpu.memory_space<vmem>>, vector<1x16xi32>,
    %swap3A_873 = vector.shape_cast %swap3A_872 : vector<1x16xi32> to vector<16xi32>
    %swap3A_874 = vector.shape_cast %add3A_868 : vector<16xi32> to vector<1x16xi32>
    tpu.vector_store %arg6[%swap3A_870, %swap3A_871], %swap3A_874 {strides = array<i32>} : memref<20x128xi32, #tpu.memory_space<vmem>>, vector<1x16xi32>,
    %add3A_875 = arith.constant 2 : i32
    %add3A_876 = vector.broadcast %add3A_875 : i32 to vector<16xi32>
    %add3A_877 = arith.addi %mul3A_856, %add3A_876 : vector<16xi32>
    %swap3A_878 = arith.constant 10 : i32
    %swap3A_879 = arith.index_cast %swap3A_878 : i32 to index
    %swap3A_880 = arith.constant 0 : index
    %swap3A_881 = tpu.vector_load %arg6[%swap3A_879, %swap3A_880] {strides = array<i32>} : memref<20x128xi32, #tpu.memory_space<vmem>>, vector<1x16xi32>,
    %swap3A_882 = vector.shape_cast %swap3A_881 : vector<1x16xi32> to vector<16xi32>
    %swap3A_883 = vector.shape_cast %add3A_877 : vector<16xi32> to vector<1x16xi32>
    tpu.vector_store %arg6[%swap3A_879, %swap3A_880], %swap3A_883 {strides = array<i32>} : memref<20x128xi32, #tpu.memory_space<vmem>>, vector<1x16xi32>,
    %add3A_884 = arith.constant 3 : i32
    %add3A_885 = vector.broadcast %add3A_884 : i32 to vector<16xi32>
    %add3A_886 = arith.addi %mul3A_856, %add3A_885 : vector<16xi32>
    %swap3A_887 = arith.constant 14 : i32
    %swap3A_888 = arith.index_cast %swap3A_887 : i32 to index
    %swap3A_889 = arith.constant 0 : index
    %swap3A_890 = tpu.vector_load %arg6[%swap3A_888, %swap3A_889] {strides = array<i32>} : memref<20x128xi32, #tpu.memory_space<vmem>>, vector<1x16xi32>,
    %swap3A_891 = vector.shape_cast %swap3A_890 : vector<1x16xi32> to vector<16xi32>
    %swap3A_892 = vector.shape_cast %add3A_886 : vector<16xi32> to vector<1x16xi32>
    tpu.vector_store %arg6[%swap3A_888, %swap3A_889], %swap3A_892 {strides = array<i32>} : memref<20x128xi32, #tpu.memory_space<vmem>>, vector<1x16xi32>,
    %add3A_893 = arith.constant 4 : i32
    %add3A_894 = vector.broadcast %add3A_893 : i32 to vector<16xi32>
    %add3A_895 = arith.addi %mul3A_856, %add3A_894 : vector<16xi32>
    %swap3A_896 = arith.constant 18 : i32
    %swap3A_897 = arith.index_cast %swap3A_896 : i32 to index
    %swap3A_898 = arith.constant 0 : index
    %swap3A_899 = tpu.vector_load %arg6[%swap3A_897, %swap3A_898] {strides = array<i32>} : memref<20x128xi32, #tpu.memory_space<vmem>>, vector<1x16xi32>,
    %swap3A_900 = vector.shape_cast %swap3A_899 : vector<1x16xi32> to vector<16xi32>
    %swap3A_901 = vector.shape_cast %add3A_895 : vector<16xi32> to vector<1x16xi32>
    tpu.vector_store %arg6[%swap3A_897, %swap3A_898], %swap3A_901 {strides = array<i32>} : memref<20x128xi32, #tpu.memory_space<vmem>>, vector<1x16xi32>,
    %get3A_902 = arith.constant 2 : i32
    %get3A_903 = arith.index_cast %get3A_902 : i32 to index
    %get3A_904 = arith.constant 16 : index
    %get3A_905 = tpu.vector_load %arg5[%get3A_903, %get3A_904] {strides = array<i32>} : memref<4x128xi32, #tpu.memory_space<vmem>>, vector<1x16xi32>,
    %get3A_906 = vector.shape_cast %get3A_905 : vector<1x16xi32> to vector<16xi32>
    %mul3A_907 = arith.constant 5 : i32
    %mul3A_908 = vector.broadcast %mul3A_907 : i32 to vector<16xi32>
    %mul3A_909 = arith.muli %get3A_906, %mul3A_908 : vector<16xi32>
    %add3A_910 = arith.constant 0 : i32
    %add3A_911 = vector.broadcast %add3A_910 : i32 to vector<16xi32>
    %add3A_912 = arith.addi %mul3A_909, %add3A_911 : vector<16xi32>
    %swap3A_913 = arith.constant 2 : i32
    %swap3A_914 = arith.index_cast %swap3A_913 : i32 to index
    %swap3A_915 = arith.constant 16 : index
    %swap3A_916 = tpu.vector_load %arg6[%swap3A_914, %swap3A_915] {strides = array<i32>} : memref<20x128xi32, #tpu.memory_space<vmem>>, vector<1x16xi32>,
    %swap3A_917 = vector.shape_cast %swap3A_916 : vector<1x16xi32> to vector<16xi32>
    %swap3A_918 = vector.shape_cast %add3A_912 : vector<16xi32> to vector<1x16xi32>
    tpu.vector_store %arg6[%swap3A_914, %swap3A_915], %swap3A_918 {strides = array<i32>} : memref<20x128xi32, #tpu.memory_space<vmem>>, vector<1x16xi32>,
    %add3A_919 = arith.constant 1 : i32
    %add3A_920 = vector.broadcast %add3A_919 : i32 to vector<16xi32>
    %add3A_921 = arith.addi %mul3A_909, %add3A_920 : vector<16xi32>
    %swap3A_922 = arith.constant 6 : i32
    %swap3A_923 = arith.index_cast %swap3A_922 : i32 to index
    %swap3A_924 = arith.constant 16 : index
    %swap3A_925 = tpu.vector_load %arg6[%swap3A_923, %swap3A_924] {strides = array<i32>} : memref<20x128xi32, #tpu.memory_space<vmem>>, vector<1x16xi32>,
    %swap3A_926 = vector.shape_cast %swap3A_925 : vector<1x16xi32> to vector<16xi32>
    %swap3A_927 = vector.shape_cast %add3A_921 : vector<16xi32> to vector<1x16xi32>
    tpu.vector_store %arg6[%swap3A_923, %swap3A_924], %swap3A_927 {strides = array<i32>} : memref<20x128xi32, #tpu.memory_space<vmem>>, vector<1x16xi32>,
    %add3A_928 = arith.constant 2 : i32
    %add3A_929 = vector.broadcast %add3A_928 : i32 to vector<16xi32>
    %add3A_930 = arith.addi %mul3A_909, %add3A_929 : vector<16xi32>
    %swap3A_931 = arith.constant 10 : i32
    %swap3A_932 = arith.index_cast %swap3A_931 : i32 to index
    %swap3A_933 = arith.constant 16 : index
    %swap3A_934 = tpu.vector_load %arg6[%swap3A_932, %swap3A_933] {strides = array<i32>} : memref<20x128xi32, #tpu.memory_space<vmem>>, vector<1x16xi32>,
    %swap3A_935 = vector.shape_cast %swap3A_934 : vector<1x16xi32> to vector<16xi32>
    %swap3A_936 = vector.shape_cast %add3A_930 : vector<16xi32> to vector<1x16xi32>
    tpu.vector_store %arg6[%swap3A_932, %swap3A_933], %swap3A_936 {strides = array<i32>} : memref<20x128xi32, #tpu.memory_space<vmem>>, vector<1x16xi32>,
    %add3A_937 = arith.constant 3 : i32
    %add3A_938 = vector.broadcast %add3A_937 : i32 to vector<16xi32>
    %add3A_939 = arith.addi %mul3A_909, %add3A_938 : vector<16xi32>
    %swap3A_940 = arith.constant 14 : i32
    %swap3A_941 = arith.index_cast %swap3A_940 : i32 to index
    %swap3A_942 = arith.constant 16 : index
    %swap3A_943 = tpu.vector_load %arg6[%swap3A_941, %swap3A_942] {strides = array<i32>} : memref<20x128xi32, #tpu.memory_space<vmem>>, vector<1x16xi32>,
    %swap3A_944 = vector.shape_cast %swap3A_943 : vector<1x16xi32> to vector<16xi32>
    %swap3A_945 = vector.shape_cast %add3A_939 : vector<16xi32> to vector<1x16xi32>
    tpu.vector_store %arg6[%swap3A_941, %swap3A_942], %swap3A_945 {strides = array<i32>} : memref<20x128xi32, #tpu.memory_space<vmem>>, vector<1x16xi32>,
    %add3A_946 = arith.constant 4 : i32
    %add3A_947 = vector.broadcast %add3A_946 : i32 to vector<16xi32>
    %add3A_948 = arith.addi %mul3A_909, %add3A_947 : vector<16xi32>
    %swap3A_949 = arith.constant 18 : i32
    %swap3A_950 = arith.index_cast %swap3A_949 : i32 to index
    %swap3A_951 = arith.constant 16 : index
    %swap3A_952 = tpu.vector_load %arg6[%swap3A_950, %swap3A_951] {strides = array<i32>} : memref<20x128xi32, #tpu.memory_space<vmem>>, vector<1x16xi32>,
    %swap3A_953 = vector.shape_cast %swap3A_952 : vector<1x16xi32> to vector<16xi32>
    %swap3A_954 = vector.shape_cast %add3A_948 : vector<16xi32> to vector<1x16xi32>
    tpu.vector_store %arg6[%swap3A_950, %swap3A_951], %swap3A_954 {strides = array<i32>} : memref<20x128xi32, #tpu.memory_space<vmem>>, vector<1x16xi32>,
    %get3A_955 = arith.constant 2 : i32
    %get3A_956 = arith.index_cast %get3A_955 : i32 to index
    %get3A_957 = arith.constant 32 : index
    %get3A_958 = tpu.vector_load %arg5[%get3A_956, %get3A_957] {strides = array<i32>} : memref<4x128xi32, #tpu.memory_space<vmem>>, vector<1x16xi32>,
    %get3A_959 = vector.shape_cast %get3A_958 : vector<1x16xi32> to vector<16xi32>
    %mul3A_960 = arith.constant 5 : i32
    %mul3A_961 = vector.broadcast %mul3A_960 : i32 to vector<16xi32>
    %mul3A_962 = arith.muli %get3A_959, %mul3A_961 : vector<16xi32>
    %add3A_963 = arith.constant 0 : i32
    %add3A_964 = vector.broadcast %add3A_963 : i32 to vector<16xi32>
    %add3A_965 = arith.addi %mul3A_962, %add3A_964 : vector<16xi32>
    %swap3A_966 = arith.constant 2 : i32
    %swap3A_967 = arith.index_cast %swap3A_966 : i32 to index
    %swap3A_968 = arith.constant 32 : index
    %swap3A_969 = tpu.vector_load %arg6[%swap3A_967, %swap3A_968] {strides = array<i32>} : memref<20x128xi32, #tpu.memory_space<vmem>>, vector<1x16xi32>,
    %swap3A_970 = vector.shape_cast %swap3A_969 : vector<1x16xi32> to vector<16xi32>
    %swap3A_971 = vector.shape_cast %add3A_965 : vector<16xi32> to vector<1x16xi32>
    tpu.vector_store %arg6[%swap3A_967, %swap3A_968], %swap3A_971 {strides = array<i32>} : memref<20x128xi32, #tpu.memory_space<vmem>>, vector<1x16xi32>,
    %add3A_972 = arith.constant 1 : i32
    %add3A_973 = vector.broadcast %add3A_972 : i32 to vector<16xi32>
    %add3A_974 = arith.addi %mul3A_962, %add3A_973 : vector<16xi32>
    %swap3A_975 = arith.constant 6 : i32
    %swap3A_976 = arith.index_cast %swap3A_975 : i32 to index
    %swap3A_977 = arith.constant 32 : index
    %swap3A_978 = tpu.vector_load %arg6[%swap3A_976, %swap3A_977] {strides = array<i32>} : memref<20x128xi32, #tpu.memory_space<vmem>>, vector<1x16xi32>,
    %swap3A_979 = vector.shape_cast %swap3A_978 : vector<1x16xi32> to vector<16xi32>
    %swap3A_980 = vector.shape_cast %add3A_974 : vector<16xi32> to vector<1x16xi32>
    tpu.vector_store %arg6[%swap3A_976, %swap3A_977], %swap3A_980 {strides = array<i32>} : memref<20x128xi32, #tpu.memory_space<vmem>>, vector<1x16xi32>,
    %add3A_981 = arith.constant 2 : i32
    %add3A_982 = vector.broadcast %add3A_981 : i32 to vector<16xi32>
    %add3A_983 = arith.addi %mul3A_962, %add3A_982 : vector<16xi32>
    %swap3A_984 = arith.constant 10 : i32
    %swap3A_985 = arith.index_cast %swap3A_984 : i32 to index
    %swap3A_986 = arith.constant 32 : index
    %swap3A_987 = tpu.vector_load %arg6[%swap3A_985, %swap3A_986] {strides = array<i32>} : memref<20x128xi32, #tpu.memory_space<vmem>>, vector<1x16xi32>,
    %swap3A_988 = vector.shape_cast %swap3A_987 : vector<1x16xi32> to vector<16xi32>
    %swap3A_989 = vector.shape_cast %add3A_983 : vector<16xi32> to vector<1x16xi32>
    tpu.vector_store %arg6[%swap3A_985, %swap3A_986], %swap3A_989 {strides = array<i32>} : memref<20x128xi32, #tpu.memory_space<vmem>>, vector<1x16xi32>,
    %add3A_990 = arith.constant 3 : i32
    %add3A_991 = vector.broadcast %add3A_990 : i32 to vector<16xi32>
    %add3A_992 = arith.addi %mul3A_962, %add3A_991 : vector<16xi32>
    %swap3A_993 = arith.constant 14 : i32
    %swap3A_994 = arith.index_cast %swap3A_993 : i32 to index
    %swap3A_995 = arith.constant 32 : index
    %swap3A_996 = tpu.vector_load %arg6[%swap3A_994, %swap3A_995] {strides = array<i32>} : memref<20x128xi32, #tpu.memory_space<vmem>>, vector<1x16xi32>,
    %swap3A_997 = vector.shape_cast %swap3A_996 : vector<1x16xi32> to vector<16xi32>
    %swap3A_998 = vector.shape_cast %add3A_992 : vector<16xi32> to vector<1x16xi32>
    tpu.vector_store %arg6[%swap3A_994, %swap3A_995], %swap3A_998 {strides = array<i32>} : memref<20x128xi32, #tpu.memory_space<vmem>>, vector<1x16xi32>,
    %add3A_999 = arith.constant 4 : i32
    %add3A_1000 = vector.broadcast %add3A_999 : i32 to vector<16xi32>
    %add3A_1001 = arith.addi %mul3A_962, %add3A_1000 : vector<16xi32>
    %swap3A_1002 = arith.constant 18 : i32
    %swap3A_1003 = arith.index_cast %swap3A_1002 : i32 to index
    %swap3A_1004 = arith.constant 32 : index
    %swap3A_1005 = tpu.vector_load %arg6[%swap3A_1003, %swap3A_1004] {strides = array<i32>} : memref<20x128xi32, #tpu.memory_space<vmem>>, vector<1x16xi32>,
    %swap3A_1006 = vector.shape_cast %swap3A_1005 : vector<1x16xi32> to vector<16xi32>
    %swap3A_1007 = vector.shape_cast %add3A_1001 : vector<16xi32> to vector<1x16xi32>
    tpu.vector_store %arg6[%swap3A_1003, %swap3A_1004], %swap3A_1007 {strides = array<i32>} : memref<20x128xi32, #tpu.memory_space<vmem>>, vector<1x16xi32>,
    %get3A_1008 = arith.constant 2 : i32
    %get3A_1009 = arith.index_cast %get3A_1008 : i32 to index
    %get3A_1010 = arith.constant 48 : index
    %get3A_1011 = tpu.vector_load %arg5[%get3A_1009, %get3A_1010] {strides = array<i32>} : memref<4x128xi32, #tpu.memory_space<vmem>>, vector<1x16xi32>,
    %get3A_1012 = vector.shape_cast %get3A_1011 : vector<1x16xi32> to vector<16xi32>
    %mul3A_1013 = arith.constant 5 : i32
    %mul3A_1014 = vector.broadcast %mul3A_1013 : i32 to vector<16xi32>
    %mul3A_1015 = arith.muli %get3A_1012, %mul3A_1014 : vector<16xi32>
    %add3A_1016 = arith.constant 0 : i32
    %add3A_1017 = vector.broadcast %add3A_1016 : i32 to vector<16xi32>
    %add3A_1018 = arith.addi %mul3A_1015, %add3A_1017 : vector<16xi32>
    %swap3A_1019 = arith.constant 2 : i32
    %swap3A_1020 = arith.index_cast %swap3A_1019 : i32 to index
    %swap3A_1021 = arith.constant 48 : index
    %swap3A_1022 = tpu.vector_load %arg6[%swap3A_1020, %swap3A_1021] {strides = array<i32>} : memref<20x128xi32, #tpu.memory_space<vmem>>, vector<1x16xi32>,
    %swap3A_1023 = vector.shape_cast %swap3A_1022 : vector<1x16xi32> to vector<16xi32>
    %swap3A_1024 = vector.shape_cast %add3A_1018 : vector<16xi32> to vector<1x16xi32>
    tpu.vector_store %arg6[%swap3A_1020, %swap3A_1021], %swap3A_1024 {strides = array<i32>} : memref<20x128xi32, #tpu.memory_space<vmem>>, vector<1x16xi32>,
    %add3A_1025 = arith.constant 1 : i32
    %add3A_1026 = vector.broadcast %add3A_1025 : i32 to vector<16xi32>
    %add3A_1027 = arith.addi %mul3A_1015, %add3A_1026 : vector<16xi32>
    %swap3A_1028 = arith.constant 6 : i32
    %swap3A_1029 = arith.index_cast %swap3A_1028 : i32 to index
    %swap3A_1030 = arith.constant 48 : index
    %swap3A_1031 = tpu.vector_load %arg6[%swap3A_1029, %swap3A_1030] {strides = array<i32>} : memref<20x128xi32, #tpu.memory_space<vmem>>, vector<1x16xi32>,
    %swap3A_1032 = vector.shape_cast %swap3A_1031 : vector<1x16xi32> to vector<16xi32>
    %swap3A_1033 = vector.shape_cast %add3A_1027 : vector<16xi32> to vector<1x16xi32>
    tpu.vector_store %arg6[%swap3A_1029, %swap3A_1030], %swap3A_1033 {strides = array<i32>} : memref<20x128xi32, #tpu.memory_space<vmem>>, vector<1x16xi32>,
    %add3A_1034 = arith.constant 2 : i32
    %add3A_1035 = vector.broadcast %add3A_1034 : i32 to vector<16xi32>
    %add3A_1036 = arith.addi %mul3A_1015, %add3A_1035 : vector<16xi32>
    %swap3A_1037 = arith.constant 10 : i32
    %swap3A_1038 = arith.index_cast %swap3A_1037 : i32 to index
    %swap3A_1039 = arith.constant 48 : index
    %swap3A_1040 = tpu.vector_load %arg6[%swap3A_1038, %swap3A_1039] {strides = array<i32>} : memref<20x128xi32, #tpu.memory_space<vmem>>, vector<1x16xi32>,
    %swap3A_1041 = vector.shape_cast %swap3A_1040 : vector<1x16xi32> to vector<16xi32>
    %swap3A_1042 = vector.shape_cast %add3A_1036 : vector<16xi32> to vector<1x16xi32>
    tpu.vector_store %arg6[%swap3A_1038, %swap3A_1039], %swap3A_1042 {strides = array<i32>} : memref<20x128xi32, #tpu.memory_space<vmem>>, vector<1x16xi32>,
    %add3A_1043 = arith.constant 3 : i32
    %add3A_1044 = vector.broadcast %add3A_1043 : i32 to vector<16xi32>
    %add3A_1045 = arith.addi %mul3A_1015, %add3A_1044 : vector<16xi32>
    %swap3A_1046 = arith.constant 14 : i32
    %swap3A_1047 = arith.index_cast %swap3A_1046 : i32 to index
    %swap3A_1048 = arith.constant 48 : index
    %swap3A_1049 = tpu.vector_load %arg6[%swap3A_1047, %swap3A_1048] {strides = array<i32>} : memref<20x128xi32, #tpu.memory_space<vmem>>, vector<1x16xi32>,
    %swap3A_1050 = vector.shape_cast %swap3A_1049 : vector<1x16xi32> to vector<16xi32>
    %swap3A_1051 = vector.shape_cast %add3A_1045 : vector<16xi32> to vector<1x16xi32>
    tpu.vector_store %arg6[%swap3A_1047, %swap3A_1048], %swap3A_1051 {strides = array<i32>} : memref<20x128xi32, #tpu.memory_space<vmem>>, vector<1x16xi32>,
    %add3A_1052 = arith.constant 4 : i32
    %add3A_1053 = vector.broadcast %add3A_1052 : i32 to vector<16xi32>
    %add3A_1054 = arith.addi %mul3A_1015, %add3A_1053 : vector<16xi32>
    %swap3A_1055 = arith.constant 18 : i32
    %swap3A_1056 = arith.index_cast %swap3A_1055 : i32 to index
    %swap3A_1057 = arith.constant 48 : index
    %swap3A_1058 = tpu.vector_load %arg6[%swap3A_1056, %swap3A_1057] {strides = array<i32>} : memref<20x128xi32, #tpu.memory_space<vmem>>, vector<1x16xi32>,
    %swap3A_1059 = vector.shape_cast %swap3A_1058 : vector<1x16xi32> to vector<16xi32>
    %swap3A_1060 = vector.shape_cast %add3A_1054 : vector<16xi32> to vector<1x16xi32>
    tpu.vector_store %arg6[%swap3A_1056, %swap3A_1057], %swap3A_1060 {strides = array<i32>} : memref<20x128xi32, #tpu.memory_space<vmem>>, vector<1x16xi32>,
    %get3A_1061 = arith.constant 2 : i32
    %get3A_1062 = arith.index_cast %get3A_1061 : i32 to index
    %get3A_1063 = arith.constant 64 : index
    %get3A_1064 = tpu.vector_load %arg5[%get3A_1062, %get3A_1063] {strides = array<i32>} : memref<4x128xi32, #tpu.memory_space<vmem>>, vector<1x16xi32>,
    %get3A_1065 = vector.shape_cast %get3A_1064 : vector<1x16xi32> to vector<16xi32>
    %mul3A_1066 = arith.constant 5 : i32
    %mul3A_1067 = vector.broadcast %mul3A_1066 : i32 to vector<16xi32>
    %mul3A_1068 = arith.muli %get3A_1065, %mul3A_1067 : vector<16xi32>
    %add3A_1069 = arith.constant 0 : i32
    %add3A_1070 = vector.broadcast %add3A_1069 : i32 to vector<16xi32>
    %add3A_1071 = arith.addi %mul3A_1068, %add3A_1070 : vector<16xi32>
    %swap3A_1072 = arith.constant 2 : i32
    %swap3A_1073 = arith.index_cast %swap3A_1072 : i32 to index
    %swap3A_1074 = arith.constant 64 : index
    %swap3A_1075 = tpu.vector_load %arg6[%swap3A_1073, %swap3A_1074] {strides = array<i32>} : memref<20x128xi32, #tpu.memory_space<vmem>>, vector<1x16xi32>,
    %swap3A_1076 = vector.shape_cast %swap3A_1075 : vector<1x16xi32> to vector<16xi32>
    %swap3A_1077 = vector.shape_cast %add3A_1071 : vector<16xi32> to vector<1x16xi32>
    tpu.vector_store %arg6[%swap3A_1073, %swap3A_1074], %swap3A_1077 {strides = array<i32>} : memref<20x128xi32, #tpu.memory_space<vmem>>, vector<1x16xi32>,
    %add3A_1078 = arith.constant 1 : i32
    %add3A_1079 = vector.broadcast %add3A_1078 : i32 to vector<16xi32>
    %add3A_1080 = arith.addi %mul3A_1068, %add3A_1079 : vector<16xi32>
    %swap3A_1081 = arith.constant 6 : i32
    %swap3A_1082 = arith.index_cast %swap3A_1081 : i32 to index
    %swap3A_1083 = arith.constant 64 : index
    %swap3A_1084 = tpu.vector_load %arg6[%swap3A_1082, %swap3A_1083] {strides = array<i32>} : memref<20x128xi32, #tpu.memory_space<vmem>>, vector<1x16xi32>,
    %swap3A_1085 = vector.shape_cast %swap3A_1084 : vector<1x16xi32> to vector<16xi32>
    %swap3A_1086 = vector.shape_cast %add3A_1080 : vector<16xi32> to vector<1x16xi32>
    tpu.vector_store %arg6[%swap3A_1082, %swap3A_1083], %swap3A_1086 {strides = array<i32>} : memref<20x128xi32, #tpu.memory_space<vmem>>, vector<1x16xi32>,
    %add3A_1087 = arith.constant 2 : i32
    %add3A_1088 = vector.broadcast %add3A_1087 : i32 to vector<16xi32>
    %add3A_1089 = arith.addi %mul3A_1068, %add3A_1088 : vector<16xi32>
    %swap3A_1090 = arith.constant 10 : i32
    %swap3A_1091 = arith.index_cast %swap3A_1090 : i32 to index
    %swap3A_1092 = arith.constant 64 : index
    %swap3A_1093 = tpu.vector_load %arg6[%swap3A_1091, %swap3A_1092] {strides = array<i32>} : memref<20x128xi32, #tpu.memory_space<vmem>>, vector<1x16xi32>,
    %swap3A_1094 = vector.shape_cast %swap3A_1093 : vector<1x16xi32> to vector<16xi32>
    %swap3A_1095 = vector.shape_cast %add3A_1089 : vector<16xi32> to vector<1x16xi32>
    tpu.vector_store %arg6[%swap3A_1091, %swap3A_1092], %swap3A_1095 {strides = array<i32>} : memref<20x128xi32, #tpu.memory_space<vmem>>, vector<1x16xi32>,
    %add3A_1096 = arith.constant 3 : i32
    %add3A_1097 = vector.broadcast %add3A_1096 : i32 to vector<16xi32>
    %add3A_1098 = arith.addi %mul3A_1068, %add3A_1097 : vector<16xi32>
    %swap3A_1099 = arith.constant 14 : i32
    %swap3A_1100 = arith.index_cast %swap3A_1099 : i32 to index
    %swap3A_1101 = arith.constant 64 : index
    %swap3A_1102 = tpu.vector_load %arg6[%swap3A_1100, %swap3A_1101] {strides = array<i32>} : memref<20x128xi32, #tpu.memory_space<vmem>>, vector<1x16xi32>,
    %swap3A_1103 = vector.shape_cast %swap3A_1102 : vector<1x16xi32> to vector<16xi32>
    %swap3A_1104 = vector.shape_cast %add3A_1098 : vector<16xi32> to vector<1x16xi32>
    tpu.vector_store %arg6[%swap3A_1100, %swap3A_1101], %swap3A_1104 {strides = array<i32>} : memref<20x128xi32, #tpu.memory_space<vmem>>, vector<1x16xi32>,
    %add3A_1105 = arith.constant 4 : i32
    %add3A_1106 = vector.broadcast %add3A_1105 : i32 to vector<16xi32>
    %add3A_1107 = arith.addi %mul3A_1068, %add3A_1106 : vector<16xi32>
    %swap3A_1108 = arith.constant 18 : i32
    %swap3A_1109 = arith.index_cast %swap3A_1108 : i32 to index
    %swap3A_1110 = arith.constant 64 : index
    %swap3A_1111 = tpu.vector_load %arg6[%swap3A_1109, %swap3A_1110] {strides = array<i32>} : memref<20x128xi32, #tpu.memory_space<vmem>>, vector<1x16xi32>,
    %swap3A_1112 = vector.shape_cast %swap3A_1111 : vector<1x16xi32> to vector<16xi32>
    %swap3A_1113 = vector.shape_cast %add3A_1107 : vector<16xi32> to vector<1x16xi32>
    tpu.vector_store %arg6[%swap3A_1109, %swap3A_1110], %swap3A_1113 {strides = array<i32>} : memref<20x128xi32, #tpu.memory_space<vmem>>, vector<1x16xi32>,
    %get3A_1114 = arith.constant 2 : i32
    %get3A_1115 = arith.index_cast %get3A_1114 : i32 to index
    %get3A_1116 = arith.constant 80 : index
    %get3A_1117 = tpu.vector_load %arg5[%get3A_1115, %get3A_1116] {strides = array<i32>} : memref<4x128xi32, #tpu.memory_space<vmem>>, vector<1x16xi32>,
    %get3A_1118 = vector.shape_cast %get3A_1117 : vector<1x16xi32> to vector<16xi32>
    %mul3A_1119 = arith.constant 5 : i32
    %mul3A_1120 = vector.broadcast %mul3A_1119 : i32 to vector<16xi32>
    %mul3A_1121 = arith.muli %get3A_1118, %mul3A_1120 : vector<16xi32>
    %add3A_1122 = arith.constant 0 : i32
    %add3A_1123 = vector.broadcast %add3A_1122 : i32 to vector<16xi32>
    %add3A_1124 = arith.addi %mul3A_1121, %add3A_1123 : vector<16xi32>
    %swap3A_1125 = arith.constant 2 : i32
    %swap3A_1126 = arith.index_cast %swap3A_1125 : i32 to index
    %swap3A_1127 = arith.constant 80 : index
    %swap3A_1128 = tpu.vector_load %arg6[%swap3A_1126, %swap3A_1127] {strides = array<i32>} : memref<20x128xi32, #tpu.memory_space<vmem>>, vector<1x16xi32>,
    %swap3A_1129 = vector.shape_cast %swap3A_1128 : vector<1x16xi32> to vector<16xi32>
    %swap3A_1130 = vector.shape_cast %add3A_1124 : vector<16xi32> to vector<1x16xi32>
    tpu.vector_store %arg6[%swap3A_1126, %swap3A_1127], %swap3A_1130 {strides = array<i32>} : memref<20x128xi32, #tpu.memory_space<vmem>>, vector<1x16xi32>,
    %add3A_1131 = arith.constant 1 : i32
    %add3A_1132 = vector.broadcast %add3A_1131 : i32 to vector<16xi32>
    %add3A_1133 = arith.addi %mul3A_1121, %add3A_1132 : vector<16xi32>
    %swap3A_1134 = arith.constant 6 : i32
    %swap3A_1135 = arith.index_cast %swap3A_1134 : i32 to index
    %swap3A_1136 = arith.constant 80 : index
    %swap3A_1137 = tpu.vector_load %arg6[%swap3A_1135, %swap3A_1136] {strides = array<i32>} : memref<20x128xi32, #tpu.memory_space<vmem>>, vector<1x16xi32>,
    %swap3A_1138 = vector.shape_cast %swap3A_1137 : vector<1x16xi32> to vector<16xi32>
    %swap3A_1139 = vector.shape_cast %add3A_1133 : vector<16xi32> to vector<1x16xi32>
    tpu.vector_store %arg6[%swap3A_1135, %swap3A_1136], %swap3A_1139 {strides = array<i32>} : memref<20x128xi32, #tpu.memory_space<vmem>>, vector<1x16xi32>,
    %add3A_1140 = arith.constant 2 : i32
    %add3A_1141 = vector.broadcast %add3A_1140 : i32 to vector<16xi32>
    %add3A_1142 = arith.addi %mul3A_1121, %add3A_1141 : vector<16xi32>
    %swap3A_1143 = arith.constant 10 : i32
    %swap3A_1144 = arith.index_cast %swap3A_1143 : i32 to index
    %swap3A_1145 = arith.constant 80 : index
    %swap3A_1146 = tpu.vector_load %arg6[%swap3A_1144, %swap3A_1145] {strides = array<i32>} : memref<20x128xi32, #tpu.memory_space<vmem>>, vector<1x16xi32>,
    %swap3A_1147 = vector.shape_cast %swap3A_1146 : vector<1x16xi32> to vector<16xi32>
    %swap3A_1148 = vector.shape_cast %add3A_1142 : vector<16xi32> to vector<1x16xi32>
    tpu.vector_store %arg6[%swap3A_1144, %swap3A_1145], %swap3A_1148 {strides = array<i32>} : memref<20x128xi32, #tpu.memory_space<vmem>>, vector<1x16xi32>,
    %add3A_1149 = arith.constant 3 : i32
    %add3A_1150 = vector.broadcast %add3A_1149 : i32 to vector<16xi32>
    %add3A_1151 = arith.addi %mul3A_1121, %add3A_1150 : vector<16xi32>
    %swap3A_1152 = arith.constant 14 : i32
    %swap3A_1153 = arith.index_cast %swap3A_1152 : i32 to index
    %swap3A_1154 = arith.constant 80 : index
    %swap3A_1155 = tpu.vector_load %arg6[%swap3A_1153, %swap3A_1154] {strides = array<i32>} : memref<20x128xi32, #tpu.memory_space<vmem>>, vector<1x16xi32>,
    %swap3A_1156 = vector.shape_cast %swap3A_1155 : vector<1x16xi32> to vector<16xi32>
    %swap3A_1157 = vector.shape_cast %add3A_1151 : vector<16xi32> to vector<1x16xi32>
    tpu.vector_store %arg6[%swap3A_1153, %swap3A_1154], %swap3A_1157 {strides = array<i32>} : memref<20x128xi32, #tpu.memory_space<vmem>>, vector<1x16xi32>,
    %add3A_1158 = arith.constant 4 : i32
    %add3A_1159 = vector.broadcast %add3A_1158 : i32 to vector<16xi32>
    %add3A_1160 = arith.addi %mul3A_1121, %add3A_1159 : vector<16xi32>
    %swap3A_1161 = arith.constant 18 : i32
    %swap3A_1162 = arith.index_cast %swap3A_1161 : i32 to index
    %swap3A_1163 = arith.constant 80 : index
    %swap3A_1164 = tpu.vector_load %arg6[%swap3A_1162, %swap3A_1163] {strides = array<i32>} : memref<20x128xi32, #tpu.memory_space<vmem>>, vector<1x16xi32>,
    %swap3A_1165 = vector.shape_cast %swap3A_1164 : vector<1x16xi32> to vector<16xi32>
    %swap3A_1166 = vector.shape_cast %add3A_1160 : vector<16xi32> to vector<1x16xi32>
    tpu.vector_store %arg6[%swap3A_1162, %swap3A_1163], %swap3A_1166 {strides = array<i32>} : memref<20x128xi32, #tpu.memory_space<vmem>>, vector<1x16xi32>,
    %get3A_1167 = arith.constant 2 : i32
    %get3A_1168 = arith.index_cast %get3A_1167 : i32 to index
    %get3A_1169 = arith.constant 96 : index
    %get3A_1170 = tpu.vector_load %arg5[%get3A_1168, %get3A_1169] {strides = array<i32>} : memref<4x128xi32, #tpu.memory_space<vmem>>, vector<1x16xi32>,
    %get3A_1171 = vector.shape_cast %get3A_1170 : vector<1x16xi32> to vector<16xi32>
    %mul3A_1172 = arith.constant 5 : i32
    %mul3A_1173 = vector.broadcast %mul3A_1172 : i32 to vector<16xi32>
    %mul3A_1174 = arith.muli %get3A_1171, %mul3A_1173 : vector<16xi32>
    %add3A_1175 = arith.constant 0 : i32
    %add3A_1176 = vector.broadcast %add3A_1175 : i32 to vector<16xi32>
    %add3A_1177 = arith.addi %mul3A_1174, %add3A_1176 : vector<16xi32>
    %swap3A_1178 = arith.constant 2 : i32
    %swap3A_1179 = arith.index_cast %swap3A_1178 : i32 to index
    %swap3A_1180 = arith.constant 96 : index
    %swap3A_1181 = tpu.vector_load %arg6[%swap3A_1179, %swap3A_1180] {strides = array<i32>} : memref<20x128xi32, #tpu.memory_space<vmem>>, vector<1x16xi32>,
    %swap3A_1182 = vector.shape_cast %swap3A_1181 : vector<1x16xi32> to vector<16xi32>
    %swap3A_1183 = vector.shape_cast %add3A_1177 : vector<16xi32> to vector<1x16xi32>
    tpu.vector_store %arg6[%swap3A_1179, %swap3A_1180], %swap3A_1183 {strides = array<i32>} : memref<20x128xi32, #tpu.memory_space<vmem>>, vector<1x16xi32>,
    %add3A_1184 = arith.constant 1 : i32
    %add3A_1185 = vector.broadcast %add3A_1184 : i32 to vector<16xi32>
    %add3A_1186 = arith.addi %mul3A_1174, %add3A_1185 : vector<16xi32>
    %swap3A_1187 = arith.constant 6 : i32
    %swap3A_1188 = arith.index_cast %swap3A_1187 : i32 to index
    %swap3A_1189 = arith.constant 96 : index
    %swap3A_1190 = tpu.vector_load %arg6[%swap3A_1188, %swap3A_1189] {strides = array<i32>} : memref<20x128xi32, #tpu.memory_space<vmem>>, vector<1x16xi32>,
    %swap3A_1191 = vector.shape_cast %swap3A_1190 : vector<1x16xi32> to vector<16xi32>
    %swap3A_1192 = vector.shape_cast %add3A_1186 : vector<16xi32> to vector<1x16xi32>
    tpu.vector_store %arg6[%swap3A_1188, %swap3A_1189], %swap3A_1192 {strides = array<i32>} : memref<20x128xi32, #tpu.memory_space<vmem>>, vector<1x16xi32>,
    %add3A_1193 = arith.constant 2 : i32
    %add3A_1194 = vector.broadcast %add3A_1193 : i32 to vector<16xi32>
    %add3A_1195 = arith.addi %mul3A_1174, %add3A_1194 : vector<16xi32>
    %swap3A_1196 = arith.constant 10 : i32
    %swap3A_1197 = arith.index_cast %swap3A_1196 : i32 to index
    %swap3A_1198 = arith.constant 96 : index
    %swap3A_1199 = tpu.vector_load %arg6[%swap3A_1197, %swap3A_1198] {strides = array<i32>} : memref<20x128xi32, #tpu.memory_space<vmem>>, vector<1x16xi32>,
    %swap3A_1200 = vector.shape_cast %swap3A_1199 : vector<1x16xi32> to vector<16xi32>
    %swap3A_1201 = vector.shape_cast %add3A_1195 : vector<16xi32> to vector<1x16xi32>
    tpu.vector_store %arg6[%swap3A_1197, %swap3A_1198], %swap3A_1201 {strides = array<i32>} : memref<20x128xi32, #tpu.memory_space<vmem>>, vector<1x16xi32>,
    %add3A_1202 = arith.constant 3 : i32
    %add3A_1203 = vector.broadcast %add3A_1202 : i32 to vector<16xi32>
    %add3A_1204 = arith.addi %mul3A_1174, %add3A_1203 : vector<16xi32>
    %swap3A_1205 = arith.constant 14 : i32
    %swap3A_1206 = arith.index_cast %swap3A_1205 : i32 to index
    %swap3A_1207 = arith.constant 96 : index
    %swap3A_1208 = tpu.vector_load %arg6[%swap3A_1206, %swap3A_1207] {strides = array<i32>} : memref<20x128xi32, #tpu.memory_space<vmem>>, vector<1x16xi32>,
    %swap3A_1209 = vector.shape_cast %swap3A_1208 : vector<1x16xi32> to vector<16xi32>
    %swap3A_1210 = vector.shape_cast %add3A_1204 : vector<16xi32> to vector<1x16xi32>
    tpu.vector_store %arg6[%swap3A_1206, %swap3A_1207], %swap3A_1210 {strides = array<i32>} : memref<20x128xi32, #tpu.memory_space<vmem>>, vector<1x16xi32>,
    %add3A_1211 = arith.constant 4 : i32
    %add3A_1212 = vector.broadcast %add3A_1211 : i32 to vector<16xi32>
    %add3A_1213 = arith.addi %mul3A_1174, %add3A_1212 : vector<16xi32>
    %swap3A_1214 = arith.constant 18 : i32
    %swap3A_1215 = arith.index_cast %swap3A_1214 : i32 to index
    %swap3A_1216 = arith.constant 96 : index
    %swap3A_1217 = tpu.vector_load %arg6[%swap3A_1215, %swap3A_1216] {strides = array<i32>} : memref<20x128xi32, #tpu.memory_space<vmem>>, vector<1x16xi32>,
    %swap3A_1218 = vector.shape_cast %swap3A_1217 : vector<1x16xi32> to vector<16xi32>
    %swap3A_1219 = vector.shape_cast %add3A_1213 : vector<16xi32> to vector<1x16xi32>
    tpu.vector_store %arg6[%swap3A_1215, %swap3A_1216], %swap3A_1219 {strides = array<i32>} : memref<20x128xi32, #tpu.memory_space<vmem>>, vector<1x16xi32>,
    %get3A_1220 = arith.constant 2 : i32
    %get3A_1221 = arith.index_cast %get3A_1220 : i32 to index
    %get3A_1222 = arith.constant 112 : index
    %get3A_1223 = tpu.vector_load %arg5[%get3A_1221, %get3A_1222] {strides = array<i32>} : memref<4x128xi32, #tpu.memory_space<vmem>>, vector<1x16xi32>,
    %get3A_1224 = vector.shape_cast %get3A_1223 : vector<1x16xi32> to vector<16xi32>
    %mul3A_1225 = arith.constant 5 : i32
    %mul3A_1226 = vector.broadcast %mul3A_1225 : i32 to vector<16xi32>
    %mul3A_1227 = arith.muli %get3A_1224, %mul3A_1226 : vector<16xi32>
    %add3A_1228 = arith.constant 0 : i32
    %add3A_1229 = vector.broadcast %add3A_1228 : i32 to vector<16xi32>
    %add3A_1230 = arith.addi %mul3A_1227, %add3A_1229 : vector<16xi32>
    %swap3A_1231 = arith.constant 2 : i32
    %swap3A_1232 = arith.index_cast %swap3A_1231 : i32 to index
    %swap3A_1233 = arith.constant 112 : index
    %swap3A_1234 = tpu.vector_load %arg6[%swap3A_1232, %swap3A_1233] {strides = array<i32>} : memref<20x128xi32, #tpu.memory_space<vmem>>, vector<1x16xi32>,
    %swap3A_1235 = vector.shape_cast %swap3A_1234 : vector<1x16xi32> to vector<16xi32>
    %swap3A_1236 = vector.shape_cast %add3A_1230 : vector<16xi32> to vector<1x16xi32>
    tpu.vector_store %arg6[%swap3A_1232, %swap3A_1233], %swap3A_1236 {strides = array<i32>} : memref<20x128xi32, #tpu.memory_space<vmem>>, vector<1x16xi32>,
    %add3A_1237 = arith.constant 1 : i32
    %add3A_1238 = vector.broadcast %add3A_1237 : i32 to vector<16xi32>
    %add3A_1239 = arith.addi %mul3A_1227, %add3A_1238 : vector<16xi32>
    %swap3A_1240 = arith.constant 6 : i32
    %swap3A_1241 = arith.index_cast %swap3A_1240 : i32 to index
    %swap3A_1242 = arith.constant 112 : index
    %swap3A_1243 = tpu.vector_load %arg6[%swap3A_1241, %swap3A_1242] {strides = array<i32>} : memref<20x128xi32, #tpu.memory_space<vmem>>, vector<1x16xi32>,
    %swap3A_1244 = vector.shape_cast %swap3A_1243 : vector<1x16xi32> to vector<16xi32>
    %swap3A_1245 = vector.shape_cast %add3A_1239 : vector<16xi32> to vector<1x16xi32>
    tpu.vector_store %arg6[%swap3A_1241, %swap3A_1242], %swap3A_1245 {strides = array<i32>} : memref<20x128xi32, #tpu.memory_space<vmem>>, vector<1x16xi32>,
    %add3A_1246 = arith.constant 2 : i32
    %add3A_1247 = vector.broadcast %add3A_1246 : i32 to vector<16xi32>
    %add3A_1248 = arith.addi %mul3A_1227, %add3A_1247 : vector<16xi32>
    %swap3A_1249 = arith.constant 10 : i32
    %swap3A_1250 = arith.index_cast %swap3A_1249 : i32 to index
    %swap3A_1251 = arith.constant 112 : index
    %swap3A_1252 = tpu.vector_load %arg6[%swap3A_1250, %swap3A_1251] {strides = array<i32>} : memref<20x128xi32, #tpu.memory_space<vmem>>, vector<1x16xi32>,
    %swap3A_1253 = vector.shape_cast %swap3A_1252 : vector<1x16xi32> to vector<16xi32>
    %swap3A_1254 = vector.shape_cast %add3A_1248 : vector<16xi32> to vector<1x16xi32>
    tpu.vector_store %arg6[%swap3A_1250, %swap3A_1251], %swap3A_1254 {strides = array<i32>} : memref<20x128xi32, #tpu.memory_space<vmem>>, vector<1x16xi32>,
    %add3A_1255 = arith.constant 3 : i32
    %add3A_1256 = vector.broadcast %add3A_1255 : i32 to vector<16xi32>
    %add3A_1257 = arith.addi %mul3A_1227, %add3A_1256 : vector<16xi32>
    %swap3A_1258 = arith.constant 14 : i32
    %swap3A_1259 = arith.index_cast %swap3A_1258 : i32 to index
    %swap3A_1260 = arith.constant 112 : index
    %swap3A_1261 = tpu.vector_load %arg6[%swap3A_1259, %swap3A_1260] {strides = array<i32>} : memref<20x128xi32, #tpu.memory_space<vmem>>, vector<1x16xi32>,
    %swap3A_1262 = vector.shape_cast %swap3A_1261 : vector<1x16xi32> to vector<16xi32>
    %swap3A_1263 = vector.shape_cast %add3A_1257 : vector<16xi32> to vector<1x16xi32>
    tpu.vector_store %arg6[%swap3A_1259, %swap3A_1260], %swap3A_1263 {strides = array<i32>} : memref<20x128xi32, #tpu.memory_space<vmem>>, vector<1x16xi32>,
    %add3A_1264 = arith.constant 4 : i32
    %add3A_1265 = vector.broadcast %add3A_1264 : i32 to vector<16xi32>
    %add3A_1266 = arith.addi %mul3A_1227, %add3A_1265 : vector<16xi32>
    %swap3A_1267 = arith.constant 18 : i32
    %swap3A_1268 = arith.index_cast %swap3A_1267 : i32 to index
    %swap3A_1269 = arith.constant 112 : index
    %swap3A_1270 = tpu.vector_load %arg6[%swap3A_1268, %swap3A_1269] {strides = array<i32>} : memref<20x128xi32, #tpu.memory_space<vmem>>, vector<1x16xi32>,
    %swap3A_1271 = vector.shape_cast %swap3A_1270 : vector<1x16xi32> to vector<16xi32>
    %swap3A_1272 = vector.shape_cast %add3A_1266 : vector<16xi32> to vector<1x16xi32>
    tpu.vector_store %arg6[%swap3A_1268, %swap3A_1269], %swap3A_1272 {strides = array<i32>} : memref<20x128xi32, #tpu.memory_space<vmem>>, vector<1x16xi32>,
    %get3A_1273 = arith.constant 3 : i32
    %get3A_1274 = arith.index_cast %get3A_1273 : i32 to index
    %get3A_1275 = arith.constant 0 : index
    %get3A_1276 = tpu.vector_load %arg5[%get3A_1274, %get3A_1275] {strides = array<i32>} : memref<4x128xi32, #tpu.memory_space<vmem>>, vector<1x16xi32>,
    %get3A_1277 = vector.shape_cast %get3A_1276 : vector<1x16xi32> to vector<16xi32>
    %mul3A_1278 = arith.constant 5 : i32
    %mul3A_1279 = vector.broadcast %mul3A_1278 : i32 to vector<16xi32>
    %mul3A_1280 = arith.muli %get3A_1277, %mul3A_1279 : vector<16xi32>
    %add3A_1281 = arith.constant 0 : i32
    %add3A_1282 = vector.broadcast %add3A_1281 : i32 to vector<16xi32>
    %add3A_1283 = arith.addi %mul3A_1280, %add3A_1282 : vector<16xi32>
    %swap3A_1284 = arith.constant 3 : i32
    %swap3A_1285 = arith.index_cast %swap3A_1284 : i32 to index
    %swap3A_1286 = arith.constant 0 : index
    %swap3A_1287 = tpu.vector_load %arg6[%swap3A_1285, %swap3A_1286] {strides = array<i32>} : memref<20x128xi32, #tpu.memory_space<vmem>>, vector<1x16xi32>,
    %swap3A_1288 = vector.shape_cast %swap3A_1287 : vector<1x16xi32> to vector<16xi32>
    %swap3A_1289 = vector.shape_cast %add3A_1283 : vector<16xi32> to vector<1x16xi32>
    tpu.vector_store %arg6[%swap3A_1285, %swap3A_1286], %swap3A_1289 {strides = array<i32>} : memref<20x128xi32, #tpu.memory_space<vmem>>, vector<1x16xi32>,
    %add3A_1290 = arith.constant 1 : i32
    %add3A_1291 = vector.broadcast %add3A_1290 : i32 to vector<16xi32>
    %add3A_1292 = arith.addi %mul3A_1280, %add3A_1291 : vector<16xi32>
    %swap3A_1293 = arith.constant 7 : i32
    %swap3A_1294 = arith.index_cast %swap3A_1293 : i32 to index
    %swap3A_1295 = arith.constant 0 : index
    %swap3A_1296 = tpu.vector_load %arg6[%swap3A_1294, %swap3A_1295] {strides = array<i32>} : memref<20x128xi32, #tpu.memory_space<vmem>>, vector<1x16xi32>,
    %swap3A_1297 = vector.shape_cast %swap3A_1296 : vector<1x16xi32> to vector<16xi32>
    %swap3A_1298 = vector.shape_cast %add3A_1292 : vector<16xi32> to vector<1x16xi32>
    tpu.vector_store %arg6[%swap3A_1294, %swap3A_1295], %swap3A_1298 {strides = array<i32>} : memref<20x128xi32, #tpu.memory_space<vmem>>, vector<1x16xi32>,
    %add3A_1299 = arith.constant 2 : i32
    %add3A_1300 = vector.broadcast %add3A_1299 : i32 to vector<16xi32>
    %add3A_1301 = arith.addi %mul3A_1280, %add3A_1300 : vector<16xi32>
    %swap3A_1302 = arith.constant 11 : i32
    %swap3A_1303 = arith.index_cast %swap3A_1302 : i32 to index
    %swap3A_1304 = arith.constant 0 : index
    %swap3A_1305 = tpu.vector_load %arg6[%swap3A_1303, %swap3A_1304] {strides = array<i32>} : memref<20x128xi32, #tpu.memory_space<vmem>>, vector<1x16xi32>,
    %swap3A_1306 = vector.shape_cast %swap3A_1305 : vector<1x16xi32> to vector<16xi32>
    %swap3A_1307 = vector.shape_cast %add3A_1301 : vector<16xi32> to vector<1x16xi32>
    tpu.vector_store %arg6[%swap3A_1303, %swap3A_1304], %swap3A_1307 {strides = array<i32>} : memref<20x128xi32, #tpu.memory_space<vmem>>, vector<1x16xi32>,
    %add3A_1308 = arith.constant 3 : i32
    %add3A_1309 = vector.broadcast %add3A_1308 : i32 to vector<16xi32>
    %add3A_1310 = arith.addi %mul3A_1280, %add3A_1309 : vector<16xi32>
    %swap3A_1311 = arith.constant 15 : i32
    %swap3A_1312 = arith.index_cast %swap3A_1311 : i32 to index
    %swap3A_1313 = arith.constant 0 : index
    %swap3A_1314 = tpu.vector_load %arg6[%swap3A_1312, %swap3A_1313] {strides = array<i32>} : memref<20x128xi32, #tpu.memory_space<vmem>>, vector<1x16xi32>,
    %swap3A_1315 = vector.shape_cast %swap3A_1314 : vector<1x16xi32> to vector<16xi32>
    %swap3A_1316 = vector.shape_cast %add3A_1310 : vector<16xi32> to vector<1x16xi32>
    tpu.vector_store %arg6[%swap3A_1312, %swap3A_1313], %swap3A_1316 {strides = array<i32>} : memref<20x128xi32, #tpu.memory_space<vmem>>, vector<1x16xi32>,
    %add3A_1317 = arith.constant 4 : i32
    %add3A_1318 = vector.broadcast %add3A_1317 : i32 to vector<16xi32>
    %add3A_1319 = arith.addi %mul3A_1280, %add3A_1318 : vector<16xi32>
    %swap3A_1320 = arith.constant 19 : i32
    %swap3A_1321 = arith.index_cast %swap3A_1320 : i32 to index
    %swap3A_1322 = arith.constant 0 : index
    %swap3A_1323 = tpu.vector_load %arg6[%swap3A_1321, %swap3A_1322] {strides = array<i32>} : memref<20x128xi32, #tpu.memory_space<vmem>>, vector<1x16xi32>,
    %swap3A_1324 = vector.shape_cast %swap3A_1323 : vector<1x16xi32> to vector<16xi32>
    %swap3A_1325 = vector.shape_cast %add3A_1319 : vector<16xi32> to vector<1x16xi32>
    tpu.vector_store %arg6[%swap3A_1321, %swap3A_1322], %swap3A_1325 {strides = array<i32>} : memref<20x128xi32, #tpu.memory_space<vmem>>, vector<1x16xi32>,
    %get3A_1326 = arith.constant 3 : i32
    %get3A_1327 = arith.index_cast %get3A_1326 : i32 to index
    %get3A_1328 = arith.constant 16 : index
    %get3A_1329 = tpu.vector_load %arg5[%get3A_1327, %get3A_1328] {strides = array<i32>} : memref<4x128xi32, #tpu.memory_space<vmem>>, vector<1x16xi32>,
    %get3A_1330 = vector.shape_cast %get3A_1329 : vector<1x16xi32> to vector<16xi32>
    %mul3A_1331 = arith.constant 5 : i32
    %mul3A_1332 = vector.broadcast %mul3A_1331 : i32 to vector<16xi32>
    %mul3A_1333 = arith.muli %get3A_1330, %mul3A_1332 : vector<16xi32>
    %add3A_1334 = arith.constant 0 : i32
    %add3A_1335 = vector.broadcast %add3A_1334 : i32 to vector<16xi32>
    %add3A_1336 = arith.addi %mul3A_1333, %add3A_1335 : vector<16xi32>
    %swap3A_1337 = arith.constant 3 : i32
    %swap3A_1338 = arith.index_cast %swap3A_1337 : i32 to index
    %swap3A_1339 = arith.constant 16 : index
    %swap3A_1340 = tpu.vector_load %arg6[%swap3A_1338, %swap3A_1339] {strides = array<i32>} : memref<20x128xi32, #tpu.memory_space<vmem>>, vector<1x16xi32>,
    %swap3A_1341 = vector.shape_cast %swap3A_1340 : vector<1x16xi32> to vector<16xi32>
    %swap3A_1342 = vector.shape_cast %add3A_1336 : vector<16xi32> to vector<1x16xi32>
    tpu.vector_store %arg6[%swap3A_1338, %swap3A_1339], %swap3A_1342 {strides = array<i32>} : memref<20x128xi32, #tpu.memory_space<vmem>>, vector<1x16xi32>,
    %add3A_1343 = arith.constant 1 : i32
    %add3A_1344 = vector.broadcast %add3A_1343 : i32 to vector<16xi32>
    %add3A_1345 = arith.addi %mul3A_1333, %add3A_1344 : vector<16xi32>
    %swap3A_1346 = arith.constant 7 : i32
    %swap3A_1347 = arith.index_cast %swap3A_1346 : i32 to index
    %swap3A_1348 = arith.constant 16 : index
    %swap3A_1349 = tpu.vector_load %arg6[%swap3A_1347, %swap3A_1348] {strides = array<i32>} : memref<20x128xi32, #tpu.memory_space<vmem>>, vector<1x16xi32>,
    %swap3A_1350 = vector.shape_cast %swap3A_1349 : vector<1x16xi32> to vector<16xi32>
    %swap3A_1351 = vector.shape_cast %add3A_1345 : vector<16xi32> to vector<1x16xi32>
    tpu.vector_store %arg6[%swap3A_1347, %swap3A_1348], %swap3A_1351 {strides = array<i32>} : memref<20x128xi32, #tpu.memory_space<vmem>>, vector<1x16xi32>,
    %add3A_1352 = arith.constant 2 : i32
    %add3A_1353 = vector.broadcast %add3A_1352 : i32 to vector<16xi32>
    %add3A_1354 = arith.addi %mul3A_1333, %add3A_1353 : vector<16xi32>
    %swap3A_1355 = arith.constant 11 : i32
    %swap3A_1356 = arith.index_cast %swap3A_1355 : i32 to index
    %swap3A_1357 = arith.constant 16 : index
    %swap3A_1358 = tpu.vector_load %arg6[%swap3A_1356, %swap3A_1357] {strides = array<i32>} : memref<20x128xi32, #tpu.memory_space<vmem>>, vector<1x16xi32>,
    %swap3A_1359 = vector.shape_cast %swap3A_1358 : vector<1x16xi32> to vector<16xi32>
    %swap3A_1360 = vector.shape_cast %add3A_1354 : vector<16xi32> to vector<1x16xi32>
    tpu.vector_store %arg6[%swap3A_1356, %swap3A_1357], %swap3A_1360 {strides = array<i32>} : memref<20x128xi32, #tpu.memory_space<vmem>>, vector<1x16xi32>,
    %add3A_1361 = arith.constant 3 : i32
    %add3A_1362 = vector.broadcast %add3A_1361 : i32 to vector<16xi32>
    %add3A_1363 = arith.addi %mul3A_1333, %add3A_1362 : vector<16xi32>
    %swap3A_1364 = arith.constant 15 : i32
    %swap3A_1365 = arith.index_cast %swap3A_1364 : i32 to index
    %swap3A_1366 = arith.constant 16 : index
    %swap3A_1367 = tpu.vector_load %arg6[%swap3A_1365, %swap3A_1366] {strides = array<i32>} : memref<20x128xi32, #tpu.memory_space<vmem>>, vector<1x16xi32>,
    %swap3A_1368 = vector.shape_cast %swap3A_1367 : vector<1x16xi32> to vector<16xi32>
    %swap3A_1369 = vector.shape_cast %add3A_1363 : vector<16xi32> to vector<1x16xi32>
    tpu.vector_store %arg6[%swap3A_1365, %swap3A_1366], %swap3A_1369 {strides = array<i32>} : memref<20x128xi32, #tpu.memory_space<vmem>>, vector<1x16xi32>,
    %add3A_1370 = arith.constant 4 : i32
    %add3A_1371 = vector.broadcast %add3A_1370 : i32 to vector<16xi32>
    %add3A_1372 = arith.addi %mul3A_1333, %add3A_1371 : vector<16xi32>
    %swap3A_1373 = arith.constant 19 : i32
    %swap3A_1374 = arith.index_cast %swap3A_1373 : i32 to index
    %swap3A_1375 = arith.constant 16 : index
    %swap3A_1376 = tpu.vector_load %arg6[%swap3A_1374, %swap3A_1375] {strides = array<i32>} : memref<20x128xi32, #tpu.memory_space<vmem>>, vector<1x16xi32>,
    %swap3A_1377 = vector.shape_cast %swap3A_1376 : vector<1x16xi32> to vector<16xi32>
    %swap3A_1378 = vector.shape_cast %add3A_1372 : vector<16xi32> to vector<1x16xi32>
    tpu.vector_store %arg6[%swap3A_1374, %swap3A_1375], %swap3A_1378 {strides = array<i32>} : memref<20x128xi32, #tpu.memory_space<vmem>>, vector<1x16xi32>,
    %get3A_1379 = arith.constant 3 : i32
    %get3A_1380 = arith.index_cast %get3A_1379 : i32 to index
    %get3A_1381 = arith.constant 32 : index
    %get3A_1382 = tpu.vector_load %arg5[%get3A_1380, %get3A_1381] {strides = array<i32>} : memref<4x128xi32, #tpu.memory_space<vmem>>, vector<1x16xi32>,
    %get3A_1383 = vector.shape_cast %get3A_1382 : vector<1x16xi32> to vector<16xi32>
    %mul3A_1384 = arith.constant 5 : i32
    %mul3A_1385 = vector.broadcast %mul3A_1384 : i32 to vector<16xi32>
    %mul3A_1386 = arith.muli %get3A_1383, %mul3A_1385 : vector<16xi32>
    %add3A_1387 = arith.constant 0 : i32
    %add3A_1388 = vector.broadcast %add3A_1387 : i32 to vector<16xi32>
    %add3A_1389 = arith.addi %mul3A_1386, %add3A_1388 : vector<16xi32>
    %swap3A_1390 = arith.constant 3 : i32
    %swap3A_1391 = arith.index_cast %swap3A_1390 : i32 to index
    %swap3A_1392 = arith.constant 32 : index
    %swap3A_1393 = tpu.vector_load %arg6[%swap3A_1391, %swap3A_1392] {strides = array<i32>} : memref<20x128xi32, #tpu.memory_space<vmem>>, vector<1x16xi32>,
    %swap3A_1394 = vector.shape_cast %swap3A_1393 : vector<1x16xi32> to vector<16xi32>
    %swap3A_1395 = vector.shape_cast %add3A_1389 : vector<16xi32> to vector<1x16xi32>
    tpu.vector_store %arg6[%swap3A_1391, %swap3A_1392], %swap3A_1395 {strides = array<i32>} : memref<20x128xi32, #tpu.memory_space<vmem>>, vector<1x16xi32>,
    %add3A_1396 = arith.constant 1 : i32
    %add3A_1397 = vector.broadcast %add3A_1396 : i32 to vector<16xi32>
    %add3A_1398 = arith.addi %mul3A_1386, %add3A_1397 : vector<16xi32>
    %swap3A_1399 = arith.constant 7 : i32
    %swap3A_1400 = arith.index_cast %swap3A_1399 : i32 to index
    %swap3A_1401 = arith.constant 32 : index
    %swap3A_1402 = tpu.vector_load %arg6[%swap3A_1400, %swap3A_1401] {strides = array<i32>} : memref<20x128xi32, #tpu.memory_space<vmem>>, vector<1x16xi32>,
    %swap3A_1403 = vector.shape_cast %swap3A_1402 : vector<1x16xi32> to vector<16xi32>
    %swap3A_1404 = vector.shape_cast %add3A_1398 : vector<16xi32> to vector<1x16xi32>
    tpu.vector_store %arg6[%swap3A_1400, %swap3A_1401], %swap3A_1404 {strides = array<i32>} : memref<20x128xi32, #tpu.memory_space<vmem>>, vector<1x16xi32>,
    %add3A_1405 = arith.constant 2 : i32
    %add3A_1406 = vector.broadcast %add3A_1405 : i32 to vector<16xi32>
    %add3A_1407 = arith.addi %mul3A_1386, %add3A_1406 : vector<16xi32>
    %swap3A_1408 = arith.constant 11 : i32
    %swap3A_1409 = arith.index_cast %swap3A_1408 : i32 to index
    %swap3A_1410 = arith.constant 32 : index
    %swap3A_1411 = tpu.vector_load %arg6[%swap3A_1409, %swap3A_1410] {strides = array<i32>} : memref<20x128xi32, #tpu.memory_space<vmem>>, vector<1x16xi32>,
    %swap3A_1412 = vector.shape_cast %swap3A_1411 : vector<1x16xi32> to vector<16xi32>
    %swap3A_1413 = vector.shape_cast %add3A_1407 : vector<16xi32> to vector<1x16xi32>
    tpu.vector_store %arg6[%swap3A_1409, %swap3A_1410], %swap3A_1413 {strides = array<i32>} : memref<20x128xi32, #tpu.memory_space<vmem>>, vector<1x16xi32>,
    %add3A_1414 = arith.constant 3 : i32
    %add3A_1415 = vector.broadcast %add3A_1414 : i32 to vector<16xi32>
    %add3A_1416 = arith.addi %mul3A_1386, %add3A_1415 : vector<16xi32>
    %swap3A_1417 = arith.constant 15 : i32
    %swap3A_1418 = arith.index_cast %swap3A_1417 : i32 to index
    %swap3A_1419 = arith.constant 32 : index
    %swap3A_1420 = tpu.vector_load %arg6[%swap3A_1418, %swap3A_1419] {strides = array<i32>} : memref<20x128xi32, #tpu.memory_space<vmem>>, vector<1x16xi32>,
    %swap3A_1421 = vector.shape_cast %swap3A_1420 : vector<1x16xi32> to vector<16xi32>
    %swap3A_1422 = vector.shape_cast %add3A_1416 : vector<16xi32> to vector<1x16xi32>
    tpu.vector_store %arg6[%swap3A_1418, %swap3A_1419], %swap3A_1422 {strides = array<i32>} : memref<20x128xi32, #tpu.memory_space<vmem>>, vector<1x16xi32>,
    %add3A_1423 = arith.constant 4 : i32
    %add3A_1424 = vector.broadcast %add3A_1423 : i32 to vector<16xi32>
    %add3A_1425 = arith.addi %mul3A_1386, %add3A_1424 : vector<16xi32>
    %swap3A_1426 = arith.constant 19 : i32
    %swap3A_1427 = arith.index_cast %swap3A_1426 : i32 to index
    %swap3A_1428 = arith.constant 32 : index
    %swap3A_1429 = tpu.vector_load %arg6[%swap3A_1427, %swap3A_1428] {strides = array<i32>} : memref<20x128xi32, #tpu.memory_space<vmem>>, vector<1x16xi32>,
    %swap3A_1430 = vector.shape_cast %swap3A_1429 : vector<1x16xi32> to vector<16xi32>
    %swap3A_1431 = vector.shape_cast %add3A_1425 : vector<16xi32> to vector<1x16xi32>
    tpu.vector_store %arg6[%swap3A_1427, %swap3A_1428], %swap3A_1431 {strides = array<i32>} : memref<20x128xi32, #tpu.memory_space<vmem>>, vector<1x16xi32>,
    %get3A_1432 = arith.constant 3 : i32
    %get3A_1433 = arith.index_cast %get3A_1432 : i32 to index
    %get3A_1434 = arith.constant 48 : index
    %get3A_1435 = tpu.vector_load %arg5[%get3A_1433, %get3A_1434] {strides = array<i32>} : memref<4x128xi32, #tpu.memory_space<vmem>>, vector<1x16xi32>,
    %get3A_1436 = vector.shape_cast %get3A_1435 : vector<1x16xi32> to vector<16xi32>
    %mul3A_1437 = arith.constant 5 : i32
    %mul3A_1438 = vector.broadcast %mul3A_1437 : i32 to vector<16xi32>
    %mul3A_1439 = arith.muli %get3A_1436, %mul3A_1438 : vector<16xi32>
    %add3A_1440 = arith.constant 0 : i32
    %add3A_1441 = vector.broadcast %add3A_1440 : i32 to vector<16xi32>
    %add3A_1442 = arith.addi %mul3A_1439, %add3A_1441 : vector<16xi32>
    %swap3A_1443 = arith.constant 3 : i32
    %swap3A_1444 = arith.index_cast %swap3A_1443 : i32 to index
    %swap3A_1445 = arith.constant 48 : index
    %swap3A_1446 = tpu.vector_load %arg6[%swap3A_1444, %swap3A_1445] {strides = array<i32>} : memref<20x128xi32, #tpu.memory_space<vmem>>, vector<1x16xi32>,
    %swap3A_1447 = vector.shape_cast %swap3A_1446 : vector<1x16xi32> to vector<16xi32>
    %swap3A_1448 = vector.shape_cast %add3A_1442 : vector<16xi32> to vector<1x16xi32>
    tpu.vector_store %arg6[%swap3A_1444, %swap3A_1445], %swap3A_1448 {strides = array<i32>} : memref<20x128xi32, #tpu.memory_space<vmem>>, vector<1x16xi32>,
    %add3A_1449 = arith.constant 1 : i32
    %add3A_1450 = vector.broadcast %add3A_1449 : i32 to vector<16xi32>
    %add3A_1451 = arith.addi %mul3A_1439, %add3A_1450 : vector<16xi32>
    %swap3A_1452 = arith.constant 7 : i32
    %swap3A_1453 = arith.index_cast %swap3A_1452 : i32 to index
    %swap3A_1454 = arith.constant 48 : index
    %swap3A_1455 = tpu.vector_load %arg6[%swap3A_1453, %swap3A_1454] {strides = array<i32>} : memref<20x128xi32, #tpu.memory_space<vmem>>, vector<1x16xi32>,
    %swap3A_1456 = vector.shape_cast %swap3A_1455 : vector<1x16xi32> to vector<16xi32>
    %swap3A_1457 = vector.shape_cast %add3A_1451 : vector<16xi32> to vector<1x16xi32>
    tpu.vector_store %arg6[%swap3A_1453, %swap3A_1454], %swap3A_1457 {strides = array<i32>} : memref<20x128xi32, #tpu.memory_space<vmem>>, vector<1x16xi32>,
    %add3A_1458 = arith.constant 2 : i32
    %add3A_1459 = vector.broadcast %add3A_1458 : i32 to vector<16xi32>
    %add3A_1460 = arith.addi %mul3A_1439, %add3A_1459 : vector<16xi32>
    %swap3A_1461 = arith.constant 11 : i32
    %swap3A_1462 = arith.index_cast %swap3A_1461 : i32 to index
    %swap3A_1463 = arith.constant 48 : index
    %swap3A_1464 = tpu.vector_load %arg6[%swap3A_1462, %swap3A_1463] {strides = array<i32>} : memref<20x128xi32, #tpu.memory_space<vmem>>, vector<1x16xi32>,
    %swap3A_1465 = vector.shape_cast %swap3A_1464 : vector<1x16xi32> to vector<16xi32>
    %swap3A_1466 = vector.shape_cast %add3A_1460 : vector<16xi32> to vector<1x16xi32>
    tpu.vector_store %arg6[%swap3A_1462, %swap3A_1463], %swap3A_1466 {strides = array<i32>} : memref<20x128xi32, #tpu.memory_space<vmem>>, vector<1x16xi32>,
    %add3A_1467 = arith.constant 3 : i32
    %add3A_1468 = vector.broadcast %add3A_1467 : i32 to vector<16xi32>
    %add3A_1469 = arith.addi %mul3A_1439, %add3A_1468 : vector<16xi32>
    %swap3A_1470 = arith.constant 15 : i32
    %swap3A_1471 = arith.index_cast %swap3A_1470 : i32 to index
    %swap3A_1472 = arith.constant 48 : index
    %swap3A_1473 = tpu.vector_load %arg6[%swap3A_1471, %swap3A_1472] {strides = array<i32>} : memref<20x128xi32, #tpu.memory_space<vmem>>, vector<1x16xi32>,
    %swap3A_1474 = vector.shape_cast %swap3A_1473 : vector<1x16xi32> to vector<16xi32>
    %swap3A_1475 = vector.shape_cast %add3A_1469 : vector<16xi32> to vector<1x16xi32>
    tpu.vector_store %arg6[%swap3A_1471, %swap3A_1472], %swap3A_1475 {strides = array<i32>} : memref<20x128xi32, #tpu.memory_space<vmem>>, vector<1x16xi32>,
    %add3A_1476 = arith.constant 4 : i32
    %add3A_1477 = vector.broadcast %add3A_1476 : i32 to vector<16xi32>
    %add3A_1478 = arith.addi %mul3A_1439, %add3A_1477 : vector<16xi32>
    %swap3A_1479 = arith.constant 19 : i32
    %swap3A_1480 = arith.index_cast %swap3A_1479 : i32 to index
    %swap3A_1481 = arith.constant 48 : index
    %swap3A_1482 = tpu.vector_load %arg6[%swap3A_1480, %swap3A_1481] {strides = array<i32>} : memref<20x128xi32, #tpu.memory_space<vmem>>, vector<1x16xi32>,
    %swap3A_1483 = vector.shape_cast %swap3A_1482 : vector<1x16xi32> to vector<16xi32>
    %swap3A_1484 = vector.shape_cast %add3A_1478 : vector<16xi32> to vector<1x16xi32>
    tpu.vector_store %arg6[%swap3A_1480, %swap3A_1481], %swap3A_1484 {strides = array<i32>} : memref<20x128xi32, #tpu.memory_space<vmem>>, vector<1x16xi32>,
    %get3A_1485 = arith.constant 3 : i32
    %get3A_1486 = arith.index_cast %get3A_1485 : i32 to index
    %get3A_1487 = arith.constant 64 : index
    %get3A_1488 = tpu.vector_load %arg5[%get3A_1486, %get3A_1487] {strides = array<i32>} : memref<4x128xi32, #tpu.memory_space<vmem>>, vector<1x16xi32>,
    %get3A_1489 = vector.shape_cast %get3A_1488 : vector<1x16xi32> to vector<16xi32>
    %mul3A_1490 = arith.constant 5 : i32
    %mul3A_1491 = vector.broadcast %mul3A_1490 : i32 to vector<16xi32>
    %mul3A_1492 = arith.muli %get3A_1489, %mul3A_1491 : vector<16xi32>
    %add3A_1493 = arith.constant 0 : i32
    %add3A_1494 = vector.broadcast %add3A_1493 : i32 to vector<16xi32>
    %add3A_1495 = arith.addi %mul3A_1492, %add3A_1494 : vector<16xi32>
    %swap3A_1496 = arith.constant 3 : i32
    %swap3A_1497 = arith.index_cast %swap3A_1496 : i32 to index
    %swap3A_1498 = arith.constant 64 : index
    %swap3A_1499 = tpu.vector_load %arg6[%swap3A_1497, %swap3A_1498] {strides = array<i32>} : memref<20x128xi32, #tpu.memory_space<vmem>>, vector<1x16xi32>,
    %swap3A_1500 = vector.shape_cast %swap3A_1499 : vector<1x16xi32> to vector<16xi32>
    %swap3A_1501 = vector.shape_cast %add3A_1495 : vector<16xi32> to vector<1x16xi32>
    tpu.vector_store %arg6[%swap3A_1497, %swap3A_1498], %swap3A_1501 {strides = array<i32>} : memref<20x128xi32, #tpu.memory_space<vmem>>, vector<1x16xi32>,
    %add3A_1502 = arith.constant 1 : i32
    %add3A_1503 = vector.broadcast %add3A_1502 : i32 to vector<16xi32>
    %add3A_1504 = arith.addi %mul3A_1492, %add3A_1503 : vector<16xi32>
    %swap3A_1505 = arith.constant 7 : i32
    %swap3A_1506 = arith.index_cast %swap3A_1505 : i32 to index
    %swap3A_1507 = arith.constant 64 : index
    %swap3A_1508 = tpu.vector_load %arg6[%swap3A_1506, %swap3A_1507] {strides = array<i32>} : memref<20x128xi32, #tpu.memory_space<vmem>>, vector<1x16xi32>,
    %swap3A_1509 = vector.shape_cast %swap3A_1508 : vector<1x16xi32> to vector<16xi32>
    %swap3A_1510 = vector.shape_cast %add3A_1504 : vector<16xi32> to vector<1x16xi32>
    tpu.vector_store %arg6[%swap3A_1506, %swap3A_1507], %swap3A_1510 {strides = array<i32>} : memref<20x128xi32, #tpu.memory_space<vmem>>, vector<1x16xi32>,
    %add3A_1511 = arith.constant 2 : i32
    %add3A_1512 = vector.broadcast %add3A_1511 : i32 to vector<16xi32>
    %add3A_1513 = arith.addi %mul3A_1492, %add3A_1512 : vector<16xi32>
    %swap3A_1514 = arith.constant 11 : i32
    %swap3A_1515 = arith.index_cast %swap3A_1514 : i32 to index
    %swap3A_1516 = arith.constant 64 : index
    %swap3A_1517 = tpu.vector_load %arg6[%swap3A_1515, %swap3A_1516] {strides = array<i32>} : memref<20x128xi32, #tpu.memory_space<vmem>>, vector<1x16xi32>,
    %swap3A_1518 = vector.shape_cast %swap3A_1517 : vector<1x16xi32> to vector<16xi32>
    %swap3A_1519 = vector.shape_cast %add3A_1513 : vector<16xi32> to vector<1x16xi32>
    tpu.vector_store %arg6[%swap3A_1515, %swap3A_1516], %swap3A_1519 {strides = array<i32>} : memref<20x128xi32, #tpu.memory_space<vmem>>, vector<1x16xi32>,
    %add3A_1520 = arith.constant 3 : i32
    %add3A_1521 = vector.broadcast %add3A_1520 : i32 to vector<16xi32>
    %add3A_1522 = arith.addi %mul3A_1492, %add3A_1521 : vector<16xi32>
    %swap3A_1523 = arith.constant 15 : i32
    %swap3A_1524 = arith.index_cast %swap3A_1523 : i32 to index
    %swap3A_1525 = arith.constant 64 : index
    %swap3A_1526 = tpu.vector_load %arg6[%swap3A_1524, %swap3A_1525] {strides = array<i32>} : memref<20x128xi32, #tpu.memory_space<vmem>>, vector<1x16xi32>,
    %swap3A_1527 = vector.shape_cast %swap3A_1526 : vector<1x16xi32> to vector<16xi32>
    %swap3A_1528 = vector.shape_cast %add3A_1522 : vector<16xi32> to vector<1x16xi32>
    tpu.vector_store %arg6[%swap3A_1524, %swap3A_1525], %swap3A_1528 {strides = array<i32>} : memref<20x128xi32, #tpu.memory_space<vmem>>, vector<1x16xi32>,
    %add3A_1529 = arith.constant 4 : i32
    %add3A_1530 = vector.broadcast %add3A_1529 : i32 to vector<16xi32>
    %add3A_1531 = arith.addi %mul3A_1492, %add3A_1530 : vector<16xi32>
    %swap3A_1532 = arith.constant 19 : i32
    %swap3A_1533 = arith.index_cast %swap3A_1532 : i32 to index
    %swap3A_1534 = arith.constant 64 : index
    %swap3A_1535 = tpu.vector_load %arg6[%swap3A_1533, %swap3A_1534] {strides = array<i32>} : memref<20x128xi32, #tpu.memory_space<vmem>>, vector<1x16xi32>,
    %swap3A_1536 = vector.shape_cast %swap3A_1535 : vector<1x16xi32> to vector<16xi32>
    %swap3A_1537 = vector.shape_cast %add3A_1531 : vector<16xi32> to vector<1x16xi32>
    tpu.vector_store %arg6[%swap3A_1533, %swap3A_1534], %swap3A_1537 {strides = array<i32>} : memref<20x128xi32, #tpu.memory_space<vmem>>, vector<1x16xi32>,
    %get3A_1538 = arith.constant 3 : i32
    %get3A_1539 = arith.index_cast %get3A_1538 : i32 to index
    %get3A_1540 = arith.constant 80 : index
    %get3A_1541 = tpu.vector_load %arg5[%get3A_1539, %get3A_1540] {strides = array<i32>} : memref<4x128xi32, #tpu.memory_space<vmem>>, vector<1x16xi32>,
    %get3A_1542 = vector.shape_cast %get3A_1541 : vector<1x16xi32> to vector<16xi32>
    %mul3A_1543 = arith.constant 5 : i32
    %mul3A_1544 = vector.broadcast %mul3A_1543 : i32 to vector<16xi32>
    %mul3A_1545 = arith.muli %get3A_1542, %mul3A_1544 : vector<16xi32>
    %add3A_1546 = arith.constant 0 : i32
    %add3A_1547 = vector.broadcast %add3A_1546 : i32 to vector<16xi32>
    %add3A_1548 = arith.addi %mul3A_1545, %add3A_1547 : vector<16xi32>
    %swap3A_1549 = arith.constant 3 : i32
    %swap3A_1550 = arith.index_cast %swap3A_1549 : i32 to index
    %swap3A_1551 = arith.constant 80 : index
    %swap3A_1552 = tpu.vector_load %arg6[%swap3A_1550, %swap3A_1551] {strides = array<i32>} : memref<20x128xi32, #tpu.memory_space<vmem>>, vector<1x16xi32>,
    %swap3A_1553 = vector.shape_cast %swap3A_1552 : vector<1x16xi32> to vector<16xi32>
    %swap3A_1554 = vector.shape_cast %add3A_1548 : vector<16xi32> to vector<1x16xi32>
    tpu.vector_store %arg6[%swap3A_1550, %swap3A_1551], %swap3A_1554 {strides = array<i32>} : memref<20x128xi32, #tpu.memory_space<vmem>>, vector<1x16xi32>,
    %add3A_1555 = arith.constant 1 : i32
    %add3A_1556 = vector.broadcast %add3A_1555 : i32 to vector<16xi32>
    %add3A_1557 = arith.addi %mul3A_1545, %add3A_1556 : vector<16xi32>
    %swap3A_1558 = arith.constant 7 : i32
    %swap3A_1559 = arith.index_cast %swap3A_1558 : i32 to index
    %swap3A_1560 = arith.constant 80 : index
    %swap3A_1561 = tpu.vector_load %arg6[%swap3A_1559, %swap3A_1560] {strides = array<i32>} : memref<20x128xi32, #tpu.memory_space<vmem>>, vector<1x16xi32>,
    %swap3A_1562 = vector.shape_cast %swap3A_1561 : vector<1x16xi32> to vector<16xi32>
    %swap3A_1563 = vector.shape_cast %add3A_1557 : vector<16xi32> to vector<1x16xi32>
    tpu.vector_store %arg6[%swap3A_1559, %swap3A_1560], %swap3A_1563 {strides = array<i32>} : memref<20x128xi32, #tpu.memory_space<vmem>>, vector<1x16xi32>,
    %add3A_1564 = arith.constant 2 : i32
    %add3A_1565 = vector.broadcast %add3A_1564 : i32 to vector<16xi32>
    %add3A_1566 = arith.addi %mul3A_1545, %add3A_1565 : vector<16xi32>
    %swap3A_1567 = arith.constant 11 : i32
    %swap3A_1568 = arith.index_cast %swap3A_1567 : i32 to index
    %swap3A_1569 = arith.constant 80 : index
    %swap3A_1570 = tpu.vector_load %arg6[%swap3A_1568, %swap3A_1569] {strides = array<i32>} : memref<20x128xi32, #tpu.memory_space<vmem>>, vector<1x16xi32>,
    %swap3A_1571 = vector.shape_cast %swap3A_1570 : vector<1x16xi32> to vector<16xi32>
    %swap3A_1572 = vector.shape_cast %add3A_1566 : vector<16xi32> to vector<1x16xi32>
    tpu.vector_store %arg6[%swap3A_1568, %swap3A_1569], %swap3A_1572 {strides = array<i32>} : memref<20x128xi32, #tpu.memory_space<vmem>>, vector<1x16xi32>,
    %add3A_1573 = arith.constant 3 : i32
    %add3A_1574 = vector.broadcast %add3A_1573 : i32 to vector<16xi32>
    %add3A_1575 = arith.addi %mul3A_1545, %add3A_1574 : vector<16xi32>
    %swap3A_1576 = arith.constant 15 : i32
    %swap3A_1577 = arith.index_cast %swap3A_1576 : i32 to index
    %swap3A_1578 = arith.constant 80 : index
    %swap3A_1579 = tpu.vector_load %arg6[%swap3A_1577, %swap3A_1578] {strides = array<i32>} : memref<20x128xi32, #tpu.memory_space<vmem>>, vector<1x16xi32>,
    %swap3A_1580 = vector.shape_cast %swap3A_1579 : vector<1x16xi32> to vector<16xi32>
    %swap3A_1581 = vector.shape_cast %add3A_1575 : vector<16xi32> to vector<1x16xi32>
    tpu.vector_store %arg6[%swap3A_1577, %swap3A_1578], %swap3A_1581 {strides = array<i32>} : memref<20x128xi32, #tpu.memory_space<vmem>>, vector<1x16xi32>,
    %add3A_1582 = arith.constant 4 : i32
    %add3A_1583 = vector.broadcast %add3A_1582 : i32 to vector<16xi32>
    %add3A_1584 = arith.addi %mul3A_1545, %add3A_1583 : vector<16xi32>
    %swap3A_1585 = arith.constant 19 : i32
    %swap3A_1586 = arith.index_cast %swap3A_1585 : i32 to index
    %swap3A_1587 = arith.constant 80 : index
    %swap3A_1588 = tpu.vector_load %arg6[%swap3A_1586, %swap3A_1587] {strides = array<i32>} : memref<20x128xi32, #tpu.memory_space<vmem>>, vector<1x16xi32>,
    %swap3A_1589 = vector.shape_cast %swap3A_1588 : vector<1x16xi32> to vector<16xi32>
    %swap3A_1590 = vector.shape_cast %add3A_1584 : vector<16xi32> to vector<1x16xi32>
    tpu.vector_store %arg6[%swap3A_1586, %swap3A_1587], %swap3A_1590 {strides = array<i32>} : memref<20x128xi32, #tpu.memory_space<vmem>>, vector<1x16xi32>,
    %get3A_1591 = arith.constant 3 : i32
    %get3A_1592 = arith.index_cast %get3A_1591 : i32 to index
    %get3A_1593 = arith.constant 96 : index
    %get3A_1594 = tpu.vector_load %arg5[%get3A_1592, %get3A_1593] {strides = array<i32>} : memref<4x128xi32, #tpu.memory_space<vmem>>, vector<1x16xi32>,
    %get3A_1595 = vector.shape_cast %get3A_1594 : vector<1x16xi32> to vector<16xi32>
    %mul3A_1596 = arith.constant 5 : i32
    %mul3A_1597 = vector.broadcast %mul3A_1596 : i32 to vector<16xi32>
    %mul3A_1598 = arith.muli %get3A_1595, %mul3A_1597 : vector<16xi32>
    %add3A_1599 = arith.constant 0 : i32
    %add3A_1600 = vector.broadcast %add3A_1599 : i32 to vector<16xi32>
    %add3A_1601 = arith.addi %mul3A_1598, %add3A_1600 : vector<16xi32>
    %swap3A_1602 = arith.constant 3 : i32
    %swap3A_1603 = arith.index_cast %swap3A_1602 : i32 to index
    %swap3A_1604 = arith.constant 96 : index
    %swap3A_1605 = tpu.vector_load %arg6[%swap3A_1603, %swap3A_1604] {strides = array<i32>} : memref<20x128xi32, #tpu.memory_space<vmem>>, vector<1x16xi32>,
    %swap3A_1606 = vector.shape_cast %swap3A_1605 : vector<1x16xi32> to vector<16xi32>
    %swap3A_1607 = vector.shape_cast %add3A_1601 : vector<16xi32> to vector<1x16xi32>
    tpu.vector_store %arg6[%swap3A_1603, %swap3A_1604], %swap3A_1607 {strides = array<i32>} : memref<20x128xi32, #tpu.memory_space<vmem>>, vector<1x16xi32>,
    %add3A_1608 = arith.constant 1 : i32
    %add3A_1609 = vector.broadcast %add3A_1608 : i32 to vector<16xi32>
    %add3A_1610 = arith.addi %mul3A_1598, %add3A_1609 : vector<16xi32>
    %swap3A_1611 = arith.constant 7 : i32
    %swap3A_1612 = arith.index_cast %swap3A_1611 : i32 to index
    %swap3A_1613 = arith.constant 96 : index
    %swap3A_1614 = tpu.vector_load %arg6[%swap3A_1612, %swap3A_1613] {strides = array<i32>} : memref<20x128xi32, #tpu.memory_space<vmem>>, vector<1x16xi32>,
    %swap3A_1615 = vector.shape_cast %swap3A_1614 : vector<1x16xi32> to vector<16xi32>
    %swap3A_1616 = vector.shape_cast %add3A_1610 : vector<16xi32> to vector<1x16xi32>
    tpu.vector_store %arg6[%swap3A_1612, %swap3A_1613], %swap3A_1616 {strides = array<i32>} : memref<20x128xi32, #tpu.memory_space<vmem>>, vector<1x16xi32>,
    %add3A_1617 = arith.constant 2 : i32
    %add3A_1618 = vector.broadcast %add3A_1617 : i32 to vector<16xi32>
    %add3A_1619 = arith.addi %mul3A_1598, %add3A_1618 : vector<16xi32>
    %swap3A_1620 = arith.constant 11 : i32
    %swap3A_1621 = arith.index_cast %swap3A_1620 : i32 to index
    %swap3A_1622 = arith.constant 96 : index
    %swap3A_1623 = tpu.vector_load %arg6[%swap3A_1621, %swap3A_1622] {strides = array<i32>} : memref<20x128xi32, #tpu.memory_space<vmem>>, vector<1x16xi32>,
    %swap3A_1624 = vector.shape_cast %swap3A_1623 : vector<1x16xi32> to vector<16xi32>
    %swap3A_1625 = vector.shape_cast %add3A_1619 : vector<16xi32> to vector<1x16xi32>
    tpu.vector_store %arg6[%swap3A_1621, %swap3A_1622], %swap3A_1625 {strides = array<i32>} : memref<20x128xi32, #tpu.memory_space<vmem>>, vector<1x16xi32>,
    %add3A_1626 = arith.constant 3 : i32
    %add3A_1627 = vector.broadcast %add3A_1626 : i32 to vector<16xi32>
    %add3A_1628 = arith.addi %mul3A_1598, %add3A_1627 : vector<16xi32>
    %swap3A_1629 = arith.constant 15 : i32
    %swap3A_1630 = arith.index_cast %swap3A_1629 : i32 to index
    %swap3A_1631 = arith.constant 96 : index
    %swap3A_1632 = tpu.vector_load %arg6[%swap3A_1630, %swap3A_1631] {strides = array<i32>} : memref<20x128xi32, #tpu.memory_space<vmem>>, vector<1x16xi32>,
    %swap3A_1633 = vector.shape_cast %swap3A_1632 : vector<1x16xi32> to vector<16xi32>
    %swap3A_1634 = vector.shape_cast %add3A_1628 : vector<16xi32> to vector<1x16xi32>
    tpu.vector_store %arg6[%swap3A_1630, %swap3A_1631], %swap3A_1634 {strides = array<i32>} : memref<20x128xi32, #tpu.memory_space<vmem>>, vector<1x16xi32>,
    %add3A_1635 = arith.constant 4 : i32
    %add3A_1636 = vector.broadcast %add3A_1635 : i32 to vector<16xi32>
    %add3A_1637 = arith.addi %mul3A_1598, %add3A_1636 : vector<16xi32>
    %swap3A_1638 = arith.constant 19 : i32
    %swap3A_1639 = arith.index_cast %swap3A_1638 : i32 to index
    %swap3A_1640 = arith.constant 96 : index
    %swap3A_1641 = tpu.vector_load %arg6[%swap3A_1639, %swap3A_1640] {strides = array<i32>} : memref<20x128xi32, #tpu.memory_space<vmem>>, vector<1x16xi32>,
    %swap3A_1642 = vector.shape_cast %swap3A_1641 : vector<1x16xi32> to vector<16xi32>
    %swap3A_1643 = vector.shape_cast %add3A_1637 : vector<16xi32> to vector<1x16xi32>
    tpu.vector_store %arg6[%swap3A_1639, %swap3A_1640], %swap3A_1643 {strides = array<i32>} : memref<20x128xi32, #tpu.memory_space<vmem>>, vector<1x16xi32>,
    %get3A_1644 = arith.constant 3 : i32
    %get3A_1645 = arith.index_cast %get3A_1644 : i32 to index
    %get3A_1646 = arith.constant 112 : index
    %get3A_1647 = tpu.vector_load %arg5[%get3A_1645, %get3A_1646] {strides = array<i32>} : memref<4x128xi32, #tpu.memory_space<vmem>>, vector<1x16xi32>,
    %get3A_1648 = vector.shape_cast %get3A_1647 : vector<1x16xi32> to vector<16xi32>
    %mul3A_1649 = arith.constant 5 : i32
    %mul3A_1650 = vector.broadcast %mul3A_1649 : i32 to vector<16xi32>
    %mul3A_1651 = arith.muli %get3A_1648, %mul3A_1650 : vector<16xi32>
    %add3A_1652 = arith.constant 0 : i32
    %add3A_1653 = vector.broadcast %add3A_1652 : i32 to vector<16xi32>
    %add3A_1654 = arith.addi %mul3A_1651, %add3A_1653 : vector<16xi32>
    %swap3A_1655 = arith.constant 3 : i32
    %swap3A_1656 = arith.index_cast %swap3A_1655 : i32 to index
    %swap3A_1657 = arith.constant 112 : index
    %swap3A_1658 = tpu.vector_load %arg6[%swap3A_1656, %swap3A_1657] {strides = array<i32>} : memref<20x128xi32, #tpu.memory_space<vmem>>, vector<1x16xi32>,
    %swap3A_1659 = vector.shape_cast %swap3A_1658 : vector<1x16xi32> to vector<16xi32>
    %swap3A_1660 = vector.shape_cast %add3A_1654 : vector<16xi32> to vector<1x16xi32>
    tpu.vector_store %arg6[%swap3A_1656, %swap3A_1657], %swap3A_1660 {strides = array<i32>} : memref<20x128xi32, #tpu.memory_space<vmem>>, vector<1x16xi32>,
    %add3A_1661 = arith.constant 1 : i32
    %add3A_1662 = vector.broadcast %add3A_1661 : i32 to vector<16xi32>
    %add3A_1663 = arith.addi %mul3A_1651, %add3A_1662 : vector<16xi32>
    %swap3A_1664 = arith.constant 7 : i32
    %swap3A_1665 = arith.index_cast %swap3A_1664 : i32 to index
    %swap3A_1666 = arith.constant 112 : index
    %swap3A_1667 = tpu.vector_load %arg6[%swap3A_1665, %swap3A_1666] {strides = array<i32>} : memref<20x128xi32, #tpu.memory_space<vmem>>, vector<1x16xi32>,
    %swap3A_1668 = vector.shape_cast %swap3A_1667 : vector<1x16xi32> to vector<16xi32>
    %swap3A_1669 = vector.shape_cast %add3A_1663 : vector<16xi32> to vector<1x16xi32>
    tpu.vector_store %arg6[%swap3A_1665, %swap3A_1666], %swap3A_1669 {strides = array<i32>} : memref<20x128xi32, #tpu.memory_space<vmem>>, vector<1x16xi32>,
    %add3A_1670 = arith.constant 2 : i32
    %add3A_1671 = vector.broadcast %add3A_1670 : i32 to vector<16xi32>
    %add3A_1672 = arith.addi %mul3A_1651, %add3A_1671 : vector<16xi32>
    %swap3A_1673 = arith.constant 11 : i32
    %swap3A_1674 = arith.index_cast %swap3A_1673 : i32 to index
    %swap3A_1675 = arith.constant 112 : index
    %swap3A_1676 = tpu.vector_load %arg6[%swap3A_1674, %swap3A_1675] {strides = array<i32>} : memref<20x128xi32, #tpu.memory_space<vmem>>, vector<1x16xi32>,
    %swap3A_1677 = vector.shape_cast %swap3A_1676 : vector<1x16xi32> to vector<16xi32>
    %swap3A_1678 = vector.shape_cast %add3A_1672 : vector<16xi32> to vector<1x16xi32>
    tpu.vector_store %arg6[%swap3A_1674, %swap3A_1675], %swap3A_1678 {strides = array<i32>} : memref<20x128xi32, #tpu.memory_space<vmem>>, vector<1x16xi32>,
    %add3A_1679 = arith.constant 3 : i32
    %add3A_1680 = vector.broadcast %add3A_1679 : i32 to vector<16xi32>
    %add3A_1681 = arith.addi %mul3A_1651, %add3A_1680 : vector<16xi32>
    %swap3A_1682 = arith.constant 15 : i32
    %swap3A_1683 = arith.index_cast %swap3A_1682 : i32 to index
    %swap3A_1684 = arith.constant 112 : index
    %swap3A_1685 = tpu.vector_load %arg6[%swap3A_1683, %swap3A_1684] {strides = array<i32>} : memref<20x128xi32, #tpu.memory_space<vmem>>, vector<1x16xi32>,
    %swap3A_1686 = vector.shape_cast %swap3A_1685 : vector<1x16xi32> to vector<16xi32>
    %swap3A_1687 = vector.shape_cast %add3A_1681 : vector<16xi32> to vector<1x16xi32>
    tpu.vector_store %arg6[%swap3A_1683, %swap3A_1684], %swap3A_1687 {strides = array<i32>} : memref<20x128xi32, #tpu.memory_space<vmem>>, vector<1x16xi32>,
    %add3A_1688 = arith.constant 4 : i32
    %add3A_1689 = vector.broadcast %add3A_1688 : i32 to vector<16xi32>
    %add3A_1690 = arith.addi %mul3A_1651, %add3A_1689 : vector<16xi32>
    %swap3A_1691 = arith.constant 19 : i32
    %swap3A_1692 = arith.index_cast %swap3A_1691 : i32 to index
    %swap3A_1693 = arith.constant 112 : index
    %swap3A_1694 = tpu.vector_load %arg6[%swap3A_1692, %swap3A_1693] {strides = array<i32>} : memref<20x128xi32, #tpu.memory_space<vmem>>, vector<1x16xi32>,
    %swap3A_1695 = vector.shape_cast %swap3A_1694 : vector<1x16xi32> to vector<16xi32>
    %swap3A_1696 = vector.shape_cast %add3A_1690 : vector<16xi32> to vector<1x16xi32>
    tpu.vector_store %arg6[%swap3A_1692, %swap3A_1693], %swap3A_1696 {strides = array<i32>} : memref<20x128xi32, #tpu.memory_space<vmem>>, vector<1x16xi32>,
    %dma_start3A = arith.constant 0 : i32
    %dma_start3A_1697 = arith.constant 0 : i32
    %dma_start3A_1698 = arith.constant 0 : i32
    %dma_start3A_1699 = tpu.memref_slice %arg7[%dma_start3A_1697, %dma_start3A_1698] : memref<5x512xf32, #tpu.memory_space<vmem>> -> memref<1x128xf32, #tpu.memory_space<vmem>>
    %dma_start3A_1700 = tpu.memref_squeeze %dma_start3A_1699 : memref<1x128xf32, #tpu.memory_space<vmem>> -> memref<128xf32, #tpu.memory_space<vmem>>
    %dma_start3A_1701 = arith.constant 0 : i32
    %dma_start3A_1702 = tpu.memref_slice %arg6[%dma_start3A, %dma_start3A_1701] : memref<20x128xi32, #tpu.memory_space<vmem>> -> memref<1x128xi32, #tpu.memory_space<vmem>>
    %dma_start3A_1703 = tpu.memref_squeeze %dma_start3A_1702 : memref<1x128xi32, #tpu.memory_space<vmem>> -> memref<128xi32, #tpu.memory_space<vmem>>
    %dma_start3A_1704 = arith.constant 0 : i32
    %dma_start3A_1705 = tpu.memref_slice %arg2[%dma_start3A_1704] : memref<40965xf32, #tpu.memory_space<hbm>> -> memref<40965xf32, #tpu.memory_space<hbm>>
    tpu.enqueue_indirect_dma source(%dma_start3A_1705 : memref<40965xf32, #tpu.memory_space<hbm>>) target(%dma_start3A_1700 : memref<128xf32, #tpu.memory_space<vmem>>) offsets(%dma_start3A_1703 : memref<128xi32, #tpu.memory_space<vmem>>) semaphore(%arg8 : memref<!tpu.dma_semaphore, #tpu.memory_space<semaphore_mem>>)
    %dma_start3A_1706 = arith.constant 1 : i32
    %dma_start3A_1707 = arith.constant 0 : i32
    %dma_start3A_1708 = arith.constant 128 : i32
    %dma_start3A_1709 = tpu.memref_slice %arg7[%dma_start3A_1707, %dma_start3A_1708] : memref<5x512xf32, #tpu.memory_space<vmem>> -> memref<1x128xf32, #tpu.memory_space<vmem>>
    %dma_start3A_1710 = tpu.memref_squeeze %dma_start3A_1709 : memref<1x128xf32, #tpu.memory_space<vmem>> -> memref<128xf32, #tpu.memory_space<vmem>>
    %dma_start3A_1711 = arith.constant 0 : i32
    %dma_start3A_1712 = tpu.memref_slice %arg6[%dma_start3A_1706, %dma_start3A_1711] : memref<20x128xi32, #tpu.memory_space<vmem>> -> memref<1x128xi32, #tpu.memory_space<vmem>>
    %dma_start3A_1713 = tpu.memref_squeeze %dma_start3A_1712 : memref<1x128xi32, #tpu.memory_space<vmem>> -> memref<128xi32, #tpu.memory_space<vmem>>
    %dma_start3A_1714 = arith.constant 0 : i32
    %dma_start3A_1715 = tpu.memref_slice %arg2[%dma_start3A_1714] : memref<40965xf32, #tpu.memory_space<hbm>> -> memref<40965xf32, #tpu.memory_space<hbm>>
    tpu.enqueue_indirect_dma source(%dma_start3A_1715 : memref<40965xf32, #tpu.memory_space<hbm>>) target(%dma_start3A_1710 : memref<128xf32, #tpu.memory_space<vmem>>) offsets(%dma_start3A_1713 : memref<128xi32, #tpu.memory_space<vmem>>) semaphore(%arg8 : memref<!tpu.dma_semaphore, #tpu.memory_space<semaphore_mem>>)
    %dma_start3A_1716 = arith.constant 2 : i32
    %dma_start3A_1717 = arith.constant 0 : i32
    %dma_start3A_1718 = arith.constant 256 : i32
    %dma_start3A_1719 = tpu.memref_slice %arg7[%dma_start3A_1717, %dma_start3A_1718] : memref<5x512xf32, #tpu.memory_space<vmem>> -> memref<1x128xf32, #tpu.memory_space<vmem>>
    %dma_start3A_1720 = tpu.memref_squeeze %dma_start3A_1719 : memref<1x128xf32, #tpu.memory_space<vmem>> -> memref<128xf32, #tpu.memory_space<vmem>>
    %dma_start3A_1721 = arith.constant 0 : i32
    %dma_start3A_1722 = tpu.memref_slice %arg6[%dma_start3A_1716, %dma_start3A_1721] : memref<20x128xi32, #tpu.memory_space<vmem>> -> memref<1x128xi32, #tpu.memory_space<vmem>>
    %dma_start3A_1723 = tpu.memref_squeeze %dma_start3A_1722 : memref<1x128xi32, #tpu.memory_space<vmem>> -> memref<128xi32, #tpu.memory_space<vmem>>
    %dma_start3A_1724 = arith.constant 0 : i32
    %dma_start3A_1725 = tpu.memref_slice %arg2[%dma_start3A_1724] : memref<40965xf32, #tpu.memory_space<hbm>> -> memref<40965xf32, #tpu.memory_space<hbm>>
    tpu.enqueue_indirect_dma source(%dma_start3A_1725 : memref<40965xf32, #tpu.memory_space<hbm>>) target(%dma_start3A_1720 : memref<128xf32, #tpu.memory_space<vmem>>) offsets(%dma_start3A_1723 : memref<128xi32, #tpu.memory_space<vmem>>) semaphore(%arg8 : memref<!tpu.dma_semaphore, #tpu.memory_space<semaphore_mem>>)
    %dma_start3A_1726 = arith.constant 3 : i32
    %dma_start3A_1727 = arith.constant 0 : i32
    %dma_start3A_1728 = arith.constant 384 : i32
    %dma_start3A_1729 = tpu.memref_slice %arg7[%dma_start3A_1727, %dma_start3A_1728] : memref<5x512xf32, #tpu.memory_space<vmem>> -> memref<1x128xf32, #tpu.memory_space<vmem>>
    %dma_start3A_1730 = tpu.memref_squeeze %dma_start3A_1729 : memref<1x128xf32, #tpu.memory_space<vmem>> -> memref<128xf32, #tpu.memory_space<vmem>>
    %dma_start3A_1731 = arith.constant 0 : i32
    %dma_start3A_1732 = tpu.memref_slice %arg6[%dma_start3A_1726, %dma_start3A_1731] : memref<20x128xi32, #tpu.memory_space<vmem>> -> memref<1x128xi32, #tpu.memory_space<vmem>>
    %dma_start3A_1733 = tpu.memref_squeeze %dma_start3A_1732 : memref<1x128xi32, #tpu.memory_space<vmem>> -> memref<128xi32, #tpu.memory_space<vmem>>
    %dma_start3A_1734 = arith.constant 0 : i32
    %dma_start3A_1735 = tpu.memref_slice %arg2[%dma_start3A_1734] : memref<40965xf32, #tpu.memory_space<hbm>> -> memref<40965xf32, #tpu.memory_space<hbm>>
    tpu.enqueue_indirect_dma source(%dma_start3A_1735 : memref<40965xf32, #tpu.memory_space<hbm>>) target(%dma_start3A_1730 : memref<128xf32, #tpu.memory_space<vmem>>) offsets(%dma_start3A_1733 : memref<128xi32, #tpu.memory_space<vmem>>) semaphore(%arg8 : memref<!tpu.dma_semaphore, #tpu.memory_space<semaphore_mem>>)
    %dma_start3A_1736 = arith.constant 4 : i32
    %dma_start3A_1737 = arith.constant 1 : i32
    %dma_start3A_1738 = arith.constant 0 : i32
    %dma_start3A_1739 = tpu.memref_slice %arg7[%dma_start3A_1737, %dma_start3A_1738] : memref<5x512xf32, #tpu.memory_space<vmem>> -> memref<1x128xf32, #tpu.memory_space<vmem>>
    %dma_start3A_1740 = tpu.memref_squeeze %dma_start3A_1739 : memref<1x128xf32, #tpu.memory_space<vmem>> -> memref<128xf32, #tpu.memory_space<vmem>>
    %dma_start3A_1741 = arith.constant 0 : i32
    %dma_start3A_1742 = tpu.memref_slice %arg6[%dma_start3A_1736, %dma_start3A_1741] : memref<20x128xi32, #tpu.memory_space<vmem>> -> memref<1x128xi32, #tpu.memory_space<vmem>>
    %dma_start3A_1743 = tpu.memref_squeeze %dma_start3A_1742 : memref<1x128xi32, #tpu.memory_space<vmem>> -> memref<128xi32, #tpu.memory_space<vmem>>
    %dma_start3A_1744 = arith.constant 0 : i32
    %dma_start3A_1745 = tpu.memref_slice %arg2[%dma_start3A_1744] : memref<40965xf32, #tpu.memory_space<hbm>> -> memref<40965xf32, #tpu.memory_space<hbm>>
    tpu.enqueue_indirect_dma source(%dma_start3A_1745 : memref<40965xf32, #tpu.memory_space<hbm>>) target(%dma_start3A_1740 : memref<128xf32, #tpu.memory_space<vmem>>) offsets(%dma_start3A_1743 : memref<128xi32, #tpu.memory_space<vmem>>) semaphore(%arg8 : memref<!tpu.dma_semaphore, #tpu.memory_space<semaphore_mem>>)
    %dma_start3A_1746 = arith.constant 5 : i32
    %dma_start3A_1747 = arith.constant 1 : i32
    %dma_start3A_1748 = arith.constant 128 : i32
    %dma_start3A_1749 = tpu.memref_slice %arg7[%dma_start3A_1747, %dma_start3A_1748] : memref<5x512xf32, #tpu.memory_space<vmem>> -> memref<1x128xf32, #tpu.memory_space<vmem>>
    %dma_start3A_1750 = tpu.memref_squeeze %dma_start3A_1749 : memref<1x128xf32, #tpu.memory_space<vmem>> -> memref<128xf32, #tpu.memory_space<vmem>>
    %dma_start3A_1751 = arith.constant 0 : i32
    %dma_start3A_1752 = tpu.memref_slice %arg6[%dma_start3A_1746, %dma_start3A_1751] : memref<20x128xi32, #tpu.memory_space<vmem>> -> memref<1x128xi32, #tpu.memory_space<vmem>>
    %dma_start3A_1753 = tpu.memref_squeeze %dma_start3A_1752 : memref<1x128xi32, #tpu.memory_space<vmem>> -> memref<128xi32, #tpu.memory_space<vmem>>
    %dma_start3A_1754 = arith.constant 0 : i32
    %dma_start3A_1755 = tpu.memref_slice %arg2[%dma_start3A_1754] : memref<40965xf32, #tpu.memory_space<hbm>> -> memref<40965xf32, #tpu.memory_space<hbm>>
    tpu.enqueue_indirect_dma source(%dma_start3A_1755 : memref<40965xf32, #tpu.memory_space<hbm>>) target(%dma_start3A_1750 : memref<128xf32, #tpu.memory_space<vmem>>) offsets(%dma_start3A_1753 : memref<128xi32, #tpu.memory_space<vmem>>) semaphore(%arg8 : memref<!tpu.dma_semaphore, #tpu.memory_space<semaphore_mem>>)
    %dma_start3A_1756 = arith.constant 6 : i32
    %dma_start3A_1757 = arith.constant 1 : i32
    %dma_start3A_1758 = arith.constant 256 : i32
    %dma_start3A_1759 = tpu.memref_slice %arg7[%dma_start3A_1757, %dma_start3A_1758] : memref<5x512xf32, #tpu.memory_space<vmem>> -> memref<1x128xf32, #tpu.memory_space<vmem>>
    %dma_start3A_1760 = tpu.memref_squeeze %dma_start3A_1759 : memref<1x128xf32, #tpu.memory_space<vmem>> -> memref<128xf32, #tpu.memory_space<vmem>>
    %dma_start3A_1761 = arith.constant 0 : i32
    %dma_start3A_1762 = tpu.memref_slice %arg6[%dma_start3A_1756, %dma_start3A_1761] : memref<20x128xi32, #tpu.memory_space<vmem>> -> memref<1x128xi32, #tpu.memory_space<vmem>>
    %dma_start3A_1763 = tpu.memref_squeeze %dma_start3A_1762 : memref<1x128xi32, #tpu.memory_space<vmem>> -> memref<128xi32, #tpu.memory_space<vmem>>
    %dma_start3A_1764 = arith.constant 0 : i32
    %dma_start3A_1765 = tpu.memref_slice %arg2[%dma_start3A_1764] : memref<40965xf32, #tpu.memory_space<hbm>> -> memref<40965xf32, #tpu.memory_space<hbm>>
    tpu.enqueue_indirect_dma source(%dma_start3A_1765 : memref<40965xf32, #tpu.memory_space<hbm>>) target(%dma_start3A_1760 : memref<128xf32, #tpu.memory_space<vmem>>) offsets(%dma_start3A_1763 : memref<128xi32, #tpu.memory_space<vmem>>) semaphore(%arg8 : memref<!tpu.dma_semaphore, #tpu.memory_space<semaphore_mem>>)
    %dma_start3A_1766 = arith.constant 7 : i32
    %dma_start3A_1767 = arith.constant 1 : i32
    %dma_start3A_1768 = arith.constant 384 : i32
    %dma_start3A_1769 = tpu.memref_slice %arg7[%dma_start3A_1767, %dma_start3A_1768] : memref<5x512xf32, #tpu.memory_space<vmem>> -> memref<1x128xf32, #tpu.memory_space<vmem>>
    %dma_start3A_1770 = tpu.memref_squeeze %dma_start3A_1769 : memref<1x128xf32, #tpu.memory_space<vmem>> -> memref<128xf32, #tpu.memory_space<vmem>>
    %dma_start3A_1771 = arith.constant 0 : i32
    %dma_start3A_1772 = tpu.memref_slice %arg6[%dma_start3A_1766, %dma_start3A_1771] : memref<20x128xi32, #tpu.memory_space<vmem>> -> memref<1x128xi32, #tpu.memory_space<vmem>>
    %dma_start3A_1773 = tpu.memref_squeeze %dma_start3A_1772 : memref<1x128xi32, #tpu.memory_space<vmem>> -> memref<128xi32, #tpu.memory_space<vmem>>
    %dma_start3A_1774 = arith.constant 0 : i32
    %dma_start3A_1775 = tpu.memref_slice %arg2[%dma_start3A_1774] : memref<40965xf32, #tpu.memory_space<hbm>> -> memref<40965xf32, #tpu.memory_space<hbm>>
    tpu.enqueue_indirect_dma source(%dma_start3A_1775 : memref<40965xf32, #tpu.memory_space<hbm>>) target(%dma_start3A_1770 : memref<128xf32, #tpu.memory_space<vmem>>) offsets(%dma_start3A_1773 : memref<128xi32, #tpu.memory_space<vmem>>) semaphore(%arg8 : memref<!tpu.dma_semaphore, #tpu.memory_space<semaphore_mem>>)
    %dma_start3A_1776 = arith.constant 8 : i32
    %dma_start3A_1777 = arith.constant 2 : i32
    %dma_start3A_1778 = arith.constant 0 : i32
    %dma_start3A_1779 = tpu.memref_slice %arg7[%dma_start3A_1777, %dma_start3A_1778] : memref<5x512xf32, #tpu.memory_space<vmem>> -> memref<1x128xf32, #tpu.memory_space<vmem>>
    %dma_start3A_1780 = tpu.memref_squeeze %dma_start3A_1779 : memref<1x128xf32, #tpu.memory_space<vmem>> -> memref<128xf32, #tpu.memory_space<vmem>>
    %dma_start3A_1781 = arith.constant 0 : i32
    %dma_start3A_1782 = tpu.memref_slice %arg6[%dma_start3A_1776, %dma_start3A_1781] : memref<20x128xi32, #tpu.memory_space<vmem>> -> memref<1x128xi32, #tpu.memory_space<vmem>>
    %dma_start3A_1783 = tpu.memref_squeeze %dma_start3A_1782 : memref<1x128xi32, #tpu.memory_space<vmem>> -> memref<128xi32, #tpu.memory_space<vmem>>
    %dma_start3A_1784 = arith.constant 0 : i32
    %dma_start3A_1785 = tpu.memref_slice %arg2[%dma_start3A_1784] : memref<40965xf32, #tpu.memory_space<hbm>> -> memref<40965xf32, #tpu.memory_space<hbm>>
    tpu.enqueue_indirect_dma source(%dma_start3A_1785 : memref<40965xf32, #tpu.memory_space<hbm>>) target(%dma_start3A_1780 : memref<128xf32, #tpu.memory_space<vmem>>) offsets(%dma_start3A_1783 : memref<128xi32, #tpu.memory_space<vmem>>) semaphore(%arg8 : memref<!tpu.dma_semaphore, #tpu.memory_space<semaphore_mem>>)
    %dma_start3A_1786 = arith.constant 9 : i32
    %dma_start3A_1787 = arith.constant 2 : i32
    %dma_start3A_1788 = arith.constant 128 : i32
    %dma_start3A_1789 = tpu.memref_slice %arg7[%dma_start3A_1787, %dma_start3A_1788] : memref<5x512xf32, #tpu.memory_space<vmem>> -> memref<1x128xf32, #tpu.memory_space<vmem>>
    %dma_start3A_1790 = tpu.memref_squeeze %dma_start3A_1789 : memref<1x128xf32, #tpu.memory_space<vmem>> -> memref<128xf32, #tpu.memory_space<vmem>>
    %dma_start3A_1791 = arith.constant 0 : i32
    %dma_start3A_1792 = tpu.memref_slice %arg6[%dma_start3A_1786, %dma_start3A_1791] : memref<20x128xi32, #tpu.memory_space<vmem>> -> memref<1x128xi32, #tpu.memory_space<vmem>>
    %dma_start3A_1793 = tpu.memref_squeeze %dma_start3A_1792 : memref<1x128xi32, #tpu.memory_space<vmem>> -> memref<128xi32, #tpu.memory_space<vmem>>
    %dma_start3A_1794 = arith.constant 0 : i32
    %dma_start3A_1795 = tpu.memref_slice %arg2[%dma_start3A_1794] : memref<40965xf32, #tpu.memory_space<hbm>> -> memref<40965xf32, #tpu.memory_space<hbm>>
    tpu.enqueue_indirect_dma source(%dma_start3A_1795 : memref<40965xf32, #tpu.memory_space<hbm>>) target(%dma_start3A_1790 : memref<128xf32, #tpu.memory_space<vmem>>) offsets(%dma_start3A_1793 : memref<128xi32, #tpu.memory_space<vmem>>) semaphore(%arg8 : memref<!tpu.dma_semaphore, #tpu.memory_space<semaphore_mem>>)
    %dma_start3A_1796 = arith.constant 10 : i32
    %dma_start3A_1797 = arith.constant 2 : i32
    %dma_start3A_1798 = arith.constant 256 : i32
    %dma_start3A_1799 = tpu.memref_slice %arg7[%dma_start3A_1797, %dma_start3A_1798] : memref<5x512xf32, #tpu.memory_space<vmem>> -> memref<1x128xf32, #tpu.memory_space<vmem>>
    %dma_start3A_1800 = tpu.memref_squeeze %dma_start3A_1799 : memref<1x128xf32, #tpu.memory_space<vmem>> -> memref<128xf32, #tpu.memory_space<vmem>>
    %dma_start3A_1801 = arith.constant 0 : i32
    %dma_start3A_1802 = tpu.memref_slice %arg6[%dma_start3A_1796, %dma_start3A_1801] : memref<20x128xi32, #tpu.memory_space<vmem>> -> memref<1x128xi32, #tpu.memory_space<vmem>>
    %dma_start3A_1803 = tpu.memref_squeeze %dma_start3A_1802 : memref<1x128xi32, #tpu.memory_space<vmem>> -> memref<128xi32, #tpu.memory_space<vmem>>
    %dma_start3A_1804 = arith.constant 0 : i32
    %dma_start3A_1805 = tpu.memref_slice %arg2[%dma_start3A_1804] : memref<40965xf32, #tpu.memory_space<hbm>> -> memref<40965xf32, #tpu.memory_space<hbm>>
    tpu.enqueue_indirect_dma source(%dma_start3A_1805 : memref<40965xf32, #tpu.memory_space<hbm>>) target(%dma_start3A_1800 : memref<128xf32, #tpu.memory_space<vmem>>) offsets(%dma_start3A_1803 : memref<128xi32, #tpu.memory_space<vmem>>) semaphore(%arg8 : memref<!tpu.dma_semaphore, #tpu.memory_space<semaphore_mem>>)
    %dma_start3A_1806 = arith.constant 11 : i32
    %dma_start3A_1807 = arith.constant 2 : i32
    %dma_start3A_1808 = arith.constant 384 : i32
    %dma_start3A_1809 = tpu.memref_slice %arg7[%dma_start3A_1807, %dma_start3A_1808] : memref<5x512xf32, #tpu.memory_space<vmem>> -> memref<1x128xf32, #tpu.memory_space<vmem>>
    %dma_start3A_1810 = tpu.memref_squeeze %dma_start3A_1809 : memref<1x128xf32, #tpu.memory_space<vmem>> -> memref<128xf32, #tpu.memory_space<vmem>>
    %dma_start3A_1811 = arith.constant 0 : i32
    %dma_start3A_1812 = tpu.memref_slice %arg6[%dma_start3A_1806, %dma_start3A_1811] : memref<20x128xi32, #tpu.memory_space<vmem>> -> memref<1x128xi32, #tpu.memory_space<vmem>>
    %dma_start3A_1813 = tpu.memref_squeeze %dma_start3A_1812 : memref<1x128xi32, #tpu.memory_space<vmem>> -> memref<128xi32, #tpu.memory_space<vmem>>
    %dma_start3A_1814 = arith.constant 0 : i32
    %dma_start3A_1815 = tpu.memref_slice %arg2[%dma_start3A_1814] : memref<40965xf32, #tpu.memory_space<hbm>> -> memref<40965xf32, #tpu.memory_space<hbm>>
    tpu.enqueue_indirect_dma source(%dma_start3A_1815 : memref<40965xf32, #tpu.memory_space<hbm>>) target(%dma_start3A_1810 : memref<128xf32, #tpu.memory_space<vmem>>) offsets(%dma_start3A_1813 : memref<128xi32, #tpu.memory_space<vmem>>) semaphore(%arg8 : memref<!tpu.dma_semaphore, #tpu.memory_space<semaphore_mem>>)
    %dma_start3A_1816 = arith.constant 12 : i32
    %dma_start3A_1817 = arith.constant 3 : i32
    %dma_start3A_1818 = arith.constant 0 : i32
    %dma_start3A_1819 = tpu.memref_slice %arg7[%dma_start3A_1817, %dma_start3A_1818] : memref<5x512xf32, #tpu.memory_space<vmem>> -> memref<1x128xf32, #tpu.memory_space<vmem>>
    %dma_start3A_1820 = tpu.memref_squeeze %dma_start3A_1819 : memref<1x128xf32, #tpu.memory_space<vmem>> -> memref<128xf32, #tpu.memory_space<vmem>>
    %dma_start3A_1821 = arith.constant 0 : i32
    %dma_start3A_1822 = tpu.memref_slice %arg6[%dma_start3A_1816, %dma_start3A_1821] : memref<20x128xi32, #tpu.memory_space<vmem>> -> memref<1x128xi32, #tpu.memory_space<vmem>>
    %dma_start3A_1823 = tpu.memref_squeeze %dma_start3A_1822 : memref<1x128xi32, #tpu.memory_space<vmem>> -> memref<128xi32, #tpu.memory_space<vmem>>
    %dma_start3A_1824 = arith.constant 0 : i32
    %dma_start3A_1825 = tpu.memref_slice %arg2[%dma_start3A_1824] : memref<40965xf32, #tpu.memory_space<hbm>> -> memref<40965xf32, #tpu.memory_space<hbm>>
    tpu.enqueue_indirect_dma source(%dma_start3A_1825 : memref<40965xf32, #tpu.memory_space<hbm>>) target(%dma_start3A_1820 : memref<128xf32, #tpu.memory_space<vmem>>) offsets(%dma_start3A_1823 : memref<128xi32, #tpu.memory_space<vmem>>) semaphore(%arg8 : memref<!tpu.dma_semaphore, #tpu.memory_space<semaphore_mem>>)
    %dma_start3A_1826 = arith.constant 13 : i32
    %dma_start3A_1827 = arith.constant 3 : i32
    %dma_start3A_1828 = arith.constant 128 : i32
    %dma_start3A_1829 = tpu.memref_slice %arg7[%dma_start3A_1827, %dma_start3A_1828] : memref<5x512xf32, #tpu.memory_space<vmem>> -> memref<1x128xf32, #tpu.memory_space<vmem>>
    %dma_start3A_1830 = tpu.memref_squeeze %dma_start3A_1829 : memref<1x128xf32, #tpu.memory_space<vmem>> -> memref<128xf32, #tpu.memory_space<vmem>>
    %dma_start3A_1831 = arith.constant 0 : i32
    %dma_start3A_1832 = tpu.memref_slice %arg6[%dma_start3A_1826, %dma_start3A_1831] : memref<20x128xi32, #tpu.memory_space<vmem>> -> memref<1x128xi32, #tpu.memory_space<vmem>>
    %dma_start3A_1833 = tpu.memref_squeeze %dma_start3A_1832 : memref<1x128xi32, #tpu.memory_space<vmem>> -> memref<128xi32, #tpu.memory_space<vmem>>
    %dma_start3A_1834 = arith.constant 0 : i32
    %dma_start3A_1835 = tpu.memref_slice %arg2[%dma_start3A_1834] : memref<40965xf32, #tpu.memory_space<hbm>> -> memref<40965xf32, #tpu.memory_space<hbm>>
    tpu.enqueue_indirect_dma source(%dma_start3A_1835 : memref<40965xf32, #tpu.memory_space<hbm>>) target(%dma_start3A_1830 : memref<128xf32, #tpu.memory_space<vmem>>) offsets(%dma_start3A_1833 : memref<128xi32, #tpu.memory_space<vmem>>) semaphore(%arg8 : memref<!tpu.dma_semaphore, #tpu.memory_space<semaphore_mem>>)
    %dma_start3A_1836 = arith.constant 14 : i32
    %dma_start3A_1837 = arith.constant 3 : i32
    %dma_start3A_1838 = arith.constant 256 : i32
    %dma_start3A_1839 = tpu.memref_slice %arg7[%dma_start3A_1837, %dma_start3A_1838] : memref<5x512xf32, #tpu.memory_space<vmem>> -> memref<1x128xf32, #tpu.memory_space<vmem>>
    %dma_start3A_1840 = tpu.memref_squeeze %dma_start3A_1839 : memref<1x128xf32, #tpu.memory_space<vmem>> -> memref<128xf32, #tpu.memory_space<vmem>>
    %dma_start3A_1841 = arith.constant 0 : i32
    %dma_start3A_1842 = tpu.memref_slice %arg6[%dma_start3A_1836, %dma_start3A_1841] : memref<20x128xi32, #tpu.memory_space<vmem>> -> memref<1x128xi32, #tpu.memory_space<vmem>>
    %dma_start3A_1843 = tpu.memref_squeeze %dma_start3A_1842 : memref<1x128xi32, #tpu.memory_space<vmem>> -> memref<128xi32, #tpu.memory_space<vmem>>
    %dma_start3A_1844 = arith.constant 0 : i32
    %dma_start3A_1845 = tpu.memref_slice %arg2[%dma_start3A_1844] : memref<40965xf32, #tpu.memory_space<hbm>> -> memref<40965xf32, #tpu.memory_space<hbm>>
    tpu.enqueue_indirect_dma source(%dma_start3A_1845 : memref<40965xf32, #tpu.memory_space<hbm>>) target(%dma_start3A_1840 : memref<128xf32, #tpu.memory_space<vmem>>) offsets(%dma_start3A_1843 : memref<128xi32, #tpu.memory_space<vmem>>) semaphore(%arg8 : memref<!tpu.dma_semaphore, #tpu.memory_space<semaphore_mem>>)
    %dma_start3A_1846 = arith.constant 15 : i32
    %dma_start3A_1847 = arith.constant 3 : i32
    %dma_start3A_1848 = arith.constant 384 : i32
    %dma_start3A_1849 = tpu.memref_slice %arg7[%dma_start3A_1847, %dma_start3A_1848] : memref<5x512xf32, #tpu.memory_space<vmem>> -> memref<1x128xf32, #tpu.memory_space<vmem>>
    %dma_start3A_1850 = tpu.memref_squeeze %dma_start3A_1849 : memref<1x128xf32, #tpu.memory_space<vmem>> -> memref<128xf32, #tpu.memory_space<vmem>>
    %dma_start3A_1851 = arith.constant 0 : i32
    %dma_start3A_1852 = tpu.memref_slice %arg6[%dma_start3A_1846, %dma_start3A_1851] : memref<20x128xi32, #tpu.memory_space<vmem>> -> memref<1x128xi32, #tpu.memory_space<vmem>>
    %dma_start3A_1853 = tpu.memref_squeeze %dma_start3A_1852 : memref<1x128xi32, #tpu.memory_space<vmem>> -> memref<128xi32, #tpu.memory_space<vmem>>
    %dma_start3A_1854 = arith.constant 0 : i32
    %dma_start3A_1855 = tpu.memref_slice %arg2[%dma_start3A_1854] : memref<40965xf32, #tpu.memory_space<hbm>> -> memref<40965xf32, #tpu.memory_space<hbm>>
    tpu.enqueue_indirect_dma source(%dma_start3A_1855 : memref<40965xf32, #tpu.memory_space<hbm>>) target(%dma_start3A_1850 : memref<128xf32, #tpu.memory_space<vmem>>) offsets(%dma_start3A_1853 : memref<128xi32, #tpu.memory_space<vmem>>) semaphore(%arg8 : memref<!tpu.dma_semaphore, #tpu.memory_space<semaphore_mem>>)
    %dma_start3A_1856 = arith.constant 16 : i32
    %dma_start3A_1857 = arith.constant 4 : i32
    %dma_start3A_1858 = arith.constant 0 : i32
    %dma_start3A_1859 = tpu.memref_slice %arg7[%dma_start3A_1857, %dma_start3A_1858] : memref<5x512xf32, #tpu.memory_space<vmem>> -> memref<1x128xf32, #tpu.memory_space<vmem>>
    %dma_start3A_1860 = tpu.memref_squeeze %dma_start3A_1859 : memref<1x128xf32, #tpu.memory_space<vmem>> -> memref<128xf32, #tpu.memory_space<vmem>>
    %dma_start3A_1861 = arith.constant 0 : i32
    %dma_start3A_1862 = tpu.memref_slice %arg6[%dma_start3A_1856, %dma_start3A_1861] : memref<20x128xi32, #tpu.memory_space<vmem>> -> memref<1x128xi32, #tpu.memory_space<vmem>>
    %dma_start3A_1863 = tpu.memref_squeeze %dma_start3A_1862 : memref<1x128xi32, #tpu.memory_space<vmem>> -> memref<128xi32, #tpu.memory_space<vmem>>
    %dma_start3A_1864 = arith.constant 0 : i32
    %dma_start3A_1865 = tpu.memref_slice %arg2[%dma_start3A_1864] : memref<40965xf32, #tpu.memory_space<hbm>> -> memref<40965xf32, #tpu.memory_space<hbm>>
    tpu.enqueue_indirect_dma source(%dma_start3A_1865 : memref<40965xf32, #tpu.memory_space<hbm>>) target(%dma_start3A_1860 : memref<128xf32, #tpu.memory_space<vmem>>) offsets(%dma_start3A_1863 : memref<128xi32, #tpu.memory_space<vmem>>) semaphore(%arg8 : memref<!tpu.dma_semaphore, #tpu.memory_space<semaphore_mem>>)
    %dma_start3A_1866 = arith.constant 17 : i32
    %dma_start3A_1867 = arith.constant 4 : i32
    %dma_start3A_1868 = arith.constant 128 : i32
    %dma_start3A_1869 = tpu.memref_slice %arg7[%dma_start3A_1867, %dma_start3A_1868] : memref<5x512xf32, #tpu.memory_space<vmem>> -> memref<1x128xf32, #tpu.memory_space<vmem>>
    %dma_start3A_1870 = tpu.memref_squeeze %dma_start3A_1869 : memref<1x128xf32, #tpu.memory_space<vmem>> -> memref<128xf32, #tpu.memory_space<vmem>>
    %dma_start3A_1871 = arith.constant 0 : i32
    %dma_start3A_1872 = tpu.memref_slice %arg6[%dma_start3A_1866, %dma_start3A_1871] : memref<20x128xi32, #tpu.memory_space<vmem>> -> memref<1x128xi32, #tpu.memory_space<vmem>>
    %dma_start3A_1873 = tpu.memref_squeeze %dma_start3A_1872 : memref<1x128xi32, #tpu.memory_space<vmem>> -> memref<128xi32, #tpu.memory_space<vmem>>
    %dma_start3A_1874 = arith.constant 0 : i32
    %dma_start3A_1875 = tpu.memref_slice %arg2[%dma_start3A_1874] : memref<40965xf32, #tpu.memory_space<hbm>> -> memref<40965xf32, #tpu.memory_space<hbm>>
    tpu.enqueue_indirect_dma source(%dma_start3A_1875 : memref<40965xf32, #tpu.memory_space<hbm>>) target(%dma_start3A_1870 : memref<128xf32, #tpu.memory_space<vmem>>) offsets(%dma_start3A_1873 : memref<128xi32, #tpu.memory_space<vmem>>) semaphore(%arg8 : memref<!tpu.dma_semaphore, #tpu.memory_space<semaphore_mem>>)
    %dma_start3A_1876 = arith.constant 18 : i32
    %dma_start3A_1877 = arith.constant 4 : i32
    %dma_start3A_1878 = arith.constant 256 : i32
    %dma_start3A_1879 = tpu.memref_slice %arg7[%dma_start3A_1877, %dma_start3A_1878] : memref<5x512xf32, #tpu.memory_space<vmem>> -> memref<1x128xf32, #tpu.memory_space<vmem>>
    %dma_start3A_1880 = tpu.memref_squeeze %dma_start3A_1879 : memref<1x128xf32, #tpu.memory_space<vmem>> -> memref<128xf32, #tpu.memory_space<vmem>>
    %dma_start3A_1881 = arith.constant 0 : i32
    %dma_start3A_1882 = tpu.memref_slice %arg6[%dma_start3A_1876, %dma_start3A_1881] : memref<20x128xi32, #tpu.memory_space<vmem>> -> memref<1x128xi32, #tpu.memory_space<vmem>>
    %dma_start3A_1883 = tpu.memref_squeeze %dma_start3A_1882 : memref<1x128xi32, #tpu.memory_space<vmem>> -> memref<128xi32, #tpu.memory_space<vmem>>
    %dma_start3A_1884 = arith.constant 0 : i32
    %dma_start3A_1885 = tpu.memref_slice %arg2[%dma_start3A_1884] : memref<40965xf32, #tpu.memory_space<hbm>> -> memref<40965xf32, #tpu.memory_space<hbm>>
    tpu.enqueue_indirect_dma source(%dma_start3A_1885 : memref<40965xf32, #tpu.memory_space<hbm>>) target(%dma_start3A_1880 : memref<128xf32, #tpu.memory_space<vmem>>) offsets(%dma_start3A_1883 : memref<128xi32, #tpu.memory_space<vmem>>) semaphore(%arg8 : memref<!tpu.dma_semaphore, #tpu.memory_space<semaphore_mem>>)
    %dma_start3A_1886 = arith.constant 19 : i32
    %dma_start3A_1887 = arith.constant 4 : i32
    %dma_start3A_1888 = arith.constant 384 : i32
    %dma_start3A_1889 = tpu.memref_slice %arg7[%dma_start3A_1887, %dma_start3A_1888] : memref<5x512xf32, #tpu.memory_space<vmem>> -> memref<1x128xf32, #tpu.memory_space<vmem>>
    %dma_start3A_1890 = tpu.memref_squeeze %dma_start3A_1889 : memref<1x128xf32, #tpu.memory_space<vmem>> -> memref<128xf32, #tpu.memory_space<vmem>>
    %dma_start3A_1891 = arith.constant 0 : i32
    %dma_start3A_1892 = tpu.memref_slice %arg6[%dma_start3A_1886, %dma_start3A_1891] : memref<20x128xi32, #tpu.memory_space<vmem>> -> memref<1x128xi32, #tpu.memory_space<vmem>>
    %dma_start3A_1893 = tpu.memref_squeeze %dma_start3A_1892 : memref<1x128xi32, #tpu.memory_space<vmem>> -> memref<128xi32, #tpu.memory_space<vmem>>
    %dma_start3A_1894 = arith.constant 0 : i32
    %dma_start3A_1895 = tpu.memref_slice %arg2[%dma_start3A_1894] : memref<40965xf32, #tpu.memory_space<hbm>> -> memref<40965xf32, #tpu.memory_space<hbm>>
    tpu.enqueue_indirect_dma source(%dma_start3A_1895 : memref<40965xf32, #tpu.memory_space<hbm>>) target(%dma_start3A_1890 : memref<128xf32, #tpu.memory_space<vmem>>) offsets(%dma_start3A_1893 : memref<128xi32, #tpu.memory_space<vmem>>) semaphore(%arg8 : memref<!tpu.dma_semaphore, #tpu.memory_space<semaphore_mem>>)
    %dma_wait3A = arith.constant 0 : i32
    %dma_wait3A_1896 = arith.constant 0 : i32
    %dma_wait3A_1897 = arith.constant 0 : i32
    %dma_wait3A_1898 = tpu.memref_slice %arg7[%dma_wait3A_1896, %dma_wait3A_1897] : memref<5x512xf32, #tpu.memory_space<vmem>> -> memref<1x128xf32, #tpu.memory_space<vmem>>
    %dma_wait3A_1899 = tpu.memref_squeeze %dma_wait3A_1898 : memref<1x128xf32, #tpu.memory_space<vmem>> -> memref<128xf32, #tpu.memory_space<vmem>>
    %dma_wait3A_1900 = arith.constant 0 : i32
    %dma_wait3A_1901 = tpu.memref_slice %arg6[%dma_wait3A, %dma_wait3A_1900] : memref<20x128xi32, #tpu.memory_space<vmem>> -> memref<1x128xi32, #tpu.memory_space<vmem>>
    %dma_wait3A_1902 = tpu.memref_squeeze %dma_wait3A_1901 : memref<1x128xi32, #tpu.memory_space<vmem>> -> memref<128xi32, #tpu.memory_space<vmem>>
    %dma_wait3A_1903 = arith.constant 0 : i32
    %dma_wait3A_1904 = tpu.memref_slice %arg2[%dma_wait3A_1903] : memref<40965xf32, #tpu.memory_space<hbm>> -> memref<40965xf32, #tpu.memory_space<hbm>>
    tpu.wait_indirect_dma semaphore(%arg8 : memref<!tpu.dma_semaphore, #tpu.memory_space<semaphore_mem>>) src(%dma_wait3A_1904 : memref<40965xf32, #tpu.memory_space<hbm>>) dst(%dma_wait3A_1899 : memref<128xf32, #tpu.memory_space<vmem>>)
    %dma_wait3A_1905 = arith.constant 1 : i32
    %dma_wait3A_1906 = arith.constant 0 : i32
    %dma_wait3A_1907 = arith.constant 128 : i32
    %dma_wait3A_1908 = tpu.memref_slice %arg7[%dma_wait3A_1906, %dma_wait3A_1907] : memref<5x512xf32, #tpu.memory_space<vmem>> -> memref<1x128xf32, #tpu.memory_space<vmem>>
    %dma_wait3A_1909 = tpu.memref_squeeze %dma_wait3A_1908 : memref<1x128xf32, #tpu.memory_space<vmem>> -> memref<128xf32, #tpu.memory_space<vmem>>
    %dma_wait3A_1910 = arith.constant 0 : i32
    %dma_wait3A_1911 = tpu.memref_slice %arg6[%dma_wait3A_1905, %dma_wait3A_1910] : memref<20x128xi32, #tpu.memory_space<vmem>> -> memref<1x128xi32, #tpu.memory_space<vmem>>
    %dma_wait3A_1912 = tpu.memref_squeeze %dma_wait3A_1911 : memref<1x128xi32, #tpu.memory_space<vmem>> -> memref<128xi32, #tpu.memory_space<vmem>>
    %dma_wait3A_1913 = arith.constant 0 : i32
    %dma_wait3A_1914 = tpu.memref_slice %arg2[%dma_wait3A_1913] : memref<40965xf32, #tpu.memory_space<hbm>> -> memref<40965xf32, #tpu.memory_space<hbm>>
    tpu.wait_indirect_dma semaphore(%arg8 : memref<!tpu.dma_semaphore, #tpu.memory_space<semaphore_mem>>) src(%dma_wait3A_1914 : memref<40965xf32, #tpu.memory_space<hbm>>) dst(%dma_wait3A_1909 : memref<128xf32, #tpu.memory_space<vmem>>)
    %dma_wait3A_1915 = arith.constant 2 : i32
    %dma_wait3A_1916 = arith.constant 0 : i32
    %dma_wait3A_1917 = arith.constant 256 : i32
    %dma_wait3A_1918 = tpu.memref_slice %arg7[%dma_wait3A_1916, %dma_wait3A_1917] : memref<5x512xf32, #tpu.memory_space<vmem>> -> memref<1x128xf32, #tpu.memory_space<vmem>>
    %dma_wait3A_1919 = tpu.memref_squeeze %dma_wait3A_1918 : memref<1x128xf32, #tpu.memory_space<vmem>> -> memref<128xf32, #tpu.memory_space<vmem>>
    %dma_wait3A_1920 = arith.constant 0 : i32
    %dma_wait3A_1921 = tpu.memref_slice %arg6[%dma_wait3A_1915, %dma_wait3A_1920] : memref<20x128xi32, #tpu.memory_space<vmem>> -> memref<1x128xi32, #tpu.memory_space<vmem>>
    %dma_wait3A_1922 = tpu.memref_squeeze %dma_wait3A_1921 : memref<1x128xi32, #tpu.memory_space<vmem>> -> memref<128xi32, #tpu.memory_space<vmem>>
    %dma_wait3A_1923 = arith.constant 0 : i32
    %dma_wait3A_1924 = tpu.memref_slice %arg2[%dma_wait3A_1923] : memref<40965xf32, #tpu.memory_space<hbm>> -> memref<40965xf32, #tpu.memory_space<hbm>>
    tpu.wait_indirect_dma semaphore(%arg8 : memref<!tpu.dma_semaphore, #tpu.memory_space<semaphore_mem>>) src(%dma_wait3A_1924 : memref<40965xf32, #tpu.memory_space<hbm>>) dst(%dma_wait3A_1919 : memref<128xf32, #tpu.memory_space<vmem>>)
    %dma_wait3A_1925 = arith.constant 3 : i32
    %dma_wait3A_1926 = arith.constant 0 : i32
    %dma_wait3A_1927 = arith.constant 384 : i32
    %dma_wait3A_1928 = tpu.memref_slice %arg7[%dma_wait3A_1926, %dma_wait3A_1927] : memref<5x512xf32, #tpu.memory_space<vmem>> -> memref<1x128xf32, #tpu.memory_space<vmem>>
    %dma_wait3A_1929 = tpu.memref_squeeze %dma_wait3A_1928 : memref<1x128xf32, #tpu.memory_space<vmem>> -> memref<128xf32, #tpu.memory_space<vmem>>
    %dma_wait3A_1930 = arith.constant 0 : i32
    %dma_wait3A_1931 = tpu.memref_slice %arg6[%dma_wait3A_1925, %dma_wait3A_1930] : memref<20x128xi32, #tpu.memory_space<vmem>> -> memref<1x128xi32, #tpu.memory_space<vmem>>
    %dma_wait3A_1932 = tpu.memref_squeeze %dma_wait3A_1931 : memref<1x128xi32, #tpu.memory_space<vmem>> -> memref<128xi32, #tpu.memory_space<vmem>>
    %dma_wait3A_1933 = arith.constant 0 : i32
    %dma_wait3A_1934 = tpu.memref_slice %arg2[%dma_wait3A_1933] : memref<40965xf32, #tpu.memory_space<hbm>> -> memref<40965xf32, #tpu.memory_space<hbm>>
    tpu.wait_indirect_dma semaphore(%arg8 : memref<!tpu.dma_semaphore, #tpu.memory_space<semaphore_mem>>) src(%dma_wait3A_1934 : memref<40965xf32, #tpu.memory_space<hbm>>) dst(%dma_wait3A_1929 : memref<128xf32, #tpu.memory_space<vmem>>)
    %dma_wait3A_1935 = arith.constant 4 : i32
    %dma_wait3A_1936 = arith.constant 1 : i32
    %dma_wait3A_1937 = arith.constant 0 : i32
    %dma_wait3A_1938 = tpu.memref_slice %arg7[%dma_wait3A_1936, %dma_wait3A_1937] : memref<5x512xf32, #tpu.memory_space<vmem>> -> memref<1x128xf32, #tpu.memory_space<vmem>>
    %dma_wait3A_1939 = tpu.memref_squeeze %dma_wait3A_1938 : memref<1x128xf32, #tpu.memory_space<vmem>> -> memref<128xf32, #tpu.memory_space<vmem>>
    %dma_wait3A_1940 = arith.constant 0 : i32
    %dma_wait3A_1941 = tpu.memref_slice %arg6[%dma_wait3A_1935, %dma_wait3A_1940] : memref<20x128xi32, #tpu.memory_space<vmem>> -> memref<1x128xi32, #tpu.memory_space<vmem>>
    %dma_wait3A_1942 = tpu.memref_squeeze %dma_wait3A_1941 : memref<1x128xi32, #tpu.memory_space<vmem>> -> memref<128xi32, #tpu.memory_space<vmem>>
    %dma_wait3A_1943 = arith.constant 0 : i32
    %dma_wait3A_1944 = tpu.memref_slice %arg2[%dma_wait3A_1943] : memref<40965xf32, #tpu.memory_space<hbm>> -> memref<40965xf32, #tpu.memory_space<hbm>>
    tpu.wait_indirect_dma semaphore(%arg8 : memref<!tpu.dma_semaphore, #tpu.memory_space<semaphore_mem>>) src(%dma_wait3A_1944 : memref<40965xf32, #tpu.memory_space<hbm>>) dst(%dma_wait3A_1939 : memref<128xf32, #tpu.memory_space<vmem>>)
    %dma_wait3A_1945 = arith.constant 5 : i32
    %dma_wait3A_1946 = arith.constant 1 : i32
    %dma_wait3A_1947 = arith.constant 128 : i32
    %dma_wait3A_1948 = tpu.memref_slice %arg7[%dma_wait3A_1946, %dma_wait3A_1947] : memref<5x512xf32, #tpu.memory_space<vmem>> -> memref<1x128xf32, #tpu.memory_space<vmem>>
    %dma_wait3A_1949 = tpu.memref_squeeze %dma_wait3A_1948 : memref<1x128xf32, #tpu.memory_space<vmem>> -> memref<128xf32, #tpu.memory_space<vmem>>
    %dma_wait3A_1950 = arith.constant 0 : i32
    %dma_wait3A_1951 = tpu.memref_slice %arg6[%dma_wait3A_1945, %dma_wait3A_1950] : memref<20x128xi32, #tpu.memory_space<vmem>> -> memref<1x128xi32, #tpu.memory_space<vmem>>
    %dma_wait3A_1952 = tpu.memref_squeeze %dma_wait3A_1951 : memref<1x128xi32, #tpu.memory_space<vmem>> -> memref<128xi32, #tpu.memory_space<vmem>>
    %dma_wait3A_1953 = arith.constant 0 : i32
    %dma_wait3A_1954 = tpu.memref_slice %arg2[%dma_wait3A_1953] : memref<40965xf32, #tpu.memory_space<hbm>> -> memref<40965xf32, #tpu.memory_space<hbm>>
    tpu.wait_indirect_dma semaphore(%arg8 : memref<!tpu.dma_semaphore, #tpu.memory_space<semaphore_mem>>) src(%dma_wait3A_1954 : memref<40965xf32, #tpu.memory_space<hbm>>) dst(%dma_wait3A_1949 : memref<128xf32, #tpu.memory_space<vmem>>)
    %dma_wait3A_1955 = arith.constant 6 : i32
    %dma_wait3A_1956 = arith.constant 1 : i32
    %dma_wait3A_1957 = arith.constant 256 : i32
    %dma_wait3A_1958 = tpu.memref_slice %arg7[%dma_wait3A_1956, %dma_wait3A_1957] : memref<5x512xf32, #tpu.memory_space<vmem>> -> memref<1x128xf32, #tpu.memory_space<vmem>>
    %dma_wait3A_1959 = tpu.memref_squeeze %dma_wait3A_1958 : memref<1x128xf32, #tpu.memory_space<vmem>> -> memref<128xf32, #tpu.memory_space<vmem>>
    %dma_wait3A_1960 = arith.constant 0 : i32
    %dma_wait3A_1961 = tpu.memref_slice %arg6[%dma_wait3A_1955, %dma_wait3A_1960] : memref<20x128xi32, #tpu.memory_space<vmem>> -> memref<1x128xi32, #tpu.memory_space<vmem>>
    %dma_wait3A_1962 = tpu.memref_squeeze %dma_wait3A_1961 : memref<1x128xi32, #tpu.memory_space<vmem>> -> memref<128xi32, #tpu.memory_space<vmem>>
    %dma_wait3A_1963 = arith.constant 0 : i32
    %dma_wait3A_1964 = tpu.memref_slice %arg2[%dma_wait3A_1963] : memref<40965xf32, #tpu.memory_space<hbm>> -> memref<40965xf32, #tpu.memory_space<hbm>>
    tpu.wait_indirect_dma semaphore(%arg8 : memref<!tpu.dma_semaphore, #tpu.memory_space<semaphore_mem>>) src(%dma_wait3A_1964 : memref<40965xf32, #tpu.memory_space<hbm>>) dst(%dma_wait3A_1959 : memref<128xf32, #tpu.memory_space<vmem>>)
    %dma_wait3A_1965 = arith.constant 7 : i32
    %dma_wait3A_1966 = arith.constant 1 : i32
    %dma_wait3A_1967 = arith.constant 384 : i32
    %dma_wait3A_1968 = tpu.memref_slice %arg7[%dma_wait3A_1966, %dma_wait3A_1967] : memref<5x512xf32, #tpu.memory_space<vmem>> -> memref<1x128xf32, #tpu.memory_space<vmem>>
    %dma_wait3A_1969 = tpu.memref_squeeze %dma_wait3A_1968 : memref<1x128xf32, #tpu.memory_space<vmem>> -> memref<128xf32, #tpu.memory_space<vmem>>
    %dma_wait3A_1970 = arith.constant 0 : i32
    %dma_wait3A_1971 = tpu.memref_slice %arg6[%dma_wait3A_1965, %dma_wait3A_1970] : memref<20x128xi32, #tpu.memory_space<vmem>> -> memref<1x128xi32, #tpu.memory_space<vmem>>
    %dma_wait3A_1972 = tpu.memref_squeeze %dma_wait3A_1971 : memref<1x128xi32, #tpu.memory_space<vmem>> -> memref<128xi32, #tpu.memory_space<vmem>>
    %dma_wait3A_1973 = arith.constant 0 : i32
    %dma_wait3A_1974 = tpu.memref_slice %arg2[%dma_wait3A_1973] : memref<40965xf32, #tpu.memory_space<hbm>> -> memref<40965xf32, #tpu.memory_space<hbm>>
    tpu.wait_indirect_dma semaphore(%arg8 : memref<!tpu.dma_semaphore, #tpu.memory_space<semaphore_mem>>) src(%dma_wait3A_1974 : memref<40965xf32, #tpu.memory_space<hbm>>) dst(%dma_wait3A_1969 : memref<128xf32, #tpu.memory_space<vmem>>)
    %dma_wait3A_1975 = arith.constant 8 : i32
    %dma_wait3A_1976 = arith.constant 2 : i32
    %dma_wait3A_1977 = arith.constant 0 : i32
    %dma_wait3A_1978 = tpu.memref_slice %arg7[%dma_wait3A_1976, %dma_wait3A_1977] : memref<5x512xf32, #tpu.memory_space<vmem>> -> memref<1x128xf32, #tpu.memory_space<vmem>>
    %dma_wait3A_1979 = tpu.memref_squeeze %dma_wait3A_1978 : memref<1x128xf32, #tpu.memory_space<vmem>> -> memref<128xf32, #tpu.memory_space<vmem>>
    %dma_wait3A_1980 = arith.constant 0 : i32
    %dma_wait3A_1981 = tpu.memref_slice %arg6[%dma_wait3A_1975, %dma_wait3A_1980] : memref<20x128xi32, #tpu.memory_space<vmem>> -> memref<1x128xi32, #tpu.memory_space<vmem>>
    %dma_wait3A_1982 = tpu.memref_squeeze %dma_wait3A_1981 : memref<1x128xi32, #tpu.memory_space<vmem>> -> memref<128xi32, #tpu.memory_space<vmem>>
    %dma_wait3A_1983 = arith.constant 0 : i32
    %dma_wait3A_1984 = tpu.memref_slice %arg2[%dma_wait3A_1983] : memref<40965xf32, #tpu.memory_space<hbm>> -> memref<40965xf32, #tpu.memory_space<hbm>>
    tpu.wait_indirect_dma semaphore(%arg8 : memref<!tpu.dma_semaphore, #tpu.memory_space<semaphore_mem>>) src(%dma_wait3A_1984 : memref<40965xf32, #tpu.memory_space<hbm>>) dst(%dma_wait3A_1979 : memref<128xf32, #tpu.memory_space<vmem>>)
    %dma_wait3A_1985 = arith.constant 9 : i32
    %dma_wait3A_1986 = arith.constant 2 : i32
    %dma_wait3A_1987 = arith.constant 128 : i32
    %dma_wait3A_1988 = tpu.memref_slice %arg7[%dma_wait3A_1986, %dma_wait3A_1987] : memref<5x512xf32, #tpu.memory_space<vmem>> -> memref<1x128xf32, #tpu.memory_space<vmem>>
    %dma_wait3A_1989 = tpu.memref_squeeze %dma_wait3A_1988 : memref<1x128xf32, #tpu.memory_space<vmem>> -> memref<128xf32, #tpu.memory_space<vmem>>
    %dma_wait3A_1990 = arith.constant 0 : i32
    %dma_wait3A_1991 = tpu.memref_slice %arg6[%dma_wait3A_1985, %dma_wait3A_1990] : memref<20x128xi32, #tpu.memory_space<vmem>> -> memref<1x128xi32, #tpu.memory_space<vmem>>
    %dma_wait3A_1992 = tpu.memref_squeeze %dma_wait3A_1991 : memref<1x128xi32, #tpu.memory_space<vmem>> -> memref<128xi32, #tpu.memory_space<vmem>>
    %dma_wait3A_1993 = arith.constant 0 : i32
    %dma_wait3A_1994 = tpu.memref_slice %arg2[%dma_wait3A_1993] : memref<40965xf32, #tpu.memory_space<hbm>> -> memref<40965xf32, #tpu.memory_space<hbm>>
    tpu.wait_indirect_dma semaphore(%arg8 : memref<!tpu.dma_semaphore, #tpu.memory_space<semaphore_mem>>) src(%dma_wait3A_1994 : memref<40965xf32, #tpu.memory_space<hbm>>) dst(%dma_wait3A_1989 : memref<128xf32, #tpu.memory_space<vmem>>)
    %dma_wait3A_1995 = arith.constant 10 : i32
    %dma_wait3A_1996 = arith.constant 2 : i32
    %dma_wait3A_1997 = arith.constant 256 : i32
    %dma_wait3A_1998 = tpu.memref_slice %arg7[%dma_wait3A_1996, %dma_wait3A_1997] : memref<5x512xf32, #tpu.memory_space<vmem>> -> memref<1x128xf32, #tpu.memory_space<vmem>>
    %dma_wait3A_1999 = tpu.memref_squeeze %dma_wait3A_1998 : memref<1x128xf32, #tpu.memory_space<vmem>> -> memref<128xf32, #tpu.memory_space<vmem>>
    %dma_wait3A_2000 = arith.constant 0 : i32
    %dma_wait3A_2001 = tpu.memref_slice %arg6[%dma_wait3A_1995, %dma_wait3A_2000] : memref<20x128xi32, #tpu.memory_space<vmem>> -> memref<1x128xi32, #tpu.memory_space<vmem>>
    %dma_wait3A_2002 = tpu.memref_squeeze %dma_wait3A_2001 : memref<1x128xi32, #tpu.memory_space<vmem>> -> memref<128xi32, #tpu.memory_space<vmem>>
    %dma_wait3A_2003 = arith.constant 0 : i32
    %dma_wait3A_2004 = tpu.memref_slice %arg2[%dma_wait3A_2003] : memref<40965xf32, #tpu.memory_space<hbm>> -> memref<40965xf32, #tpu.memory_space<hbm>>
    tpu.wait_indirect_dma semaphore(%arg8 : memref<!tpu.dma_semaphore, #tpu.memory_space<semaphore_mem>>) src(%dma_wait3A_2004 : memref<40965xf32, #tpu.memory_space<hbm>>) dst(%dma_wait3A_1999 : memref<128xf32, #tpu.memory_space<vmem>>)
    %dma_wait3A_2005 = arith.constant 11 : i32
    %dma_wait3A_2006 = arith.constant 2 : i32
    %dma_wait3A_2007 = arith.constant 384 : i32
    %dma_wait3A_2008 = tpu.memref_slice %arg7[%dma_wait3A_2006, %dma_wait3A_2007] : memref<5x512xf32, #tpu.memory_space<vmem>> -> memref<1x128xf32, #tpu.memory_space<vmem>>
    %dma_wait3A_2009 = tpu.memref_squeeze %dma_wait3A_2008 : memref<1x128xf32, #tpu.memory_space<vmem>> -> memref<128xf32, #tpu.memory_space<vmem>>
    %dma_wait3A_2010 = arith.constant 0 : i32
    %dma_wait3A_2011 = tpu.memref_slice %arg6[%dma_wait3A_2005, %dma_wait3A_2010] : memref<20x128xi32, #tpu.memory_space<vmem>> -> memref<1x128xi32, #tpu.memory_space<vmem>>
    %dma_wait3A_2012 = tpu.memref_squeeze %dma_wait3A_2011 : memref<1x128xi32, #tpu.memory_space<vmem>> -> memref<128xi32, #tpu.memory_space<vmem>>
    %dma_wait3A_2013 = arith.constant 0 : i32
    %dma_wait3A_2014 = tpu.memref_slice %arg2[%dma_wait3A_2013] : memref<40965xf32, #tpu.memory_space<hbm>> -> memref<40965xf32, #tpu.memory_space<hbm>>
    tpu.wait_indirect_dma semaphore(%arg8 : memref<!tpu.dma_semaphore, #tpu.memory_space<semaphore_mem>>) src(%dma_wait3A_2014 : memref<40965xf32, #tpu.memory_space<hbm>>) dst(%dma_wait3A_2009 : memref<128xf32, #tpu.memory_space<vmem>>)
    %dma_wait3A_2015 = arith.constant 12 : i32
    %dma_wait3A_2016 = arith.constant 3 : i32
    %dma_wait3A_2017 = arith.constant 0 : i32
    %dma_wait3A_2018 = tpu.memref_slice %arg7[%dma_wait3A_2016, %dma_wait3A_2017] : memref<5x512xf32, #tpu.memory_space<vmem>> -> memref<1x128xf32, #tpu.memory_space<vmem>>
    %dma_wait3A_2019 = tpu.memref_squeeze %dma_wait3A_2018 : memref<1x128xf32, #tpu.memory_space<vmem>> -> memref<128xf32, #tpu.memory_space<vmem>>
    %dma_wait3A_2020 = arith.constant 0 : i32
    %dma_wait3A_2021 = tpu.memref_slice %arg6[%dma_wait3A_2015, %dma_wait3A_2020] : memref<20x128xi32, #tpu.memory_space<vmem>> -> memref<1x128xi32, #tpu.memory_space<vmem>>
    %dma_wait3A_2022 = tpu.memref_squeeze %dma_wait3A_2021 : memref<1x128xi32, #tpu.memory_space<vmem>> -> memref<128xi32, #tpu.memory_space<vmem>>
    %dma_wait3A_2023 = arith.constant 0 : i32
    %dma_wait3A_2024 = tpu.memref_slice %arg2[%dma_wait3A_2023] : memref<40965xf32, #tpu.memory_space<hbm>> -> memref<40965xf32, #tpu.memory_space<hbm>>
    tpu.wait_indirect_dma semaphore(%arg8 : memref<!tpu.dma_semaphore, #tpu.memory_space<semaphore_mem>>) src(%dma_wait3A_2024 : memref<40965xf32, #tpu.memory_space<hbm>>) dst(%dma_wait3A_2019 : memref<128xf32, #tpu.memory_space<vmem>>)
    %dma_wait3A_2025 = arith.constant 13 : i32
    %dma_wait3A_2026 = arith.constant 3 : i32
    %dma_wait3A_2027 = arith.constant 128 : i32
    %dma_wait3A_2028 = tpu.memref_slice %arg7[%dma_wait3A_2026, %dma_wait3A_2027] : memref<5x512xf32, #tpu.memory_space<vmem>> -> memref<1x128xf32, #tpu.memory_space<vmem>>
    %dma_wait3A_2029 = tpu.memref_squeeze %dma_wait3A_2028 : memref<1x128xf32, #tpu.memory_space<vmem>> -> memref<128xf32, #tpu.memory_space<vmem>>
    %dma_wait3A_2030 = arith.constant 0 : i32
    %dma_wait3A_2031 = tpu.memref_slice %arg6[%dma_wait3A_2025, %dma_wait3A_2030] : memref<20x128xi32, #tpu.memory_space<vmem>> -> memref<1x128xi32, #tpu.memory_space<vmem>>
    %dma_wait3A_2032 = tpu.memref_squeeze %dma_wait3A_2031 : memref<1x128xi32, #tpu.memory_space<vmem>> -> memref<128xi32, #tpu.memory_space<vmem>>
    %dma_wait3A_2033 = arith.constant 0 : i32
    %dma_wait3A_2034 = tpu.memref_slice %arg2[%dma_wait3A_2033] : memref<40965xf32, #tpu.memory_space<hbm>> -> memref<40965xf32, #tpu.memory_space<hbm>>
    tpu.wait_indirect_dma semaphore(%arg8 : memref<!tpu.dma_semaphore, #tpu.memory_space<semaphore_mem>>) src(%dma_wait3A_2034 : memref<40965xf32, #tpu.memory_space<hbm>>) dst(%dma_wait3A_2029 : memref<128xf32, #tpu.memory_space<vmem>>)
    %dma_wait3A_2035 = arith.constant 14 : i32
    %dma_wait3A_2036 = arith.constant 3 : i32
    %dma_wait3A_2037 = arith.constant 256 : i32
    %dma_wait3A_2038 = tpu.memref_slice %arg7[%dma_wait3A_2036, %dma_wait3A_2037] : memref<5x512xf32, #tpu.memory_space<vmem>> -> memref<1x128xf32, #tpu.memory_space<vmem>>
    %dma_wait3A_2039 = tpu.memref_squeeze %dma_wait3A_2038 : memref<1x128xf32, #tpu.memory_space<vmem>> -> memref<128xf32, #tpu.memory_space<vmem>>
    %dma_wait3A_2040 = arith.constant 0 : i32
    %dma_wait3A_2041 = tpu.memref_slice %arg6[%dma_wait3A_2035, %dma_wait3A_2040] : memref<20x128xi32, #tpu.memory_space<vmem>> -> memref<1x128xi32, #tpu.memory_space<vmem>>
    %dma_wait3A_2042 = tpu.memref_squeeze %dma_wait3A_2041 : memref<1x128xi32, #tpu.memory_space<vmem>> -> memref<128xi32, #tpu.memory_space<vmem>>
    %dma_wait3A_2043 = arith.constant 0 : i32
    %dma_wait3A_2044 = tpu.memref_slice %arg2[%dma_wait3A_2043] : memref<40965xf32, #tpu.memory_space<hbm>> -> memref<40965xf32, #tpu.memory_space<hbm>>
    tpu.wait_indirect_dma semaphore(%arg8 : memref<!tpu.dma_semaphore, #tpu.memory_space<semaphore_mem>>) src(%dma_wait3A_2044 : memref<40965xf32, #tpu.memory_space<hbm>>) dst(%dma_wait3A_2039 : memref<128xf32, #tpu.memory_space<vmem>>)
    %dma_wait3A_2045 = arith.constant 15 : i32
    %dma_wait3A_2046 = arith.constant 3 : i32
    %dma_wait3A_2047 = arith.constant 384 : i32
    %dma_wait3A_2048 = tpu.memref_slice %arg7[%dma_wait3A_2046, %dma_wait3A_2047] : memref<5x512xf32, #tpu.memory_space<vmem>> -> memref<1x128xf32, #tpu.memory_space<vmem>>
    %dma_wait3A_2049 = tpu.memref_squeeze %dma_wait3A_2048 : memref<1x128xf32, #tpu.memory_space<vmem>> -> memref<128xf32, #tpu.memory_space<vmem>>
    %dma_wait3A_2050 = arith.constant 0 : i32
    %dma_wait3A_2051 = tpu.memref_slice %arg6[%dma_wait3A_2045, %dma_wait3A_2050] : memref<20x128xi32, #tpu.memory_space<vmem>> -> memref<1x128xi32, #tpu.memory_space<vmem>>
    %dma_wait3A_2052 = tpu.memref_squeeze %dma_wait3A_2051 : memref<1x128xi32, #tpu.memory_space<vmem>> -> memref<128xi32, #tpu.memory_space<vmem>>
    %dma_wait3A_2053 = arith.constant 0 : i32
    %dma_wait3A_2054 = tpu.memref_slice %arg2[%dma_wait3A_2053] : memref<40965xf32, #tpu.memory_space<hbm>> -> memref<40965xf32, #tpu.memory_space<hbm>>
    tpu.wait_indirect_dma semaphore(%arg8 : memref<!tpu.dma_semaphore, #tpu.memory_space<semaphore_mem>>) src(%dma_wait3A_2054 : memref<40965xf32, #tpu.memory_space<hbm>>) dst(%dma_wait3A_2049 : memref<128xf32, #tpu.memory_space<vmem>>)
    %dma_wait3A_2055 = arith.constant 16 : i32
    %dma_wait3A_2056 = arith.constant 4 : i32
    %dma_wait3A_2057 = arith.constant 0 : i32
    %dma_wait3A_2058 = tpu.memref_slice %arg7[%dma_wait3A_2056, %dma_wait3A_2057] : memref<5x512xf32, #tpu.memory_space<vmem>> -> memref<1x128xf32, #tpu.memory_space<vmem>>
    %dma_wait3A_2059 = tpu.memref_squeeze %dma_wait3A_2058 : memref<1x128xf32, #tpu.memory_space<vmem>> -> memref<128xf32, #tpu.memory_space<vmem>>
    %dma_wait3A_2060 = arith.constant 0 : i32
    %dma_wait3A_2061 = tpu.memref_slice %arg6[%dma_wait3A_2055, %dma_wait3A_2060] : memref<20x128xi32, #tpu.memory_space<vmem>> -> memref<1x128xi32, #tpu.memory_space<vmem>>
    %dma_wait3A_2062 = tpu.memref_squeeze %dma_wait3A_2061 : memref<1x128xi32, #tpu.memory_space<vmem>> -> memref<128xi32, #tpu.memory_space<vmem>>
    %dma_wait3A_2063 = arith.constant 0 : i32
    %dma_wait3A_2064 = tpu.memref_slice %arg2[%dma_wait3A_2063] : memref<40965xf32, #tpu.memory_space<hbm>> -> memref<40965xf32, #tpu.memory_space<hbm>>
    tpu.wait_indirect_dma semaphore(%arg8 : memref<!tpu.dma_semaphore, #tpu.memory_space<semaphore_mem>>) src(%dma_wait3A_2064 : memref<40965xf32, #tpu.memory_space<hbm>>) dst(%dma_wait3A_2059 : memref<128xf32, #tpu.memory_space<vmem>>)
    %dma_wait3A_2065 = arith.constant 17 : i32
    %dma_wait3A_2066 = arith.constant 4 : i32
    %dma_wait3A_2067 = arith.constant 128 : i32
    %dma_wait3A_2068 = tpu.memref_slice %arg7[%dma_wait3A_2066, %dma_wait3A_2067] : memref<5x512xf32, #tpu.memory_space<vmem>> -> memref<1x128xf32, #tpu.memory_space<vmem>>
    %dma_wait3A_2069 = tpu.memref_squeeze %dma_wait3A_2068 : memref<1x128xf32, #tpu.memory_space<vmem>> -> memref<128xf32, #tpu.memory_space<vmem>>
    %dma_wait3A_2070 = arith.constant 0 : i32
    %dma_wait3A_2071 = tpu.memref_slice %arg6[%dma_wait3A_2065, %dma_wait3A_2070] : memref<20x128xi32, #tpu.memory_space<vmem>> -> memref<1x128xi32, #tpu.memory_space<vmem>>
    %dma_wait3A_2072 = tpu.memref_squeeze %dma_wait3A_2071 : memref<1x128xi32, #tpu.memory_space<vmem>> -> memref<128xi32, #tpu.memory_space<vmem>>
    %dma_wait3A_2073 = arith.constant 0 : i32
    %dma_wait3A_2074 = tpu.memref_slice %arg2[%dma_wait3A_2073] : memref<40965xf32, #tpu.memory_space<hbm>> -> memref<40965xf32, #tpu.memory_space<hbm>>
    tpu.wait_indirect_dma semaphore(%arg8 : memref<!tpu.dma_semaphore, #tpu.memory_space<semaphore_mem>>) src(%dma_wait3A_2074 : memref<40965xf32, #tpu.memory_space<hbm>>) dst(%dma_wait3A_2069 : memref<128xf32, #tpu.memory_space<vmem>>)
    %dma_wait3A_2075 = arith.constant 18 : i32
    %dma_wait3A_2076 = arith.constant 4 : i32
    %dma_wait3A_2077 = arith.constant 256 : i32
    %dma_wait3A_2078 = tpu.memref_slice %arg7[%dma_wait3A_2076, %dma_wait3A_2077] : memref<5x512xf32, #tpu.memory_space<vmem>> -> memref<1x128xf32, #tpu.memory_space<vmem>>
    %dma_wait3A_2079 = tpu.memref_squeeze %dma_wait3A_2078 : memref<1x128xf32, #tpu.memory_space<vmem>> -> memref<128xf32, #tpu.memory_space<vmem>>
    %dma_wait3A_2080 = arith.constant 0 : i32
    %dma_wait3A_2081 = tpu.memref_slice %arg6[%dma_wait3A_2075, %dma_wait3A_2080] : memref<20x128xi32, #tpu.memory_space<vmem>> -> memref<1x128xi32, #tpu.memory_space<vmem>>
    %dma_wait3A_2082 = tpu.memref_squeeze %dma_wait3A_2081 : memref<1x128xi32, #tpu.memory_space<vmem>> -> memref<128xi32, #tpu.memory_space<vmem>>
    %dma_wait3A_2083 = arith.constant 0 : i32
    %dma_wait3A_2084 = tpu.memref_slice %arg2[%dma_wait3A_2083] : memref<40965xf32, #tpu.memory_space<hbm>> -> memref<40965xf32, #tpu.memory_space<hbm>>
    tpu.wait_indirect_dma semaphore(%arg8 : memref<!tpu.dma_semaphore, #tpu.memory_space<semaphore_mem>>) src(%dma_wait3A_2084 : memref<40965xf32, #tpu.memory_space<hbm>>) dst(%dma_wait3A_2079 : memref<128xf32, #tpu.memory_space<vmem>>)
    %dma_wait3A_2085 = arith.constant 19 : i32
    %dma_wait3A_2086 = arith.constant 4 : i32
    %dma_wait3A_2087 = arith.constant 384 : i32
    %dma_wait3A_2088 = tpu.memref_slice %arg7[%dma_wait3A_2086, %dma_wait3A_2087] : memref<5x512xf32, #tpu.memory_space<vmem>> -> memref<1x128xf32, #tpu.memory_space<vmem>>
    %dma_wait3A_2089 = tpu.memref_squeeze %dma_wait3A_2088 : memref<1x128xf32, #tpu.memory_space<vmem>> -> memref<128xf32, #tpu.memory_space<vmem>>
    %dma_wait3A_2090 = arith.constant 0 : i32
    %dma_wait3A_2091 = tpu.memref_slice %arg6[%dma_wait3A_2085, %dma_wait3A_2090] : memref<20x128xi32, #tpu.memory_space<vmem>> -> memref<1x128xi32, #tpu.memory_space<vmem>>
    %dma_wait3A_2092 = tpu.memref_squeeze %dma_wait3A_2091 : memref<1x128xi32, #tpu.memory_space<vmem>> -> memref<128xi32, #tpu.memory_space<vmem>>
    %dma_wait3A_2093 = arith.constant 0 : i32
    %dma_wait3A_2094 = tpu.memref_slice %arg2[%dma_wait3A_2093] : memref<40965xf32, #tpu.memory_space<hbm>> -> memref<40965xf32, #tpu.memory_space<hbm>>
    tpu.wait_indirect_dma semaphore(%arg8 : memref<!tpu.dma_semaphore, #tpu.memory_space<semaphore_mem>>) src(%dma_wait3A_2094 : memref<40965xf32, #tpu.memory_space<hbm>>) dst(%dma_wait3A_2089 : memref<128xf32, #tpu.memory_space<vmem>>)
    %run_scoped3A = arith.constant 0 : i32
    %run_scoped3A_2095 = arith.constant 0 : i32
    "tpu.region"() ({
      %run_scoped3A_2104 = tpu.sem_alloc : memref<!tpu.dma_semaphore, #tpu.memory_space<semaphore_mem>>
      %dma_start3A_2105 = arith.constant 0 : i32
      %dma_start3A_2106 = tpu.memref_slice %arg7[%run_scoped3A, %dma_start3A_2105] : memref<5x512xf32, #tpu.memory_space<vmem>> -> memref<1x512xf32, #tpu.memory_space<vmem>>
      %dma_start3A_2107 = tpu.memref_squeeze %dma_start3A_2106 : memref<1x512xf32, #tpu.memory_space<vmem>> -> memref<512xf32, #tpu.memory_space<vmem>>
      %dma_start3A_2108 = tpu.memref_slice %arg4[%run_scoped3A_2095, %mul3A_2] : memref<5x16384xf32, #tpu.memory_space<hbm>> -> memref<1x512xf32, #tpu.memory_space<hbm>>
      %dma_start3A_2109 = tpu.memref_squeeze %dma_start3A_2108 : memref<1x512xf32, #tpu.memory_space<hbm>> -> memref<512xf32, #tpu.memory_space<hbm>>
      %dma_start3A_2110 = tpu.memref_slice %arg4[%run_scoped3A_2095, %mul3A_2] : memref<5x16384xf32, #tpu.memory_space<hbm>> -> memref<1x512xf32, #tpu.memory_space<hbm>>
      %dma_start3A_2111 = tpu.memref_squeeze %dma_start3A_2110 : memref<1x512xf32, #tpu.memory_space<hbm>> -> memref<512xf32, #tpu.memory_space<hbm>>
      %dma_start3A_2112 = arith.constant 0 : i32
      %dma_start3A_2113 = tpu.memref_slice %arg7[%run_scoped3A, %dma_start3A_2112] : memref<5x512xf32, #tpu.memory_space<vmem>> -> memref<1x512xf32, #tpu.memory_space<vmem>>
      %dma_start3A_2114 = tpu.memref_squeeze %dma_start3A_2113 : memref<1x512xf32, #tpu.memory_space<vmem>> -> memref<512xf32, #tpu.memory_space<vmem>>
      tpu.enqueue_dma source(%dma_start3A_2114 : memref<512xf32, #tpu.memory_space<vmem>>) target(%dma_start3A_2111 : memref<512xf32, #tpu.memory_space<hbm>>) target_semaphore(%run_scoped3A_2104 : memref<!tpu.dma_semaphore, #tpu.memory_space<semaphore_mem>>)
      %dma_wait3A_2115 = arith.constant 0 : i32
      %dma_wait3A_2116 = tpu.memref_slice %arg7[%run_scoped3A, %dma_wait3A_2115] : memref<5x512xf32, #tpu.memory_space<vmem>> -> memref<1x512xf32, #tpu.memory_space<vmem>>
      %dma_wait3A_2117 = tpu.memref_squeeze %dma_wait3A_2116 : memref<1x512xf32, #tpu.memory_space<vmem>> -> memref<512xf32, #tpu.memory_space<vmem>>
      %dma_wait3A_2118 = tpu.memref_slice %arg4[%run_scoped3A_2095, %mul3A_2] : memref<5x16384xf32, #tpu.memory_space<hbm>> -> memref<1x512xf32, #tpu.memory_space<hbm>>
      %dma_wait3A_2119 = tpu.memref_squeeze %dma_wait3A_2118 : memref<1x512xf32, #tpu.memory_space<hbm>> -> memref<512xf32, #tpu.memory_space<hbm>>
      %dma_wait3A_2120 = tpu.memref_slice %arg4[%run_scoped3A_2095, %mul3A_2] : memref<5x16384xf32, #tpu.memory_space<hbm>> -> memref<1x512xf32, #tpu.memory_space<hbm>>
      %dma_wait3A_2121 = tpu.memref_squeeze %dma_wait3A_2120 : memref<1x512xf32, #tpu.memory_space<hbm>> -> memref<512xf32, #tpu.memory_space<hbm>>
      %dma_wait3A_2122 = arith.constant 0 : i32
      %dma_wait3A_2123 = tpu.memref_slice %arg7[%run_scoped3A, %dma_wait3A_2122] : memref<5x512xf32, #tpu.memory_space<vmem>> -> memref<1x512xf32, #tpu.memory_space<vmem>>
      %dma_wait3A_2124 = tpu.memref_squeeze %dma_wait3A_2123 : memref<1x512xf32, #tpu.memory_space<vmem>> -> memref<512xf32, #tpu.memory_space<vmem>>
      tpu.wait_dma2 semaphore(%run_scoped3A_2104 : memref<!tpu.dma_semaphore, #tpu.memory_space<semaphore_mem>>) src(%dma_wait3A_2124 : memref<512xf32, #tpu.memory_space<vmem>>) dst(%dma_wait3A_2121 : memref<512xf32, #tpu.memory_space<hbm>>)
      tpu.yield
    }) : () -> ()
    %run_scoped3A_2096 = arith.constant 1 : i32
    %run_scoped3A_2097 = arith.constant 1 : i32
    "tpu.region"() ({
      %run_scoped3A_2104 = tpu.sem_alloc : memref<!tpu.dma_semaphore, #tpu.memory_space<semaphore_mem>>
      %dma_start3A_2105 = arith.constant 0 : i32
      %dma_start3A_2106 = tpu.memref_slice %arg7[%run_scoped3A_2096, %dma_start3A_2105] : memref<5x512xf32, #tpu.memory_space<vmem>> -> memref<1x512xf32, #tpu.memory_space<vmem>>
      %dma_start3A_2107 = tpu.memref_squeeze %dma_start3A_2106 : memref<1x512xf32, #tpu.memory_space<vmem>> -> memref<512xf32, #tpu.memory_space<vmem>>
      %dma_start3A_2108 = tpu.memref_slice %arg4[%run_scoped3A_2097, %mul3A_2] : memref<5x16384xf32, #tpu.memory_space<hbm>> -> memref<1x512xf32, #tpu.memory_space<hbm>>
      %dma_start3A_2109 = tpu.memref_squeeze %dma_start3A_2108 : memref<1x512xf32, #tpu.memory_space<hbm>> -> memref<512xf32, #tpu.memory_space<hbm>>
      %dma_start3A_2110 = tpu.memref_slice %arg4[%run_scoped3A_2097, %mul3A_2] : memref<5x16384xf32, #tpu.memory_space<hbm>> -> memref<1x512xf32, #tpu.memory_space<hbm>>
      %dma_start3A_2111 = tpu.memref_squeeze %dma_start3A_2110 : memref<1x512xf32, #tpu.memory_space<hbm>> -> memref<512xf32, #tpu.memory_space<hbm>>
      %dma_start3A_2112 = arith.constant 0 : i32
      %dma_start3A_2113 = tpu.memref_slice %arg7[%run_scoped3A_2096, %dma_start3A_2112] : memref<5x512xf32, #tpu.memory_space<vmem>> -> memref<1x512xf32, #tpu.memory_space<vmem>>
      %dma_start3A_2114 = tpu.memref_squeeze %dma_start3A_2113 : memref<1x512xf32, #tpu.memory_space<vmem>> -> memref<512xf32, #tpu.memory_space<vmem>>
      tpu.enqueue_dma source(%dma_start3A_2114 : memref<512xf32, #tpu.memory_space<vmem>>) target(%dma_start3A_2111 : memref<512xf32, #tpu.memory_space<hbm>>) target_semaphore(%run_scoped3A_2104 : memref<!tpu.dma_semaphore, #tpu.memory_space<semaphore_mem>>)
      %dma_wait3A_2115 = arith.constant 0 : i32
      %dma_wait3A_2116 = tpu.memref_slice %arg7[%run_scoped3A_2096, %dma_wait3A_2115] : memref<5x512xf32, #tpu.memory_space<vmem>> -> memref<1x512xf32, #tpu.memory_space<vmem>>
      %dma_wait3A_2117 = tpu.memref_squeeze %dma_wait3A_2116 : memref<1x512xf32, #tpu.memory_space<vmem>> -> memref<512xf32, #tpu.memory_space<vmem>>
      %dma_wait3A_2118 = tpu.memref_slice %arg4[%run_scoped3A_2097, %mul3A_2] : memref<5x16384xf32, #tpu.memory_space<hbm>> -> memref<1x512xf32, #tpu.memory_space<hbm>>
      %dma_wait3A_2119 = tpu.memref_squeeze %dma_wait3A_2118 : memref<1x512xf32, #tpu.memory_space<hbm>> -> memref<512xf32, #tpu.memory_space<hbm>>
      %dma_wait3A_2120 = tpu.memref_slice %arg4[%run_scoped3A_2097, %mul3A_2] : memref<5x16384xf32, #tpu.memory_space<hbm>> -> memref<1x512xf32, #tpu.memory_space<hbm>>
      %dma_wait3A_2121 = tpu.memref_squeeze %dma_wait3A_2120 : memref<1x512xf32, #tpu.memory_space<hbm>> -> memref<512xf32, #tpu.memory_space<hbm>>
      %dma_wait3A_2122 = arith.constant 0 : i32
      %dma_wait3A_2123 = tpu.memref_slice %arg7[%run_scoped3A_2096, %dma_wait3A_2122] : memref<5x512xf32, #tpu.memory_space<vmem>> -> memref<1x512xf32, #tpu.memory_space<vmem>>
      %dma_wait3A_2124 = tpu.memref_squeeze %dma_wait3A_2123 : memref<1x512xf32, #tpu.memory_space<vmem>> -> memref<512xf32, #tpu.memory_space<vmem>>
      tpu.wait_dma2 semaphore(%run_scoped3A_2104 : memref<!tpu.dma_semaphore, #tpu.memory_space<semaphore_mem>>) src(%dma_wait3A_2124 : memref<512xf32, #tpu.memory_space<vmem>>) dst(%dma_wait3A_2121 : memref<512xf32, #tpu.memory_space<hbm>>)
      tpu.yield
    }) : () -> ()
    %run_scoped3A_2098 = arith.constant 2 : i32
    %run_scoped3A_2099 = arith.constant 2 : i32
    "tpu.region"() ({
      %run_scoped3A_2104 = tpu.sem_alloc : memref<!tpu.dma_semaphore, #tpu.memory_space<semaphore_mem>>
      %dma_start3A_2105 = arith.constant 0 : i32
      %dma_start3A_2106 = tpu.memref_slice %arg7[%run_scoped3A_2098, %dma_start3A_2105] : memref<5x512xf32, #tpu.memory_space<vmem>> -> memref<1x512xf32, #tpu.memory_space<vmem>>
      %dma_start3A_2107 = tpu.memref_squeeze %dma_start3A_2106 : memref<1x512xf32, #tpu.memory_space<vmem>> -> memref<512xf32, #tpu.memory_space<vmem>>
      %dma_start3A_2108 = tpu.memref_slice %arg4[%run_scoped3A_2099, %mul3A_2] : memref<5x16384xf32, #tpu.memory_space<hbm>> -> memref<1x512xf32, #tpu.memory_space<hbm>>
      %dma_start3A_2109 = tpu.memref_squeeze %dma_start3A_2108 : memref<1x512xf32, #tpu.memory_space<hbm>> -> memref<512xf32, #tpu.memory_space<hbm>>
      %dma_start3A_2110 = tpu.memref_slice %arg4[%run_scoped3A_2099, %mul3A_2] : memref<5x16384xf32, #tpu.memory_space<hbm>> -> memref<1x512xf32, #tpu.memory_space<hbm>>
      %dma_start3A_2111 = tpu.memref_squeeze %dma_start3A_2110 : memref<1x512xf32, #tpu.memory_space<hbm>> -> memref<512xf32, #tpu.memory_space<hbm>>
      %dma_start3A_2112 = arith.constant 0 : i32
      %dma_start3A_2113 = tpu.memref_slice %arg7[%run_scoped3A_2098, %dma_start3A_2112] : memref<5x512xf32, #tpu.memory_space<vmem>> -> memref<1x512xf32, #tpu.memory_space<vmem>>
      %dma_start3A_2114 = tpu.memref_squeeze %dma_start3A_2113 : memref<1x512xf32, #tpu.memory_space<vmem>> -> memref<512xf32, #tpu.memory_space<vmem>>
      tpu.enqueue_dma source(%dma_start3A_2114 : memref<512xf32, #tpu.memory_space<vmem>>) target(%dma_start3A_2111 : memref<512xf32, #tpu.memory_space<hbm>>) target_semaphore(%run_scoped3A_2104 : memref<!tpu.dma_semaphore, #tpu.memory_space<semaphore_mem>>)
      %dma_wait3A_2115 = arith.constant 0 : i32
      %dma_wait3A_2116 = tpu.memref_slice %arg7[%run_scoped3A_2098, %dma_wait3A_2115] : memref<5x512xf32, #tpu.memory_space<vmem>> -> memref<1x512xf32, #tpu.memory_space<vmem>>
      %dma_wait3A_2117 = tpu.memref_squeeze %dma_wait3A_2116 : memref<1x512xf32, #tpu.memory_space<vmem>> -> memref<512xf32, #tpu.memory_space<vmem>>
      %dma_wait3A_2118 = tpu.memref_slice %arg4[%run_scoped3A_2099, %mul3A_2] : memref<5x16384xf32, #tpu.memory_space<hbm>> -> memref<1x512xf32, #tpu.memory_space<hbm>>
      %dma_wait3A_2119 = tpu.memref_squeeze %dma_wait3A_2118 : memref<1x512xf32, #tpu.memory_space<hbm>> -> memref<512xf32, #tpu.memory_space<hbm>>
      %dma_wait3A_2120 = tpu.memref_slice %arg4[%run_scoped3A_2099, %mul3A_2] : memref<5x16384xf32, #tpu.memory_space<hbm>> -> memref<1x512xf32, #tpu.memory_space<hbm>>
      %dma_wait3A_2121 = tpu.memref_squeeze %dma_wait3A_2120 : memref<1x512xf32, #tpu.memory_space<hbm>> -> memref<512xf32, #tpu.memory_space<hbm>>
      %dma_wait3A_2122 = arith.constant 0 : i32
      %dma_wait3A_2123 = tpu.memref_slice %arg7[%run_scoped3A_2098, %dma_wait3A_2122] : memref<5x512xf32, #tpu.memory_space<vmem>> -> memref<1x512xf32, #tpu.memory_space<vmem>>
      %dma_wait3A_2124 = tpu.memref_squeeze %dma_wait3A_2123 : memref<1x512xf32, #tpu.memory_space<vmem>> -> memref<512xf32, #tpu.memory_space<vmem>>
      tpu.wait_dma2 semaphore(%run_scoped3A_2104 : memref<!tpu.dma_semaphore, #tpu.memory_space<semaphore_mem>>) src(%dma_wait3A_2124 : memref<512xf32, #tpu.memory_space<vmem>>) dst(%dma_wait3A_2121 : memref<512xf32, #tpu.memory_space<hbm>>)
      tpu.yield
    }) : () -> ()
    %run_scoped3A_2100 = arith.constant 3 : i32
    %run_scoped3A_2101 = arith.constant 3 : i32
    "tpu.region"() ({
      %run_scoped3A_2104 = tpu.sem_alloc : memref<!tpu.dma_semaphore, #tpu.memory_space<semaphore_mem>>
      %dma_start3A_2105 = arith.constant 0 : i32
      %dma_start3A_2106 = tpu.memref_slice %arg7[%run_scoped3A_2100, %dma_start3A_2105] : memref<5x512xf32, #tpu.memory_space<vmem>> -> memref<1x512xf32, #tpu.memory_space<vmem>>
      %dma_start3A_2107 = tpu.memref_squeeze %dma_start3A_2106 : memref<1x512xf32, #tpu.memory_space<vmem>> -> memref<512xf32, #tpu.memory_space<vmem>>
      %dma_start3A_2108 = tpu.memref_slice %arg4[%run_scoped3A_2101, %mul3A_2] : memref<5x16384xf32, #tpu.memory_space<hbm>> -> memref<1x512xf32, #tpu.memory_space<hbm>>
      %dma_start3A_2109 = tpu.memref_squeeze %dma_start3A_2108 : memref<1x512xf32, #tpu.memory_space<hbm>> -> memref<512xf32, #tpu.memory_space<hbm>>
      %dma_start3A_2110 = tpu.memref_slice %arg4[%run_scoped3A_2101, %mul3A_2] : memref<5x16384xf32, #tpu.memory_space<hbm>> -> memref<1x512xf32, #tpu.memory_space<hbm>>
      %dma_start3A_2111 = tpu.memref_squeeze %dma_start3A_2110 : memref<1x512xf32, #tpu.memory_space<hbm>> -> memref<512xf32, #tpu.memory_space<hbm>>
      %dma_start3A_2112 = arith.constant 0 : i32
      %dma_start3A_2113 = tpu.memref_slice %arg7[%run_scoped3A_2100, %dma_start3A_2112] : memref<5x512xf32, #tpu.memory_space<vmem>> -> memref<1x512xf32, #tpu.memory_space<vmem>>
      %dma_start3A_2114 = tpu.memref_squeeze %dma_start3A_2113 : memref<1x512xf32, #tpu.memory_space<vmem>> -> memref<512xf32, #tpu.memory_space<vmem>>
      tpu.enqueue_dma source(%dma_start3A_2114 : memref<512xf32, #tpu.memory_space<vmem>>) target(%dma_start3A_2111 : memref<512xf32, #tpu.memory_space<hbm>>) target_semaphore(%run_scoped3A_2104 : memref<!tpu.dma_semaphore, #tpu.memory_space<semaphore_mem>>)
      %dma_wait3A_2115 = arith.constant 0 : i32
      %dma_wait3A_2116 = tpu.memref_slice %arg7[%run_scoped3A_2100, %dma_wait3A_2115] : memref<5x512xf32, #tpu.memory_space<vmem>> -> memref<1x512xf32, #tpu.memory_space<vmem>>
      %dma_wait3A_2117 = tpu.memref_squeeze %dma_wait3A_2116 : memref<1x512xf32, #tpu.memory_space<vmem>> -> memref<512xf32, #tpu.memory_space<vmem>>
      %dma_wait3A_2118 = tpu.memref_slice %arg4[%run_scoped3A_2101, %mul3A_2] : memref<5x16384xf32, #tpu.memory_space<hbm>> -> memref<1x512xf32, #tpu.memory_space<hbm>>
      %dma_wait3A_2119 = tpu.memref_squeeze %dma_wait3A_2118 : memref<1x512xf32, #tpu.memory_space<hbm>> -> memref<512xf32, #tpu.memory_space<hbm>>
      %dma_wait3A_2120 = tpu.memref_slice %arg4[%run_scoped3A_2101, %mul3A_2] : memref<5x16384xf32, #tpu.memory_space<hbm>> -> memref<1x512xf32, #tpu.memory_space<hbm>>
      %dma_wait3A_2121 = tpu.memref_squeeze %dma_wait3A_2120 : memref<1x512xf32, #tpu.memory_space<hbm>> -> memref<512xf32, #tpu.memory_space<hbm>>
      %dma_wait3A_2122 = arith.constant 0 : i32
      %dma_wait3A_2123 = tpu.memref_slice %arg7[%run_scoped3A_2100, %dma_wait3A_2122] : memref<5x512xf32, #tpu.memory_space<vmem>> -> memref<1x512xf32, #tpu.memory_space<vmem>>
      %dma_wait3A_2124 = tpu.memref_squeeze %dma_wait3A_2123 : memref<1x512xf32, #tpu.memory_space<vmem>> -> memref<512xf32, #tpu.memory_space<vmem>>
      tpu.wait_dma2 semaphore(%run_scoped3A_2104 : memref<!tpu.dma_semaphore, #tpu.memory_space<semaphore_mem>>) src(%dma_wait3A_2124 : memref<512xf32, #tpu.memory_space<vmem>>) dst(%dma_wait3A_2121 : memref<512xf32, #tpu.memory_space<hbm>>)
      tpu.yield
    }) : () -> ()
    %run_scoped3A_2102 = arith.constant 4 : i32
    %run_scoped3A_2103 = arith.constant 4 : i32
    "tpu.region"() ({
      %run_scoped3A_2104 = tpu.sem_alloc : memref<!tpu.dma_semaphore, #tpu.memory_space<semaphore_mem>>
      %dma_start3A_2105 = arith.constant 0 : i32
      %dma_start3A_2106 = tpu.memref_slice %arg7[%run_scoped3A_2102, %dma_start3A_2105] : memref<5x512xf32, #tpu.memory_space<vmem>> -> memref<1x512xf32, #tpu.memory_space<vmem>>
      %dma_start3A_2107 = tpu.memref_squeeze %dma_start3A_2106 : memref<1x512xf32, #tpu.memory_space<vmem>> -> memref<512xf32, #tpu.memory_space<vmem>>
      %dma_start3A_2108 = tpu.memref_slice %arg4[%run_scoped3A_2103, %mul3A_2] : memref<5x16384xf32, #tpu.memory_space<hbm>> -> memref<1x512xf32, #tpu.memory_space<hbm>>
      %dma_start3A_2109 = tpu.memref_squeeze %dma_start3A_2108 : memref<1x512xf32, #tpu.memory_space<hbm>> -> memref<512xf32, #tpu.memory_space<hbm>>
      %dma_start3A_2110 = tpu.memref_slice %arg4[%run_scoped3A_2103, %mul3A_2] : memref<5x16384xf32, #tpu.memory_space<hbm>> -> memref<1x512xf32, #tpu.memory_space<hbm>>
      %dma_start3A_2111 = tpu.memref_squeeze %dma_start3A_2110 : memref<1x512xf32, #tpu.memory_space<hbm>> -> memref<512xf32, #tpu.memory_space<hbm>>
      %dma_start3A_2112 = arith.constant 0 : i32
      %dma_start3A_2113 = tpu.memref_slice %arg7[%run_scoped3A_2102, %dma_start3A_2112] : memref<5x512xf32, #tpu.memory_space<vmem>> -> memref<1x512xf32, #tpu.memory_space<vmem>>
      %dma_start3A_2114 = tpu.memref_squeeze %dma_start3A_2113 : memref<1x512xf32, #tpu.memory_space<vmem>> -> memref<512xf32, #tpu.memory_space<vmem>>
      tpu.enqueue_dma source(%dma_start3A_2114 : memref<512xf32, #tpu.memory_space<vmem>>) target(%dma_start3A_2111 : memref<512xf32, #tpu.memory_space<hbm>>) target_semaphore(%run_scoped3A_2104 : memref<!tpu.dma_semaphore, #tpu.memory_space<semaphore_mem>>)
      %dma_wait3A_2115 = arith.constant 0 : i32
      %dma_wait3A_2116 = tpu.memref_slice %arg7[%run_scoped3A_2102, %dma_wait3A_2115] : memref<5x512xf32, #tpu.memory_space<vmem>> -> memref<1x512xf32, #tpu.memory_space<vmem>>
      %dma_wait3A_2117 = tpu.memref_squeeze %dma_wait3A_2116 : memref<1x512xf32, #tpu.memory_space<vmem>> -> memref<512xf32, #tpu.memory_space<vmem>>
      %dma_wait3A_2118 = tpu.memref_slice %arg4[%run_scoped3A_2103, %mul3A_2] : memref<5x16384xf32, #tpu.memory_space<hbm>> -> memref<1x512xf32, #tpu.memory_space<hbm>>
      %dma_wait3A_2119 = tpu.memref_squeeze %dma_wait3A_2118 : memref<1x512xf32, #tpu.memory_space<hbm>> -> memref<512xf32, #tpu.memory_space<hbm>>
      %dma_wait3A_2120 = tpu.memref_slice %arg4[%run_scoped3A_2103, %mul3A_2] : memref<5x16384xf32, #tpu.memory_space<hbm>> -> memref<1x512xf32, #tpu.memory_space<hbm>>
      %dma_wait3A_2121 = tpu.memref_squeeze %dma_wait3A_2120 : memref<1x512xf32, #tpu.memory_space<hbm>> -> memref<512xf32, #tpu.memory_space<hbm>>
      %dma_wait3A_2122 = arith.constant 0 : i32
      %dma_wait3A_2123 = tpu.memref_slice %arg7[%run_scoped3A_2102, %dma_wait3A_2122] : memref<5x512xf32, #tpu.memory_space<vmem>> -> memref<1x512xf32, #tpu.memory_space<vmem>>
      %dma_wait3A_2124 = tpu.memref_squeeze %dma_wait3A_2123 : memref<1x512xf32, #tpu.memory_space<vmem>> -> memref<512xf32, #tpu.memory_space<vmem>>
      tpu.wait_dma2 semaphore(%run_scoped3A_2104 : memref<!tpu.dma_semaphore, #tpu.memory_space<semaphore_mem>>) src(%dma_wait3A_2124 : memref<512xf32, #tpu.memory_space<vmem>>) dst(%dma_wait3A_2121 : memref<512xf32, #tpu.memory_space<hbm>>)
      tpu.yield
    }) : () -> ()
    return
  }
}

module attributes {stable_mosaic.version = 14 : i64} {
  func.func @_mlp_body(%arg0: i32, %arg1: memref<5x16384xf32, #tpu.memory_space<vmem>>, %arg2: memref<1x16384xi32, #tpu.memory_space<vmem>>, %arg3: memref<1x16384xf32, #tpu.memory_space<vmem>>, %arg4: memref<5x21xf32, #tpu.memory_space<vmem>>, %arg5: memref<20x5xf32, #tpu.memory_space<vmem>>, %arg6: memref<20x5xf32, #tpu.memory_space<vmem>>, %arg7: memref<20x1xf32, #tpu.memory_space<vmem>>, %arg8: memref<20x1xf32, #tpu.memory_space<vmem>>, %arg9: memref<30x20xf32, #tpu.memory_space<vmem>>, %arg10: memref<30x1xf32, #tpu.memory_space<vmem>>, %arg11: memref<10x30xf32, #tpu.memory_space<vmem>>, %arg12: memref<10x1xf32, #tpu.memory_space<vmem>>, %arg13: memref<1x10xf32, #tpu.memory_space<vmem>>, %arg14: memref<1x1xf32, #tpu.memory_space<vmem>>, %arg15: memref<1x16384xf32, #tpu.memory_space<vmem>>) attributes {dimension_semantics = [#tpu.dimension_semantics<arbitrary>], iteration_bounds = array<i64: 1>, scalar_prefetch = 0 : i64, scratch_operands = 0 : i64, tpu.core_type = #tpu.core_type<tc>, window_params = [{transform_indices = @transform_0, window_bounds = array<i64: 5, 16384>}, {transform_indices = @transform_1, window_bounds = array<i64: 1, 16384>}, {transform_indices = @transform_2, window_bounds = array<i64: 1, 16384>}, {pipeline_mode = #tpu.pipeline_mode<synchronous>, transform_indices = @transform_3, window_bounds = array<i64: 5, 21>}, {pipeline_mode = #tpu.pipeline_mode<synchronous>, transform_indices = @transform_4, window_bounds = array<i64: 20, 5>}, {pipeline_mode = #tpu.pipeline_mode<synchronous>, transform_indices = @transform_5, window_bounds = array<i64: 20, 5>}, {pipeline_mode = #tpu.pipeline_mode<synchronous>, transform_indices = @transform_6, window_bounds = array<i64: 20, 1>}, {pipeline_mode = #tpu.pipeline_mode<synchronous>, transform_indices = @transform_7, window_bounds = array<i64: 20, 1>}, {pipeline_mode = #tpu.pipeline_mode<synchronous>, transform_indices = @transform_8, window_bounds = array<i64: 30, 20>}, {pipeline_mode = #tpu.pipeline_mode<synchronous>, transform_indices = @transform_9, window_bounds = array<i64: 30, 1>}, {pipeline_mode = #tpu.pipeline_mode<synchronous>, transform_indices = @transform_10, window_bounds = array<i64: 10, 30>}, {pipeline_mode = #tpu.pipeline_mode<synchronous>, transform_indices = @transform_11, window_bounds = array<i64: 10, 1>}, {pipeline_mode = #tpu.pipeline_mode<synchronous>, transform_indices = @transform_12, window_bounds = array<i64: 1, 10>}, {pipeline_mode = #tpu.pipeline_mode<synchronous>, transform_indices = @transform_13, window_bounds = array<i64: 1, 1>}, {transform_indices = @transform_14, window_bounds = array<i64: 1, 16384>}]} {
    %get3A = arith.constant 0 : index
    %get3A_0 = arith.constant 0 : index
    %get3A_1 = vector.load %arg1[%get3A, %get3A_0] : memref<5x16384xf32, #tpu.memory_space<vmem>>, vector<5x16384xf32>
    %get3A_2 = arith.constant 0 : index
    %get3A_3 = arith.constant 0 : index
    %get3A_4 = vector.load %arg5[%get3A_2, %get3A_3] : memref<20x5xf32, #tpu.memory_space<vmem>>, vector<20x5xf32>
    %dot_general3A = arith.constant dense<0.000000e+00> : vector<20x16384xf32>
    %dot_general3A_5 = tpu.matmul %get3A_4, %get3A_1, %dot_general3A {dimension_numbers = #tpu.dot_dimension_numbers<[1], [0], [0], [1], [0, 0, 1, 1], [], []>, transpose_lhs_hint = false} : vector<20x5xf32>, vector<5x16384xf32>, vector<20x16384xf32> -> vector<20x16384xf32>
    %get3A_6 = arith.constant 0 : index
    %get3A_7 = arith.constant 0 : index
    %get3A_8 = vector.load %arg6[%get3A_6, %get3A_7] : memref<20x5xf32, #tpu.memory_space<vmem>>, vector<20x5xf32>
    %get3A_9 = arith.constant 0 : index
    %get3A_10 = arith.constant 0 : index
    %get3A_11 = vector.load %arg4[%get3A_9, %get3A_10] : memref<5x21xf32, #tpu.memory_space<vmem>>, vector<5x21xf32>
    %dot_general3A_12 = arith.constant dense<0.000000e+00> : vector<20x21xf32>
    %dot_general3A_13 = tpu.matmul %get3A_8, %get3A_11, %dot_general3A_12 {dimension_numbers = #tpu.dot_dimension_numbers<[1], [0], [0], [1], [0, 0, 1, 1], [], []>, transpose_lhs_hint = false} : vector<20x5xf32>, vector<5x21xf32>, vector<20x21xf32> -> vector<20x21xf32>
    %iota3A = tpu.iota {dimensions = array<i32: 0>} : vector<21x1xi32>
    %get3A_14 = arith.constant 0 : index
    %get3A_15 = arith.constant 0 : index
    %get3A_16 = vector.load %arg2[%get3A_14, %get3A_15] : memref<1x16384xi32, #tpu.memory_space<vmem>>, vector<1x16384xi32>
    %eq3A = vector.broadcast %iota3A : vector<21x1xi32> to vector<21x16384xi32>
    %eq3A_17 = vector.broadcast %get3A_16 : vector<1x16384xi32> to vector<21x16384xi32>
    %eq3A_18 = arith.cmpi eq, %eq3A, %eq3A_17 : vector<21x16384xi32>
    %convert_element_type3A = arith.extui %eq3A_18 : vector<21x16384xi1> to vector<21x16384xi32>
    %convert_element_type3A_19 = arith.sitofp %convert_element_type3A : vector<21x16384xi32> to vector<21x16384xf32>
    %dot_general3A_20 = arith.constant dense<0.000000e+00> : vector<20x16384xf32>
    %dot_general3A_21 = tpu.matmul %dot_general3A_13, %convert_element_type3A_19, %dot_general3A_20 {dimension_numbers = #tpu.dot_dimension_numbers<[1], [0], [0], [1], [0, 0, 1, 1], [], []>, transpose_lhs_hint = false} : vector<20x21xf32>, vector<21x16384xf32>, vector<20x16384xf32> -> vector<20x16384xf32>
    %add3A = arith.addf %dot_general3A_5, %dot_general3A_21 : vector<20x16384xf32>
    %get3A_22 = arith.constant 0 : index
    %get3A_23 = arith.constant 0 : index
    %get3A_24 = vector.load %arg7[%get3A_22, %get3A_23] : memref<20x1xf32, #tpu.memory_space<vmem>>, vector<20x1xf32>
    %get3A_25 = arith.constant 0 : index
    %get3A_26 = arith.constant 0 : index
    %get3A_27 = vector.load %arg3[%get3A_25, %get3A_26] : memref<1x16384xf32, #tpu.memory_space<vmem>>, vector<1x16384xf32>
    %dot_general3A_28 = arith.constant dense<0.000000e+00> : vector<20x16384xf32>
    %dot_general3A_29 = tpu.matmul %get3A_24, %get3A_27, %dot_general3A_28 {dimension_numbers = #tpu.dot_dimension_numbers<[1], [0], [0], [1], [0, 0, 1, 1], [], []>, transpose_lhs_hint = false} : vector<20x1xf32>, vector<1x16384xf32>, vector<20x16384xf32> -> vector<20x16384xf32>
    %add3A_30 = arith.addf %add3A, %dot_general3A_29 : vector<20x16384xf32>
    %get3A_31 = arith.constant 0 : index
    %get3A_32 = arith.constant 0 : index
    %get3A_33 = vector.load %arg8[%get3A_31, %get3A_32] : memref<20x1xf32, #tpu.memory_space<vmem>>, vector<20x1xf32>
    %add3A_34 = vector.broadcast %get3A_33 : vector<20x1xf32> to vector<20x16384xf32>
    %add3A_35 = arith.addf %add3A_30, %add3A_34 : vector<20x16384xf32>
    %tanh3A = math.tanh %add3A_35 : vector<20x16384xf32>
    %get3A_36 = arith.constant 0 : index
    %get3A_37 = arith.constant 0 : index
    %get3A_38 = vector.load %arg9[%get3A_36, %get3A_37] : memref<30x20xf32, #tpu.memory_space<vmem>>, vector<30x20xf32>
    %dot_general3A_39 = arith.constant dense<0.000000e+00> : vector<30x16384xf32>
    %dot_general3A_40 = tpu.matmul %get3A_38, %tanh3A, %dot_general3A_39 {dimension_numbers = #tpu.dot_dimension_numbers<[1], [0], [0], [1], [0, 0, 1, 1], [], []>, transpose_lhs_hint = false} : vector<30x20xf32>, vector<20x16384xf32>, vector<30x16384xf32> -> vector<30x16384xf32>
    %get3A_41 = arith.constant 0 : index
    %get3A_42 = arith.constant 0 : index
    %get3A_43 = vector.load %arg10[%get3A_41, %get3A_42] : memref<30x1xf32, #tpu.memory_space<vmem>>, vector<30x1xf32>
    %add3A_44 = vector.broadcast %get3A_43 : vector<30x1xf32> to vector<30x16384xf32>
    %add3A_45 = arith.addf %dot_general3A_40, %add3A_44 : vector<30x16384xf32>
    %tanh3A_46 = math.tanh %add3A_45 : vector<30x16384xf32>
    %get3A_47 = arith.constant 0 : index
    %get3A_48 = arith.constant 0 : index
    %get3A_49 = vector.load %arg11[%get3A_47, %get3A_48] : memref<10x30xf32, #tpu.memory_space<vmem>>, vector<10x30xf32>
    %dot_general3A_50 = arith.constant dense<0.000000e+00> : vector<10x16384xf32>
    %dot_general3A_51 = tpu.matmul %get3A_49, %tanh3A_46, %dot_general3A_50 {dimension_numbers = #tpu.dot_dimension_numbers<[1], [0], [0], [1], [0, 0, 1, 1], [], []>, transpose_lhs_hint = false} : vector<10x30xf32>, vector<30x16384xf32>, vector<10x16384xf32> -> vector<10x16384xf32>
    %get3A_52 = arith.constant 0 : index
    %get3A_53 = arith.constant 0 : index
    %get3A_54 = vector.load %arg12[%get3A_52, %get3A_53] : memref<10x1xf32, #tpu.memory_space<vmem>>, vector<10x1xf32>
    %add3A_55 = vector.broadcast %get3A_54 : vector<10x1xf32> to vector<10x16384xf32>
    %add3A_56 = arith.addf %dot_general3A_51, %add3A_55 : vector<10x16384xf32>
    %tanh3A_57 = math.tanh %add3A_56 : vector<10x16384xf32>
    %get3A_58 = arith.constant 0 : index
    %get3A_59 = arith.constant 0 : index
    %get3A_60 = vector.load %arg13[%get3A_58, %get3A_59] : memref<1x10xf32, #tpu.memory_space<vmem>>, vector<1x10xf32>
    %dot_general3A_61 = arith.constant dense<0.000000e+00> : vector<1x16384xf32>
    %dot_general3A_62 = tpu.matmul %get3A_60, %tanh3A_57, %dot_general3A_61 {dimension_numbers = #tpu.dot_dimension_numbers<[1], [0], [0], [1], [0, 0, 1, 1], [], []>, transpose_lhs_hint = false} : vector<1x10xf32>, vector<10x16384xf32>, vector<1x16384xf32> -> vector<1x16384xf32>
    %get3A_63 = arith.constant 0 : index
    %get3A_64 = arith.constant 0 : index
    %get3A_65 = vector.load %arg14[%get3A_63, %get3A_64] : memref<1x1xf32, #tpu.memory_space<vmem>>, vector<1x1xf32>
    %add3A_66 = vector.broadcast %get3A_65 : vector<1x1xf32> to vector<1x16384xf32>
    %add3A_67 = arith.addf %dot_general3A_62, %add3A_66 : vector<1x16384xf32>
    %tanh3A_68 = math.tanh %add3A_67 : vector<1x16384xf32>
    %logistic3A = arith.negf %tanh3A_68 : vector<1x16384xf32>
    %logistic3A_69 = math.exp %logistic3A : vector<1x16384xf32>
    %logistic3A_70 = arith.constant 1.000000e+00 : f32
    %logistic3A_71 = vector.broadcast %logistic3A_70 : f32 to vector<1x16384xf32>
    %logistic3A_72 = arith.addf %logistic3A_71, %logistic3A_69 : vector<1x16384xf32>
    %logistic3A_73 = arith.divf %logistic3A_71, %logistic3A_72 : vector<1x16384xf32>
    %swap3A = arith.constant 0 : index
    %swap3A_74 = arith.constant 0 : index
    %swap3A_75 = vector.load %arg15[%swap3A, %swap3A_74] : memref<1x16384xf32, #tpu.memory_space<vmem>>, vector<1x16384xf32>
    tpu.vector_store %arg15[%swap3A, %swap3A_74], %logistic3A_73 {strides = array<i32>} : memref<1x16384xf32, #tpu.memory_space<vmem>>, vector<1x16384xf32>,
    return
  }
  func.func @transform_0(%arg0: i32) -> (i32, i32) {
    %c0_i32 = arith.constant 0 : i32
    %c0_i32_0 = arith.constant 0 : i32
    return %c0_i32, %arg0 : i32, i32
  }
  func.func @transform_1(%arg0: i32) -> (i32, i32) {
    %c0_i32 = arith.constant 0 : i32
    %c0_i32_0 = arith.constant 0 : i32
    return %c0_i32, %arg0 : i32, i32
  }
  func.func @transform_2(%arg0: i32) -> (i32, i32) {
    %c0_i32 = arith.constant 0 : i32
    %c0_i32_0 = arith.constant 0 : i32
    return %c0_i32, %arg0 : i32, i32
  }
  func.func @transform_3(%arg0: i32) -> (i32, i32) {
    %c0_i32 = arith.constant 0 : i32
    %c0_i32_0 = arith.constant 0 : i32
    %c0_i32_1 = arith.constant 0 : i32
    return %c0_i32, %c0_i32_0 : i32, i32
  }
  func.func @transform_4(%arg0: i32) -> (i32, i32) {
    %c0_i32 = arith.constant 0 : i32
    %c0_i32_0 = arith.constant 0 : i32
    %c0_i32_1 = arith.constant 0 : i32
    return %c0_i32, %c0_i32_0 : i32, i32
  }
  func.func @transform_5(%arg0: i32) -> (i32, i32) {
    %c0_i32 = arith.constant 0 : i32
    %c0_i32_0 = arith.constant 0 : i32
    %c0_i32_1 = arith.constant 0 : i32
    return %c0_i32, %c0_i32_0 : i32, i32
  }
  func.func @transform_6(%arg0: i32) -> (i32, i32) {
    %c0_i32 = arith.constant 0 : i32
    %c0_i32_0 = arith.constant 0 : i32
    %c0_i32_1 = arith.constant 0 : i32
    return %c0_i32, %c0_i32_0 : i32, i32
  }
  func.func @transform_7(%arg0: i32) -> (i32, i32) {
    %c0_i32 = arith.constant 0 : i32
    %c0_i32_0 = arith.constant 0 : i32
    %c0_i32_1 = arith.constant 0 : i32
    return %c0_i32, %c0_i32_0 : i32, i32
  }
  func.func @transform_8(%arg0: i32) -> (i32, i32) {
    %c0_i32 = arith.constant 0 : i32
    %c0_i32_0 = arith.constant 0 : i32
    %c0_i32_1 = arith.constant 0 : i32
    return %c0_i32, %c0_i32_0 : i32, i32
  }
  func.func @transform_9(%arg0: i32) -> (i32, i32) {
    %c0_i32 = arith.constant 0 : i32
    %c0_i32_0 = arith.constant 0 : i32
    %c0_i32_1 = arith.constant 0 : i32
    return %c0_i32, %c0_i32_0 : i32, i32
  }
  func.func @transform_10(%arg0: i32) -> (i32, i32) {
    %c0_i32 = arith.constant 0 : i32
    %c0_i32_0 = arith.constant 0 : i32
    %c0_i32_1 = arith.constant 0 : i32
    return %c0_i32, %c0_i32_0 : i32, i32
  }
  func.func @transform_11(%arg0: i32) -> (i32, i32) {
    %c0_i32 = arith.constant 0 : i32
    %c0_i32_0 = arith.constant 0 : i32
    %c0_i32_1 = arith.constant 0 : i32
    return %c0_i32, %c0_i32_0 : i32, i32
  }
  func.func @transform_12(%arg0: i32) -> (i32, i32) {
    %c0_i32 = arith.constant 0 : i32
    %c0_i32_0 = arith.constant 0 : i32
    %c0_i32_1 = arith.constant 0 : i32
    return %c0_i32, %c0_i32_0 : i32, i32
  }
  func.func @transform_13(%arg0: i32) -> (i32, i32) {
    %c0_i32 = arith.constant 0 : i32
    %c0_i32_0 = arith.constant 0 : i32
    %c0_i32_1 = arith.constant 0 : i32
    return %c0_i32, %c0_i32_0 : i32, i32
  }
  func.func @transform_14(%arg0: i32) -> (i32, i32) {
    %c0_i32 = arith.constant 0 : i32
    %c0_i32_0 = arith.constant 0 : i32
    return %c0_i32, %arg0 : i32, i32
  }
}

</mosaic_0001>

<sc_bundles>
// kernel: kernel.4.cloned.1.call-start
scs
__scs_entry_jumppad:
0x0: {  	(pc) =	sbr.rel $0x88, $3  }
0x1: {  	(tag) =	ssettag $0x0;
	lr =	simm.s32 $0x1  }
0x2: {  	[smem:$0x3F94] =	sst lr;
	_ =	strace $0xD0000000  }
0x3: {  	_ = 	snop  }
0x4: {  	_ = 	snop  }
0x5: {  	_ = 	snop  }
0x6: {  	_ = 	snop  }
0x7: {  	_ = 	snop  }
__scs_overlays_trampoline_lowered:
0x8: {  	[smem:$0x3FA3] =	sst s0  }
0x9: {  	[smem:$0x3FA4] =	sst s1  }
0xa: {  	[smem:$0x3FA5] =	sst s2  }
0xb: {  	[smem:$0x3FA6] =	sst s3  }
0xc: {  	[smem:$0x3FA7] =	sst s4  }
0xd: {  	[smem:$0x3FA8] =	sst s5  }
0xe: {  	[smem:$0x3FA9] =	sst s6  }
0xf: {  	[smem:$0x3FAA] =	sst s7  }
0x10: {  	[smem:$0x3FAB] =	sst s8  }
0x11: {  	[smem:$0x3FAC] =	sst s9;
	s0 =	simm.s32 @!p0 $0x0  }
0x12: {  	s1 =	sld [smem:$0x3F92];
	s0 =	simm.s32 @p0 $0x1  }
0x13: {  	[smem:$0x3FAD] =	sst s0;
	s0 =	simm.s32 @!p1 $0x0  }
0x14: {  	s2 =	sld [smem:$0x3F91];
	s0 =	simm.s32 @p1 $0x1  }
0x15: {  	[smem:$0x3FAE] =	sst s0;
	s0 =	simm.s32 @!p2 $0x0  }
0x16: {  	s3 =	sld [smem:$0x3FDB];
	s0 =	simm.s32 @p2 $0x1  }
0x17: {  	s4 =	simm.s32 $0x1BF5;
	[smem:$0x3FB0] =	sst s0  }
0x18: {  	s0 =	sld [smem:$0x3F93];
	_ =	swait.ge [sflag:s4], $0x0  }
0x19: {  	s7 =	sld [smem:$0x3F94]  }
0x1a: {  	s8 =	sadd.s32 $0xFFFFE003, lr  }
0x1b: {  	s9 =	sadd.s32 $0xFFFFFEF7, lr;
	s5 =	simm.s32 $0xFFFFFFFF;
	p2 =	slt.u32 s8, $0xFFFFF086  }
0x1c: {  	p1 =	slt.u32 s9, $0xF7A;
	s5 =	simm.s32 @!p2 $0x0  }
0x1d: {  	s5 =	simm.s32 @p1 $0x1;
	p0 =	seq.s32 s7, s2  }
0x1e: {  	s7 =	smul.u32 @!p0 $0xF7A, s2;
	p2 =	seq.s32 @!p0 s5, $0x0  }
0x1f: {  	s9 =	smul.u32 $0xF7A, s1;
	s8 =	simm.s32 @!p0 $0x1BF5;
	p2 =	por !p2, p0  }
0x20: {  	[sflag:s8] =	ssyncset.s32 @!p0 $0xFFFFF086;
	s6 =	sadd.s32 @!p0 s3, s7;
	s7 =	simm.s32 @!p0 $0x108  }
0x21: {  	s3 =	sadd.s32 s3, s9;
	s6 =	sadd.s32 @!p0 $0x88, s6;
	s7 =	simm.s32 @p2 $0x1082  }
0x22: {  	[simem:s7], [sflag:s8] =	dma.local @!p0 [hbm:s6], $0xF7A  }
0x23: {  	s9 =	sor.u32 $0xD0000000, s2;
	s6 =	simm.s32 $0x108;
	_ =	swait.ge @!p0 [sflag:s8], $0x0  }
0x24: {  	s3 =	sadd.s32 $0x88, s3;
	s6 =	simm.s32 @!p1 $0x1082;
	[sflag:s4] =	ssyncset.s32 $0xFFFFF086  }
0x25: {  	[simem:s6], [sflag:s4] =	dma.local [hbm:s3], $0xF7A  }
0x26: {  	[smem:$0x3F94] =	sst s1;
	(tag) =	ssettag s2;
	_ =	strace s9  }
0x27: {  	s1 =	sld [smem:$0x3FA4]  }
0x28: {  	s2 =	sld [smem:$0x3FA5]  }
0x29: {  	s4 =	sld [smem:$0x3FA7]  }
0x2a: {  	p0 =	seq.s32 s5, $0x0;
	s5 =	sld [smem:$0x3FA8]  }
0x2b: {  	s6 =	sld [smem:$0x3FA9]  }
0x2c: {  	s7 =	sld [smem:$0x3FAA]  }
0x2d: {  	s3 =	simm.s32 $0x108;
	s8 =	sld [smem:$0x3FAB]  }
0x2e: {  	s3 =	simm.s32 @!p0 $0x1082;
	s9 =	sld [smem:$0x3FAC]  }
0x2f: {  	lr =	sadd.s32 s0, s3;
	s0 =	sld [smem:$0x3FA3]  }
0x30: {  	s3 =	sld [smem:$0x3FA6]  }
0x31: {  	[smem:$0x3FAF] =	sst s10  }
0x32: {  	s10 =	sld [smem:$0x3FAD];
	_ =	sdelay $0x3  }
0x33: {  	p0 =	seq.s32 s10, $0x1;
	s10 =	sld [smem:$0x3FAF];
	_ =	sdelay $0x3  }
0x34: {  	[smem:$0x3FAF] =	sst s10  }
0x35: {  	s10 =	sld [smem:$0x3FAE];
	_ =	sdelay $0x3  }
0x36: {  	p1 =	seq.s32 s10, $0x1;
	s10 =	sld [smem:$0x3FAF];
	_ =	sdelay $0x3  }
0x37: {  	[smem:$0x3FAF] =	sst s10  }
0x38: {  	s10 =	sld [smem:$0x3FB0]  }
0x39: {  	_ = 	snop;
	(pc) =	sbr.ind lr, $3  }
0x3a: {  	_ = 	snop  }
0x3b: {  	_ = 	snop  }
0x3c: {  	p2 =	seq.s32 s10, $0x1;
	s10 =	sld [smem:$0x3FAF]  }
0x3d: {  	_ =	shalt  }
0x3e: {  	_ =	shalt  }
0x3f: {  	_ =	shalt  }
0x40: {  	_ =	shalt  }
0x41: {  	_ =	shalt  }
0x42: {  	_ =	shalt  }
0x43: {  	_ =	shalt  }
0x44: {  	_ =	shalt  }
0x45: {  	_ =	shalt  }
0x46: {  	_ =	shalt  }
0x47: {  	_ =	shalt  }
0x48: {  	_ =	shalt  }
0x49: {  	_ =	shalt  }
0x4a: {  	_ =	shalt  }
0x4b: {  	_ =	shalt  }
0x4c: {  	_ =	shalt  }
0x4d: {  	_ =	shalt  }
0x4e: {  	_ =	shalt  }
0x4f: {  	_ =	shalt  }
0x50: {  	_ =	shalt  }
0x51: {  	_ =	shalt  }
0x52: {  	_ =	shalt  }
0x53: {  	_ =	shalt  }
0x54: {  	_ =	shalt  }
0x55: {  	_ =	shalt  }
0x56: {  	_ =	shalt  }
0x57: {  	_ =	shalt  }
0x58: {  	_ =	shalt  }
0x59: {  	_ =	shalt  }
0x5a: {  	_ =	shalt  }
0x5b: {  	_ =	shalt  }
0x5c: {  	_ =	shalt  }
0x5d: {  	_ =	shalt  }
0x5e: {  	_ =	shalt  }
0x5f: {  	_ =	shalt  }
0x60: {  	_ =	shalt  }
0x61: {  	_ =	shalt  }
0x62: {  	_ =	shalt  }
0x63: {  	_ =	shalt  }
0x64: {  	_ =	shalt  }
0x65: {  	_ =	shalt  }
0x66: {  	_ =	shalt  }
0x67: {  	_ =	shalt  }
0x68: {  	_ =	shalt  }
0x69: {  	_ =	shalt  }
0x6a: {  	_ =	shalt  }
0x6b: {  	_ =	shalt  }
0x6c: {  	_ =	shalt  }
0x6d: {  	_ =	shalt  }
0x6e: {  	_ =	shalt  }
0x6f: {  	_ =	shalt  }
0x70: {  	_ =	shalt  }
0x71: {  	_ =	shalt  }
0x72: {  	_ =	shalt  }
0x73: {  	_ =	shalt  }
0x74: {  	_ =	shalt  }
0x75: {  	_ =	shalt  }
0x76: {  	_ =	shalt  }
0x77: {  	_ =	shalt  }
0x78: {  	_ =	shalt  }
0x79: {  	_ =	shalt  }
0x7a: {  	_ =	shalt  }
0x7b: {  	_ =	shalt  }
0x7c: {  	_ =	shalt  }
0x7d: {  	_ =	shalt  }
0x7e: {  	_ =	shalt  }
0x7f: {  	_ =	shalt  }
0x80: {  	_ =	shalt  }
0x81: {  	_ =	shalt  }
0x82: {  	_ =	shalt  }
0x83: {  	_ =	shalt  }
0x84: {  	_ =	shalt  }
0x85: {  	_ =	shalt  }
0x86: {  	_ =	shalt  }
0x87: {  	_ =	shalt  }
.Lfunc_end0:
.L_simem_size_0:
called_computation_lowered:
.L_overlay_start_0:
0x88: {  	s2 =	sld [smem:$0x3FD9]  }
0x89: {  	s3 =	sld [smem:$0x3FFE];
	_ =	sdelay $0x1  }
0x8a: {  	s1 =	srdreg.scid  }
0x8b: {  	s0 =	sand.u32 $0x1, s1  }
0x8c: {  	s17 =	sshll.u32 s0, $0xA;
	s2 =	sadd.s32 s3, s2  }
0x8d: {  	s2 =	sadd.s32 s2, s17  }
0x8e: {  	[smem:$0x3FBB] =	sst s2  }
0x8f: {  	_ = 	snop  }
0x90: {  	s2 =	sld [smem:$0x3FC9];
	(tm) =	ssettm $0x1  }
0x91: {  	s18 =	sld [smem:$0x3FFB];
	_ =	sdelay $0x3  }
0x92: {  	_ =	strace s18  }
0x93: {  	s3 =	sld [smem:$0x3FFC];
	_ =	sdelay $0x3  }
0x94: {  	_ =	strace s3  }
0x95: {  	s3 =	sld [smem:$0x3FFD];
	_ =	sdelay $0x3  }
0x96: {  	_ =	strace s3  }
0x97: {  	_ =	strace $0x8FFFFFFF  }
0x98: {  	s19 =	sld [smem:$0x3FDB];
	_ =	sdelay $0x1  }
0x99: {  	s4 =	simm.s32 $_scs_section_size  }
0x9a: {  	s5 =	simm.s32 $_size__tile_overlayer_lowered;
	s6 =	simm.s32 $_tile_overlayer_lowered  }
0x9b: {  	s22 =	simm.s32 $0x1BFF;
	s21 =	sshll.u32 s6, $0x1;
	s3 =	sadd.s32 s4, s19  }
0x9c: {  	s7 =	simm.s32 $0x0;
	s20 =	sshll.u32 s5, $0x1;
	s5 =	sadd.s32 s21, s3  }
0x9d: {  	[timem:s7], [sflag:s22] =	dma.local [hbm:s5], s20  }
0x9e: {  	_ =	swait.ge [sflag:s22], s20  }
0x9f: {  	s4 =	ssub.s32 $0x0, s20;
	[sflag:s22] =	ssyncset.done $0x0  }
0xa0: {  	[sflag:s22] =	ssyncadd.s32 s4;
	_ =	sdelay $0x1  }
0xa1: {  	s23 =	simm.s32 $0x1B8B  }
0xa2: {  	_ =	swait.ge [sflag:s23], $0x1  }
0xa3: {  	[sflag:s23] =	ssyncset.done $0x0  }
0xa4: {  	s25 =	simm.s32 $0x1B8E;
	s24 =	sld [smem:$0x3FFE];
	[sflag:s23] =	ssyncadd.s32 $0xFFFFFFFF  }
0xa5: {  	s26 =	simm.s32 $execute0_lowered;
	[smem:$0x3FD2] =	sst s25  }
0xa6: {  	s5 =	sshll.u32 s26, $0x1;
	_ =	strace $0x80000046;
	[dreg:$0x1] =	wrdreg $0xFFFFFFFF  }
0xa7: {  	s28 =	simm.s32 $_size_execute0_lowered;
	s3 =	sadd.s32 s3, s5;
	[dreg:$0x0] =	wrdreg $0x0  }
0xa8: {  	s5 =	sshll.u32 s28, $0x1;
	[dreg:$0x2] =	wrdreg s3  }
0xa9: {  	[dreg:$0x3] =	wrdreg s5  }
0xaa: {  	[dreg:$0x4] =	wrdreg $0xC0  }
0xab: {  	_ =	task [dreg:s7], $0x5FFFF  }
0xac: {  	[dreg:$0x1] =	wrdreg $0xFFFFFFFF  }
0xad: {  	[dreg:$0x0] =	wrdreg $0x60  }
0xae: {  	[dreg:$0x2] =	wrdreg s24  }
0xaf: {  	[dreg:$0x3] =	wrdreg s2  }
0xb0: {  	[dreg:$0x4] =	wrdreg $0x9  }
0xb1: {  	_ =	task.clear_ibuf [dreg:s7], $0x5FFFF;
	_ =	strace $0x90000046  }
0xb2: {  	s29 =	simm.s32 $0x9;
	_ =	strace $0x80000048  }
0xb3: {  	_ =	swait.ge [sflag:s29], $0x1  }
0xb4: {  	[sflag:s29] =	ssyncadd.s32 $0xFFFFFFFF  }
0xb5: {  	_ =	strace $0x90000048  }
0xb6: {  	_ =	sfence  }
0xb7: {  	s30 =	sld [smem:$0x0];
	_ =	sdelay $0x2  }
0xb8: {  	s31 =	sshll.u32 s1, $0xD;
	s1 =	sshrl.u32 s1, $0x2  }
0xb9: {  	s3 =	sand.u32 $0x4000, s31;
	s1 =	sadd.s32 s1, s30  }
0xba: {  	s0 =	sor.u32 s3, s0;
	s1 =	sshll.u32 s1, $0x11  }
0xbb: {  	s0 =	sor.u32 s1, s0  }
0xbc: {  	s0 =	sadd.s32 $0x8F2B, s0  }
0xbd: {  	[sflag:s0] =	ssyncadd.remote.s32 $0x1  }
0xbe: {  	_ =	sfence.sel $0xFFFF  }
0xbf: {  	[dreg:$0x0] =	wrdreg $0xFFFFFFFF;
	(pc) =	sbr.abs _section_cstart, $3  }
0xc0: {  	[dreg:$0x1] =	wrdreg $0xFFFFFFFF  }
0xc1: {  	_ =	task.clear_ibuf [dreg:s7], $0x2FFFF;
	_ =	strace $0x9FFFFFFF  }
0xc2: {  	(tm) =	ssettm $0x7FFFFFFF  }
0xc3: {  	_ =	shalt  }
tec
execute0_lowered:
.L_overlay_start_1:
0x0: {  	(tag) =	ssettag $0x1  }
0x1: {  	s0 =	rddreg [dreg:$0x0];
	s2 =	srdreg.scid  }
0x2: {  	s3 =	rddreg [dreg:$0x1];
	s4 =	sand.u32 $0x1, s2;
	s2 =	simm.s32 $0x0  }
0x3: {  	s10 =	simm.s32 $0x200;
	[smem:$0x7FF] =	sst s2  }
0x4: {  	s11 =	simm.s32 $0x280;
	_ =	strace $0x80000047;
	[dreg:$0x9] =	wrdreg s10  }
0x5: {  	s12 =	simm.s32 $0xC80;
	[dreg:$0xa] =	wrdreg s11  }
0x6: {  	s13 =	simm.s32 $0x300;
	[dreg:$0xb] =	wrdreg s12  }
0x7: {  	s14 =	simm.s32 $0xD00;
	[dreg:$0xc] =	wrdreg s13  }
0x8: {  	s15 =	simm.s32 $0x380;
	[dreg:$0xd] =	wrdreg s14  }
0x9: {  	s16 =	simm.s32 $0xD80;
	[dreg:$0xe] =	wrdreg s15  }
0xa: {  	s17 =	simm.s32 $0x400;
	[dreg:$0xf] =	wrdreg s16  }
0xb: {  	s1 =	stileid.u32;
	s18 =	simm.s32 $0x480;
	[dreg:$0x10] =	wrdreg s17  }
0xc: {  	s20 =	simm.s32 $0xE80;
	s21 =	simm.s32 $0x500;
	[dreg:$0x11] =	wrdreg s18  }
0xd: {  	s22 =	simm.s32 $0xF00;
	s23 =	simm.s32 $0x580;
	[dreg:$0x12] =	wrdreg s20  }
0xe: {  	s24 =	simm.s32 $0xF80;
	s25 =	simm.s32 $0x600;
	[dreg:$0x13] =	wrdreg s21  }
0xf: {  	s26 =	simm.s32 $0x680;
	s28 =	simm.s32 $0xB00;
	[dreg:$0x14] =	wrdreg s22  }
0x10: {  	s29 =	simm.s32 $0x1500;
	s30 =	simm.s32 $0xB80;
	[dreg:$0x15] =	wrdreg s23  }
0x11: {  	s31 =	simm.s32 $0x1580;
	s5 =	sshll.u32 s1, $0x7;
	[dreg:$0x16] =	wrdreg s24  }
0x12: {  	s6 =	sshll.u32 s4, $0x6;
	s4 =	ssub.s32 $0x2, s4;
	[dreg:$0x17] =	wrdreg s25  }
0x13: {  	s5 =	sor.u32 s6, s5;
	s19 =	sshrl.u32 s4, $0x1;
	[dreg:$0x18] =	wrdreg s26  }
0x14: {  	s13 =	simm.s32 $0x780;
	s14 =	simm.s32 $0x1180;
	s15 =	simm.s32 $0x800  }
0x15: {  	s16 =	simm.s32 $0x1200;
	s17 =	simm.s32 $0x880;
	s18 =	simm.s32 $0x1280  }
0x16: {  	s20 =	simm.s32 $0x1300;
	s21 =	simm.s32 $0x980;
	s22 =	simm.s32 $0x1380  }
0x17: {  	s23 =	simm.s32 $0xA00;
	s24 =	simm.s32 $0x1400;
	s25 =	simm.s32 $0xA80  }
0x18: {  	s26 =	simm.s32 $0x1480;
	s6 =	sadd.s32 s5, s0;
	s3 =	sadd.s32 s3, s5  }
0x19: {  	s4 =	ssub.s32 s4, s19;
	[dreg:$0x3] =	wrdreg s3;
	s1 =	sadd.s32 $0x3000, s6  }
0x1a: {  	s19 =	simm.s32 $0x900;
	s5 =	sadd.s32 $0x3800, s6;
	[dreg:$0x4] =	wrdreg s1  }
0x1b: {  	s7 =	sadd.s32 $0x4000, s6;
	s8 =	sadd.s32 $0x4800, s6;
	[dreg:$0x5] =	wrdreg s5  }
0x1c: {  	s9 =	sadd.s32 $0x5000, s6;
	s3 =	sadd.s32 $0x1A00, s0;
	[dreg:$0x6] =	wrdreg s7  }
0x1d: {  	s4 =	smax.u32 s4, $0x1;
	s6 =	simm.s32 $0x80;
	[dreg:$0x7] =	wrdreg s8  }
0x1e: {  	s0 =	simm.s32 $0x1;
	[dreg:$0x8] =	wrdreg s9;
	s5 =	simm.s32 $0x2  }
0x1f: {  	s7 =	simm.s32 $0xC00;
	s8 =	simm.s32 $0xE00;
	s9 =	simm.s32 $0x1000  }
.LBB2_1:
0x20: {  	s1 =	rddreg [dreg:$0x3]  }
0x21: {  	[tilespmem:s2], [sflag:$0x2] =	stream.linear.gather [hbm4b:s1+s2], $0x200, $0x38;
	[tilespmem:$0x1600] =	vst v63  }
0x22: {  	_ =	swait.ge [sflag:s5], $0x200  }
0x23: {  	[sflag:s5] =	ssyncset.done $0x0  }
0x24: {  	[sflag:s5] =	ssyncadd.s32 $0xFFFFFE00  }
0x25: {  	v0 =	vld [tilespmem:$0x0]  }
0x26: {  	v1 =	vld [tilespmem:$0x10];
	_ =	sdelay $0x3  }
0x27: {  	v0 =	vmul.u32 $0x5, v0  }
0x28: {  	v1 =	vmul.u32 $0x5, v1  }
0x29: {  	[tilespmem:$0x200] =	vst v0  }
0x2a: {  	v2 =	vadd.s32 $0x1, v0;
	[tilespmem:$0x210] =	vst v1  }
0x2b: {  	v42 =	vadd.s32 $0x2, v0;
	[tilespmem:$0x400] =	vst v2  }
0x2c: {  	v49 =	vld [tilespmem:$0x30];
	v43 =	vadd.s32 $0x3, v0;
	[tilespmem:$0x600] =	vst v42  }
0x2d: {  	v44 =	vld [tilespmem:$0x20];
	v0 =	vadd.s32 $0x4, v0;
	[tilespmem:$0x800] =	vst v43  }
0x2e: {  	v45 =	vadd.s32 $0x1, v1;
	[tilespmem:$0xA00] =	vst v0  }
0x2f: {  	v46 =	vadd.s32 $0x2, v1;
	[tilespmem:$0x410] =	vst v45  }
0x30: {  	v47 =	vadd.s32 $0x3, v1;
	[tilespmem:$0x610] =	vst v46  }
0x31: {  	v48 =	vadd.s32 $0x4, v1;
	v1 =	vmul.u32 $0x5, v49;
	[tilespmem:$0x810] =	vst v47  }
0x32: {  	v53 =	vld [tilespmem:$0x40];
	v2 =	vmul.u32 $0x5, v44;
	[tilespmem:$0xA10] =	vst v48  }
0x33: {  	[tilespmem:$0x230] =	vst v1  }
0x34: {  	v54 =	vadd.s32 $0x1, v1;
	[tilespmem:$0x220] =	vst v2  }
0x35: {  	v55 =	vadd.s32 $0x2, v1;
	[tilespmem:$0x430] =	vst v54  }
0x36: {  	v56 =	vadd.s32 $0x3, v1;
	[tilespmem:$0x630] =	vst v55  }
0x37: {  	v0 =	vmul.u32 $0x5, v53;
	v1 =	vadd.s32 $0x4, v1;
	[tilespmem:$0x830] =	vst v56  }
0x38: {  	[tilespmem:$0xA30] =	vst v1  }
0x39: {  	v50 =	vadd.s32 $0x1, v2;
	[tilespmem:$0x240] =	vst v0  }
0x3a: {  	v51 =	vadd.s32 $0x2, v2;
	[tilespmem:$0x420] =	vst v50  }
0x3b: {  	v61 =	vld [tilespmem:$0x60];
	v52 =	vadd.s32 $0x3, v2;
	[tilespmem:$0x620] =	vst v51  }
0x3c: {  	v57 =	vld [tilespmem:$0x50];
	v2 =	vadd.s32 $0x4, v2;
	[tilespmem:$0x820] =	vst v52  }
0x3d: {  	v58 =	vadd.s32 $0x1, v0;
	[tilespmem:$0xA20] =	vst v2  }
0x3e: {  	v59 =	vadd.s32 $0x2, v0;
	[tilespmem:$0x440] =	vst v58  }
0x3f: {  	v60 =	vadd.s32 $0x3, v0;
	[tilespmem:$0x640] =	vst v59  }
0x40: {  	v0 =	vadd.s32 $0x4, v0;
	v1 =	vmul.u32 $0x5, v61;
	[tilespmem:$0x840] =	vst v60  }
0x41: {  	v10 =	vld [tilespmem:$0x80];
	v2 =	vmul.u32 $0x5, v57;
	[tilespmem:$0xA40] =	vst v0  }
0x42: {  	[tilespmem:$0x260] =	vst v1  }
0x43: {  	v7 =	vadd.s32 $0x1, v1;
	[tilespmem:$0x250] =	vst v2  }
0x44: {  	v8 =	vadd.s32 $0x2, v1;
	[tilespmem:$0x460] =	vst v7  }
0x45: {  	v9 =	vadd.s32 $0x3, v1;
	[tilespmem:$0x660] =	vst v8  }
0x46: {  	v0 =	vmul.u32 $0x5, v10;
	v1 =	vadd.s32 $0x4, v1;
	[tilespmem:$0x860] =	vst v9  }
0x47: {  	[tilespmem:$0xA60] =	vst v1  }
0x48: {  	v62 =	vadd.s32 $0x1, v2;
	[tilespmem:$0x280] =	vst v0  }
0x49: {  	v63 =	vadd.s32 $0x2, v2;
	[tilespmem:$0x450] =	vst v62  }
0x4a: {  	v6 =	vld [tilespmem:$0x70];
	v4 =	vadd.s32 $0x3, v2;
	[tilespmem:$0x650] =	vst v63  }
0x4b: {  	v19 =	vld [tilespmem:$0xA0];
	v5 =	vadd.s32 $0x4, v2;
	[tilespmem:$0x850] =	vst v4  }
0x4c: {  	v16 =	vadd.s32 $0x1, v0;
	[tilespmem:$0xA50] =	vst v5  }
0x4d: {  	v17 =	vadd.s32 $0x2, v0;
	[tilespmem:$0x480] =	vst v16  }
0x4e: {  	v18 =	vadd.s32 $0x3, v0;
	[tilespmem:$0x680] =	vst v17  }
0x4f: {  	v2 =	vmul.u32 $0x5, v6;
	v0 =	vadd.s32 $0x4, v0;
	[tilespmem:$0x880] =	vst v18  }
0x50: {  	v1 =	vmul.u32 $0x5, v19;
	[tilespmem:$0xA80] =	vst v0  }
0x51: {  	[tilespmem:$0x270] =	vst v2  }
0x52: {  	v11 =	vadd.s32 $0x1, v2;
	[tilespmem:$0x2A0] =	vst v1  }
0x53: {  	v12 =	vadd.s32 $0x2, v2;
	[tilespmem:$0x470] =	vst v11  }
0x54: {  	v28 =	vld [tilespmem:$0xC0];
	v13 =	vadd.s32 $0x3, v2;
	[tilespmem:$0x670] =	vst v12  }
0x55: {  	v15 =	vld [tilespmem:$0x90];
	v14 =	vadd.s32 $0x4, v2;
	[tilespmem:$0x870] =	vst v13  }
0x56: {  	v25 =	vadd.s32 $0x1, v1;
	[tilespmem:$0xA70] =	vst v14  }
0x57: {  	v26 =	vadd.s32 $0x2, v1;
	[tilespmem:$0x4A0] =	vst v25  }
0x58: {  	v27 =	vadd.s32 $0x3, v1;
	[tilespmem:$0x6A0] =	vst v26  }
0x59: {  	v0 =	vmul.u32 $0x5, v28;
	v1 =	vadd.s32 $0x4, v1;
	[tilespmem:$0x8A0] =	vst v27  }
0x5a: {  	v2 =	vmul.u32 $0x5, v15;
	[tilespmem:$0xAA0] =	vst v1  }
0x5b: {  	[tilespmem:$0x2C0] =	vst v0  }
0x5c: {  	v34 =	vadd.s32 $0x1, v0;
	[tilespmem:$0x290] =	vst v2  }
0x5d: {  	v35 =	vadd.s32 $0x2, v0;
	[tilespmem:$0x4C0] =	vst v34  }
0x5e: {  	v37 =	vld [tilespmem:$0xE0];
	v36 =	vadd.s32 $0x3, v0;
	[tilespmem:$0x6C0] =	vst v35  }
0x5f: {  	v24 =	vld [tilespmem:$0xB0];
	v0 =	vadd.s32 $0x4, v0;
	[tilespmem:$0x8C0] =	vst v36  }
0x60: {  	v20 =	vadd.s32 $0x1, v2;
	[tilespmem:$0xAC0] =	vst v0  }
0x61: {  	v21 =	vadd.s32 $0x2, v2;
	[tilespmem:$0x490] =	vst v20  }
0x62: {  	v22 =	vadd.s32 $0x3, v2;
	[tilespmem:$0x690] =	vst v21  }
0x63: {  	v1 =	vmul.u32 $0x5, v37;
	v23 =	vadd.s32 $0x4, v2;
	[tilespmem:$0x890] =	vst v22  }
0x64: {  	v46 =	vld [tilespmem:$0x100];
	v2 =	vmul.u32 $0x5, v24;
	[tilespmem:$0xA90] =	vst v23  }
0x65: {  	[tilespmem:$0x2E0] =	vst v1  }
0x66: {  	v43 =	vadd.s32 $0x1, v1;
	[tilespmem:$0x2B0] =	vst v2  }
0x67: {  	v44 =	vadd.s32 $0x2, v1;
	[tilespmem:$0x4E0] =	vst v43  }
0x68: {  	v45 =	vadd.s32 $0x3, v1;
	[tilespmem:$0x6E0] =	vst v44  }
0x69: {  	v0 =	vmul.u32 $0x5, v46;
	v1 =	vadd.s32 $0x4, v1;
	[tilespmem:$0x8E0] =	vst v45  }
0x6a: {  	[tilespmem:$0xAE0] =	vst v1  }
0x6b: {  	v29 =	vadd.s32 $0x1, v2;
	[tilespmem:$0x300] =	vst v0  }
0x6c: {  	v30 =	vadd.s32 $0x2, v2;
	[tilespmem:$0x4B0] =	vst v29  }
0x6d: {  	v33 =	vld [tilespmem:$0xD0];
	v31 =	vadd.s32 $0x3, v2;
	[tilespmem:$0x6B0] =	vst v30  }
0x6e: {  	v55 =	vld [tilespmem:$0x120];
	v32 =	vadd.s32 $0x4, v2;
	[tilespmem:$0x8B0] =	vst v31  }
0x6f: {  	v52 =	vadd.s32 $0x1, v0;
	[tilespmem:$0xAB0] =	vst v32  }
0x70: {  	v53 =	vadd.s32 $0x2, v0;
	[tilespmem:$0x500] =	vst v52  }
0x71: {  	v54 =	vadd.s32 $0x3, v0;
	[tilespmem:$0x700] =	vst v53  }
0x72: {  	v2 =	vmul.u32 $0x5, v33;
	v0 =	vadd.s32 $0x4, v0;
	[tilespmem:$0x900] =	vst v54  }
0x73: {  	v1 =	vmul.u32 $0x5, v55;
	[tilespmem:$0xB00] =	vst v0  }
0x74: {  	[tilespmem:$0x2D0] =	vst v2  }
0x75: {  	v38 =	vadd.s32 $0x1, v2;
	[tilespmem:$0x320] =	vst v1  }
0x76: {  	v39 =	vadd.s32 $0x2, v2;
	[tilespmem:$0x4D0] =	vst v38  }
0x77: {  	v4 =	vld [tilespmem:$0x140];
	v40 =	vadd.s32 $0x3, v2;
	[tilespmem:$0x6D0] =	vst v39  }
0x78: {  	v42 =	vld [tilespmem:$0xF0];
	v41 =	vadd.s32 $0x4, v2;
	[tilespmem:$0x8D0] =	vst v40  }
0x79: {  	v61 =	vadd.s32 $0x1, v1;
	[tilespmem:$0xAD0] =	vst v41  }
0x7a: {  	v62 =	vadd.s32 $0x2, v1;
	[tilespmem:$0x520] =	vst v61  }
0x7b: {  	v63 =	vadd.s32 $0x3, v1;
	[tilespmem:$0x720] =	vst v62  }
0x7c: {  	v0 =	vmul.u32 $0x5, v4;
	v1 =	vadd.s32 $0x4, v1;
	[tilespmem:$0x920] =	vst v63  }
0x7d: {  	v2 =	vmul.u32 $0x5, v42;
	[tilespmem:$0xB20] =	vst v1  }
0x7e: {  	[tilespmem:$0x340] =	vst v0  }
0x7f: {  	v10 =	vadd.s32 $0x1, v0;
	[tilespmem:$0x2F0] =	vst v2  }
0x80: {  	v11 =	vadd.s32 $0x2, v0;
	[tilespmem:$0x540] =	vst v10  }
0x81: {  	v13 =	vld [tilespmem:$0x160];
	v12 =	vadd.s32 $0x3, v0;
	[tilespmem:$0x740] =	vst v11  }
0x82: {  	v51 =	vld [tilespmem:$0x110];
	v0 =	vadd.s32 $0x4, v0;
	[tilespmem:$0x940] =	vst v12  }
0x83: {  	v47 =	vadd.s32 $0x1, v2;
	[tilespmem:$0xB40] =	vst v0  }
0x84: {  	v48 =	vadd.s32 $0x2, v2;
	[tilespmem:$0x4F0] =	vst v47  }
0x85: {  	v49 =	vadd.s32 $0x3, v2;
	[tilespmem:$0x6F0] =	vst v48  }
0x86: {  	v1 =	vmul.u32 $0x5, v13;
	v50 =	vadd.s32 $0x4, v2;
	[tilespmem:$0x8F0] =	vst v49  }
0x87: {  	v22 =	vld [tilespmem:$0x180];
	v2 =	vmul.u32 $0x5, v51;
	[tilespmem:$0xAF0] =	vst v50  }
0x88: {  	[tilespmem:$0x360] =	vst v1  }
0x89: {  	v19 =	vadd.s32 $0x1, v1;
	[tilespmem:$0x310] =	vst v2  }
0x8a: {  	v20 =	vadd.s32 $0x2, v1;
	[tilespmem:$0x560] =	vst v19  }
0x8b: {  	v21 =	vadd.s32 $0x3, v1;
	[tilespmem:$0x760] =	vst v20  }
0x8c: {  	v0 =	vmul.u32 $0x5, v22;
	v1 =	vadd.s32 $0x4, v1;
	[tilespmem:$0x960] =	vst v21  }
0x8d: {  	[tilespmem:$0xB60] =	vst v1  }
0x8e: {  	v56 =	vadd.s32 $0x1, v2;
	[tilespmem:$0x380] =	vst v0  }
0x8f: {  	v57 =	vadd.s32 $0x2, v2;
	[tilespmem:$0x510] =	vst v56  }
0x90: {  	v60 =	vld [tilespmem:$0x130];
	v58 =	vadd.s32 $0x3, v2;
	[tilespmem:$0x710] =	vst v57  }
0x91: {  	v31 =	vld [tilespmem:$0x1A0];
	v59 =	vadd.s32 $0x4, v2;
	[tilespmem:$0x910] =	vst v58  }
0x92: {  	v28 =	vadd.s32 $0x1, v0;
	[tilespmem:$0xB10] =	vst v59  }
0x93: {  	v29 =	vadd.s32 $0x2, v0;
	[tilespmem:$0x580] =	vst v28  }
0x94: {  	v30 =	vadd.s32 $0x3, v0;
	[tilespmem:$0x780] =	vst v29  }
0x95: {  	v2 =	vmul.u32 $0x5, v60;
	v0 =	vadd.s32 $0x4, v0;
	[tilespmem:$0x980] =	vst v30  }
0x96: {  	v1 =	vmul.u32 $0x5, v31;
	[tilespmem:$0xB80] =	vst v0  }
0x97: {  	[tilespmem:$0x330] =	vst v2  }
0x98: {  	v5 =	vadd.s32 $0x1, v2;
	[tilespmem:$0x3A0] =	vst v1  }
0x99: {  	v6 =	vadd.s32 $0x2, v2;
	[tilespmem:$0x530] =	vst v5  }
0x9a: {  	v54 =	vld [tilespmem:$0x1F0];
	v7 =	vadd.s32 $0x3, v2;
	[tilespmem:$0x730] =	vst v6  }
0x9b: {  	v9 =	vld [tilespmem:$0x150];
	v8 =	vadd.s32 $0x4, v2;
	[tilespmem:$0x930] =	vst v7  }
0x9c: {  	v40 =	vld [tilespmem:$0x1C0];
	v37 =	vadd.s32 $0x1, v1;
	[tilespmem:$0xB30] =	vst v8  }
0x9d: {  	v38 =	vadd.s32 $0x2, v1;
	[tilespmem:$0x5A0] =	vst v37  }
0x9e: {  	v39 =	vadd.s32 $0x3, v1;
	[tilespmem:$0x7A0] =	vst v38  }
0x9f: {  	v59 =	vmul.u32 $0x5, v54;
	v1 =	vadd.s32 $0x4, v1;
	[tilespmem:$0x9A0] =	vst v39  }
0xa0: {  	v2 =	vmul.u32 $0x5, v9;
	[tilespmem:$0xBA0] =	vst v1  }
0xa1: {  	v0 =	vmul.u32 $0x5, v40;
	[tilespmem:$0x3F0] =	vst v59  }
0xa2: {  	[tilespmem:$0x350] =	vst v2  }
0xa3: {  	v60 =	vadd.s32 $0x1, v59;
	[tilespmem:$0x3C0] =	vst v0  }
0xa4: {  	v61 =	vadd.s32 $0x2, v59;
	[tilespmem:$0x5F0] =	vst v60  }
0xa5: {  	v62 =	vadd.s32 $0x3, v59;
	[tilespmem:$0x7F0] =	vst v61  }
0xa6: {  	v63 =	vadd.s32 $0x4, v59;
	[tilespmem:$0x9F0] =	vst v62  }
0xa7: {  	v14 =	vadd.s32 $0x1, v2;
	[tilespmem:$0xBF0] =	vst v63  }
0xa8: {  	v15 =	vadd.s32 $0x2, v2;
	[tilespmem:$0x550] =	vst v14  }
0xa9: {  	v18 =	vld [tilespmem:$0x170];
	v16 =	vadd.s32 $0x3, v2;
	[tilespmem:$0x750] =	vst v15  }
0xaa: {  	v49 =	vld [tilespmem:$0x1E0];
	v17 =	vadd.s32 $0x4, v2;
	[tilespmem:$0x950] =	vst v16  }
0xab: {  	v46 =	vadd.s32 $0x1, v0;
	[tilespmem:$0xB50] =	vst v17  }
0xac: {  	v47 =	vadd.s32 $0x2, v0;
	[tilespmem:$0x5C0] =	vst v46  }
0xad: {  	v48 =	vadd.s32 $0x3, v0;
	[tilespmem:$0x7C0] =	vst v47  }
0xae: {  	v2 =	vmul.u32 $0x5, v18;
	v0 =	vadd.s32 $0x4, v0;
	[tilespmem:$0x9C0] =	vst v48  }
0xaf: {  	v1 =	vmul.u32 $0x5, v49;
	[tilespmem:$0xBC0] =	vst v0  }
0xb0: {  	[tilespmem:$0x370] =	vst v2  }
0xb1: {  	v23 =	vadd.s32 $0x1, v2;
	[tilespmem:$0x3E0] =	vst v1  }
0xb2: {  	v24 =	vadd.s32 $0x2, v2;
	[tilespmem:$0x570] =	vst v23  }
0xb3: {  	v27 =	vld [tilespmem:$0x190];
	v25 =	vadd.s32 $0x3, v2;
	[tilespmem:$0x770] =	vst v24  }
0xb4: {  	v26 =	vadd.s32 $0x4, v2;
	[tilespmem:$0x970] =	vst v25  }
0xb5: {  	v55 =	vadd.s32 $0x1, v1;
	[tilespmem:$0xB70] =	vst v26  }
0xb6: {  	v56 =	vadd.s32 $0x2, v1;
	[tilespmem:$0x5E0] =	vst v55  }
0xb7: {  	v57 =	vadd.s32 $0x3, v1;
	[tilespmem:$0x7E0] =	vst v56  }
0xb8: {  	v36 =	vld [tilespmem:$0x1B0];
	v2 =	vmul.u32 $0x5, v27;
	v58 =	vadd.s32 $0x4, v1;
	[tilespmem:$0x9E0] =	vst v57  }
0xb9: {  	[tilespmem:$0xBE0] =	vst v58  }
0xba: {  	[tilespmem:$0x390] =	vst v2;
	v32 =	vadd.s32 $0x1, v2  }
0xbb: {  	v33 =	vadd.s32 $0x2, v2;
	[tilespmem:$0x590] =	vst v32  }
0xbc: {  	v34 =	vadd.s32 $0x3, v2;
	[tilespmem:$0x790] =	vst v33  }
0xbd: {  	v45 =	vld [tilespmem:$0x1D0];
	v35 =	vadd.s32 $0x4, v2;
	v2 =	vmul.u32 $0x5, v36;
	[tilespmem:$0x990] =	vst v34  }
0xbe: {  	[tilespmem:$0xB90] =	vst v35  }
0xbf: {  	[tilespmem:$0x3B0] =	vst v2;
	v41 =	vadd.s32 $0x1, v2  }
0xc0: {  	v42 =	vadd.s32 $0x2, v2;
	[tilespmem:$0x5B0] =	vst v41  }
0xc1: {  	v43 =	vadd.s32 $0x3, v2;
	[tilespmem:$0x7B0] =	vst v42  }
0xc2: {  	v44 =	vadd.s32 $0x4, v2;
	v2 =	vmul.u32 $0x5, v45;
	[tilespmem:$0x9B0] =	vst v43  }
0xc3: {  	[tilespmem:$0xBB0] =	vst v44  }
0xc4: {  	[tilespmem:$0x3D0] =	vst v2;
	v50 =	vadd.s32 $0x1, v2  }
0xc5: {  	s12 =	rddreg [dreg:$0x9];
	v51 =	vadd.s32 $0x2, v2;
	[tilespmem:$0x5D0] =	vst v50  }
0xc6: {  	s10 =	rddreg [dreg:$0xa];
	v52 =	vadd.s32 $0x3, v2;
	[tilespmem:$0x7D0] =	vst v51  }
0xc7: {  	s11 =	rddreg [dreg:$0xb];
	v53 =	vadd.s32 $0x4, v2;
	[tilespmem:$0x9D0] =	vst v52  }
0xc8: {  	s1 =	rddreg [dreg:$0xc];
	[tilespmem:$0xBD0] =	vst v53  }
0xc9: {  	[tilespmem:s7], [sflag:$0x1] =	stream.indirect.gather [hbm4b:s3+s6], $0x1, s12, s6, $0xb8;
	[tilespmem:$0x1600] =	vst v63  }
0xca: {  	s12 =	rddreg [dreg:$0xf]  }
0xcb: {  	[tilespmem:s11], [sflag:$0x1] =	stream.indirect.gather [hbm4b:s3+s6], $0x1, s10, s6, $0xb8;
	[tilespmem:$0x1600] =	vst v63  }
0xcc: {  	s10 =	rddreg [dreg:$0xd]  }
0xcd: {  	s11 =	rddreg [dreg:$0xe]  }
0xce: {  	[tilespmem:s10], [sflag:$0x1] =	stream.indirect.gather [hbm4b:s3+s6], $0x1, s1, s6, $0xb8;
	[tilespmem:$0x1600] =	vst v63  }
0xcf: {  	s10 =	rddreg [dreg:$0x10]  }
0xd0: {  	s1 =	rddreg [dreg:$0x13]  }
0xd1: {  	[tilespmem:s12], [sflag:$0x1] =	stream.indirect.gather [hbm4b:s3+s6], $0x1, s11, s6, $0xb8;
	[tilespmem:$0x1600] =	vst v63  }
0xd2: {  	s11 =	rddreg [dreg:$0x11]  }
0xd3: {  	s12 =	rddreg [dreg:$0x12]  }
0xd4: {  	[tilespmem:s8], [sflag:$0x1] =	stream.indirect.gather [hbm4b:s3+s6], $0x1, s10, s6, $0xb8;
	[tilespmem:$0x1600] =	vst v63  }
0xd5: {  	s10 =	rddreg [dreg:$0x14]  }
0xd6: {  	[tilespmem:s12], [sflag:$0x1] =	stream.indirect.gather [hbm4b:s3+s6], $0x1, s11, s6, $0xb8;
	[tilespmem:$0x1600] =	vst v63  }
0xd7: {  	s11 =	rddreg [dreg:$0x15]  }
0xd8: {  	[tilespmem:s10], [sflag:$0x1] =	stream.indirect.gather [hbm4b:s3+s6], $0x1, s1, s6, $0xb8;
	[tilespmem:$0x1600] =	vst v63  }
0xd9: {  	s12 =	rddreg [dreg:$0x16]  }
0xda: {  	[tilespmem:s12], [sflag:$0x1] =	stream.indirect.gather [hbm4b:s3+s6], $0x1, s11, s6, $0xb8;
	[tilespmem:$0x1600] =	vst v63  }
0xdb: {  	s10 =	rddreg [dreg:$0x17]  }
0xdc: {  	[tilespmem:s9], [sflag:$0x1] =	stream.indirect.gather [hbm4b:s3+s6], $0x1, s10, s6, $0xb8;
	[tilespmem:$0x1600] =	vst v63  }
0xdd: {  	s11 =	rddreg [dreg:$0x18];
	s12 =	simm.s32 $0x1080  }
0xde: {  	[tilespmem:s12], [sflag:$0x1] =	stream.indirect.gather [hbm4b:s3+s6], $0x1, s11, s6, $0xb8;
	[tilespmem:$0x1600] =	vst v63  }
0xdf: {  	s11 =	simm.s32 $0x700;
	s12 =	simm.s32 $0x1100  }
0xe0: {  	[tilespmem:s12], [sflag:$0x1] =	stream.indirect.gather [hbm4b:s3+s6], $0x1, s11, s6, $0xb8;
	[tilespmem:$0x1600] =	vst v63  }
0xe1: {  	_ = 	snop  }
0xe2: {  	[tilespmem:s14], [sflag:$0x1] =	stream.indirect.gather [hbm4b:s3+s6], $0x1, s13, s6, $0xb8;
	[tilespmem:$0x1600] =	vst v63  }
0xe3: {  	_ = 	snop  }
0xe4: {  	[tilespmem:s16], [sflag:$0x1] =	stream.indirect.gather [hbm4b:s3+s6], $0x1, s15, s6, $0xb8;
	[tilespmem:$0x1600] =	vst v63  }
0xe5: {  	_ = 	snop  }
0xe6: {  	[tilespmem:s18], [sflag:$0x1] =	stream.indirect.gather [hbm4b:s3+s6], $0x1, s17, s6, $0xb8;
	[tilespmem:$0x1600] =	vst v63  }
0xe7: {  	_ = 	snop  }
0xe8: {  	[tilespmem:s20], [sflag:$0x1] =	stream.indirect.gather [hbm4b:s3+s6], $0x1, s19, s6, $0xb8;
	[tilespmem:$0x1600] =	vst v63  }
0xe9: {  	_ = 	snop  }
0xea: {  	[tilespmem:s22], [sflag:$0x1] =	stream.indirect.gather [hbm4b:s3+s6], $0x1, s21, s6, $0xb8;
	[tilespmem:$0x1600] =	vst v63  }
0xeb: {  	_ = 	snop  }
0xec: {  	[tilespmem:s24], [sflag:$0x1] =	stream.indirect.gather [hbm4b:s3+s6], $0x1, s23, s6, $0xb8;
	[tilespmem:$0x1600] =	vst v63  }
0xed: {  	_ = 	snop  }
0xee: {  	[tilespmem:s26], [sflag:$0x1] =	stream.indirect.gather [hbm4b:s3+s6], $0x1, s25, s6, $0xb8;
	[tilespmem:$0x1600] =	vst v63  }
0xef: {  	_ = 	snop  }
0xf0: {  	[tilespmem:s29], [sflag:$0x1] =	stream.indirect.gather [hbm4b:s3+s6], $0x1, s28, s6, $0xb8;
	[tilespmem:$0x1600] =	vst v63  }
0xf1: {  	_ = 	snop  }
0xf2: {  	[tilespmem:s31], [sflag:$0x1] =	stream.indirect.gather [hbm4b:s3+s6], $0x1, s30, s6, $0xb8;
	[tilespmem:$0x1600] =	vst v63  }
0xf3: {  	_ =	swait.ge [sflag:s0], $0x80  }
0xf4: {  	[sflag:s0] =	ssyncset.done $0x0  }
0xf5: {  	[sflag:s0] =	ssyncadd.s32 $0xFFFFFF80  }
0xf6: {  	_ =	swait.ge [sflag:s0], $0x80  }
0xf7: {  	[sflag:s0] =	ssyncset.done $0x0  }
0xf8: {  	[sflag:s0] =	ssyncadd.s32 $0xFFFFFF80  }
0xf9: {  	_ =	swait.ge [sflag:s0], $0x80  }
0xfa: {  	[sflag:s0] =	ssyncset.done $0x0  }
0xfb: {  	[sflag:s0] =	ssyncadd.s32 $0xFFFFFF80  }
0xfc: {  	_ =	swait.ge [sflag:s0], $0x80  }
0xfd: {  	[sflag:s0] =	ssyncset.done $0x0  }
0xfe: {  	[sflag:s0] =	ssyncadd.s32 $0xFFFFFF80  }
0xff: {  	_ =	swait.ge [sflag:s0], $0x80  }
0x100: {  	[sflag:s0] =	ssyncset.done $0x0  }
0x101: {  	[sflag:s0] =	ssyncadd.s32 $0xFFFFFF80  }
0x102: {  	_ =	swait.ge [sflag:s0], $0x80  }
0x103: {  	[sflag:s0] =	ssyncset.done $0x0  }
0x104: {  	[sflag:s0] =	ssyncadd.s32 $0xFFFFFF80  }
0x105: {  	_ =	swait.ge [sflag:s0], $0x80  }
0x106: {  	[sflag:s0] =	ssyncset.done $0x0  }
0x107: {  	[sflag:s0] =	ssyncadd.s32 $0xFFFFFF80  }
0x108: {  	_ =	swait.ge [sflag:s0], $0x80  }
0x109: {  	[sflag:s0] =	ssyncset.done $0x0  }
0x10a: {  	[sflag:s0] =	ssyncadd.s32 $0xFFFFFF80  }
0x10b: {  	_ =	swait.ge [sflag:s0], $0x80  }
0x10c: {  	[sflag:s0] =	ssyncset.done $0x0  }
0x10d: {  	[sflag:s0] =	ssyncadd.s32 $0xFFFFFF80  }
0x10e: {  	_ =	swait.ge [sflag:s0], $0x80  }
0x10f: {  	[sflag:s0] =	ssyncset.done $0x0  }
0x110: {  	[sflag:s0] =	ssyncadd.s32 $0xFFFFFF80  }
0x111: {  	_ =	swait.ge [sflag:s0], $0x80  }
0x112: {  	[sflag:s0] =	ssyncset.done $0x0  }
0x113: {  	[sflag:s0] =	ssyncadd.s32 $0xFFFFFF80  }
0x114: {  	_ =	swait.ge [sflag:s0], $0x80  }
0x115: {  	[sflag:s0] =	ssyncset.done $0x0  }
0x116: {  	[sflag:s0] =	ssyncadd.s32 $0xFFFFFF80  }
0x117: {  	_ =	swait.ge [sflag:s0], $0x80  }
0x118: {  	[sflag:s0] =	ssyncset.done $0x0  }
0x119: {  	[sflag:s0] =	ssyncadd.s32 $0xFFFFFF80  }
0x11a: {  	_ =	swait.ge [sflag:s0], $0x80  }
0x11b: {  	[sflag:s0] =	ssyncset.done $0x0  }
0x11c: {  	[sflag:s0] =	ssyncadd.s32 $0xFFFFFF80  }
0x11d: {  	_ =	swait.ge [sflag:s0], $0x80  }
0x11e: {  	[sflag:s0] =	ssyncset.done $0x0  }
0x11f: {  	[sflag:s0] =	ssyncadd.s32 $0xFFFFFF80  }
0x120: {  	_ =	swait.ge [sflag:s0], $0x80  }
0x121: {  	[sflag:s0] =	ssyncset.done $0x0  }
0x122: {  	[sflag:s0] =	ssyncadd.s32 $0xFFFFFF80  }
0x123: {  	_ =	swait.ge [sflag:s0], $0x80  }
0x124: {  	[sflag:s0] =	ssyncset.done $0x0  }
0x125: {  	[sflag:s0] =	ssyncadd.s32 $0xFFFFFF80  }
0x126: {  	_ =	swait.ge [sflag:s0], $0x80  }
0x127: {  	[sflag:s0] =	ssyncset.done $0x0  }
0x128: {  	[sflag:s0] =	ssyncadd.s32 $0xFFFFFF80  }
0x129: {  	_ =	swait.ge [sflag:s0], $0x80  }
0x12a: {  	[sflag:s0] =	ssyncset.done $0x0  }
0x12b: {  	[sflag:s0] =	ssyncadd.s32 $0xFFFFFF80  }
0x12c: {  	_ =	swait.ge [sflag:s0], $0x80  }
0x12d: {  	[sflag:s0] =	ssyncset.done $0x0  }
0x12e: {  	s11 =	rddreg [dreg:$0x4];
	[sflag:s0] =	ssyncadd.s32 $0xFFFFFF80  }
0x12f: {  	[hbm4b:s11+s2] =	stream.linear.scatter [tilespmem:s7], [sflag:$0x2], $0x200, $0x38;
	[tilespmem:$0x1600] =	vst v63  }
0x130: {  	_ =	swait.ge [sflag:s5], $0x200  }
0x131: {  	[sflag:s5] =	ssyncset.done $0x0  }
0x132: {  	s12 =	rddreg [dreg:$0x5];
	[sflag:s5] =	ssyncadd.s32 $0xFFFFFE00  }
0x133: {  	[hbm4b:s12+s2] =	stream.linear.scatter [tilespmem:s8], [sflag:$0x2], $0x200, $0x38;
	[tilespmem:$0x1600] =	vst v63  }
0x134: {  	_ =	swait.ge [sflag:s5], $0x200  }
0x135: {  	[sflag:s5] =	ssyncset.done $0x0  }
0x136: {  	s10 =	rddreg [dreg:$0x6];
	[sflag:s5] =	ssyncadd.s32 $0xFFFFFE00  }
0x137: {  	[hbm4b:s10+s2] =	stream.linear.scatter [tilespmem:s9], [sflag:$0x2], $0x200, $0x38;
	[tilespmem:$0x1600] =	vst v63  }
0x138: {  	_ =	swait.ge [sflag:s5], $0x200  }
0x139: {  	[sflag:s5] =	ssyncset.done $0x0  }
0x13a: {  	s11 =	rddreg [dreg:$0x7];
	[sflag:s5] =	ssyncadd.s32 $0xFFFFFE00  }
0x13b: {  	[hbm4b:s11+s2] =	stream.linear.scatter [tilespmem:s16], [sflag:$0x2], $0x200, $0x38;
	[tilespmem:$0x1600] =	vst v63  }
0x13c: {  	_ =	swait.ge [sflag:s5], $0x200  }
0x13d: {  	p0 =	sne.s32 s4, $0x1;
	[sflag:s5] =	ssyncset.done $0x0  }
.Ltmp0:
0x13e: {  	s12 =	rddreg [dreg:$0x8];
	[sflag:s5] =	ssyncadd.s32 $0xFFFFFE00;
	(pc) =	sbr.rel @p0 .LBB2_1-.Ltmp0, $4  }
0x13f: {  	[hbm4b:s12+s2] =	stream.linear.scatter [tilespmem:s24], [sflag:$0x2], $0x200, $0x38;
	[tilespmem:$0x1600] =	vst v63  }
0x140: {  	_ =	swait.ge [sflag:s5], $0x200  }
0x141: {  	[sflag:s5] =	ssyncset.done $0x0  }
0x142: {  	s4 =	sadd.s32 $0xFFFFFFFF, s4;
	[sflag:s5] =	ssyncadd.s32 $0xFFFFFE00  }
0x143: {  	_ =	sfence.sel $0x180000  }
0x144: {  	[bflag:$0x0] =	sbarrier.arrive $0xFFFF  }
0x145: {  	_ =	strace $0x90000047  }
0x146: {  	s0 =	stileid.u32;
	[bflag:$0x2] =	sbarrier.arrive $0xFFFF  }
0x147: {  	p0 =	sne.s32 s0, $0x0;
	s0 =	rddreg [dreg:$0x2]  }
0x148: {  	s0 =	sadd.s32 @!p0 $0x100000, s0  }
0x149: {  	[sflag:s0] =	ssyncadd.tile.s32 @!p0 $0x1;
	_ =	shalt  }
.Lfunc_end2:
_tile_overlayer_lowered:
.L_overlay_start_2:
0x14a: {  	(tag) =	ssettag $0x2  }
0x14b: {  	s0 =	rddreg [dreg:$0x0];
	s2 =	stileid.u32  }
0x14c: {  	s1 =	rddreg [dreg:$0x1];
	p0 =	sne.s32 s2, $0x0  }
0x14d: {  	s3 =	rddreg [dreg:$0x2];
	[bflag:$0x3] =	sbarrier.arrive $0xFFFF;
	s2 =	simm.s32 @!p0 $0x1C02  }
0x14e: {  	[timem:s3], [sflag:s2] =	dma.local @!p0 [hbm:s0], s1  }
0x14f: {  	s0 =	simm.s32 @!p0 $0x2  }
0x150: {  	_ =	swait.ge @!p0 [sflag:s0], s1  }
0x151: {  	s1 =	ssub.s32 @!p0 $0x0, s1;
	[sflag:s0] =	ssyncset.done @!p0 $0x0  }
0x152: {  	[sflag:s0] =	ssyncadd.s32 @!p0 s1  }
0x153: {  	[bflag:$0x3] =	sbarrier.arrive $0xFFFF  }
0x154: {  	_ =	shalt  }

</sc_bundles>
